<compile_context>
chip_gen: v7x
topology: tpu7x:2x2x1
jax: 0.10.2.dev20260603
libtpu: 0.0.44.dev20260713+nightly
codegen_flags: <defaults>
</compile_context>

<pallas_src>
import functools

import jax
import jax.numpy as jnp
from jax import lax
from jax.experimental import pallas as pl
from jax.experimental.pallas import tpu as pltpu
from jax.experimental.pallas import tpu_sc as plsc

N = 10000
E = 320000
D = 128
G = 64

NC = 2
NS = 16
NW = NC * NS
EPW = E // NW
CH = 80
NFULL = EPW // CH
NPAIR = NFULL // 2
RPT = 624
RPT_LAST = N - (NS - 1) * RPT
NZF = RPT // CH
REM = RPT - NZF * CH

DW = 128

R = 400
NB = N // R

_MESH = plsc.VectorSubcoreMesh(core_axis_name="c", subcore_axis_name="s")


def _zero_acc(sid, r0, stage, acc):
    @pl.when(sid < NS - 1)
    def _():
        @pl.loop(0, NZF)
        def zc(j):
            pltpu.sync_copy(stage, acc.at[pl.ds(r0 + j * CH, CH)])
        pltpu.sync_copy(stage.at[pl.ds(0, REM)],
                        acc.at[pl.ds(r0 + NZF * CH, REM)])

    @pl.when(sid == NS - 1)
    def _():
        rl = (NS - 1) * RPT

        @pl.loop(0, RPT_LAST // CH)
        def zc(j):
            pltpu.sync_copy(stage, acc.at[pl.ds(rl + j * CH, CH)])


def _write_acc(cid, sid, r0, acc, stage, out_hbm):
    @pl.when(sid < NS - 1)
    def _():
        @pl.loop(0, NZF)
        def wc(j):
            pltpu.sync_copy(acc.at[pl.ds(r0 + j * CH, CH)], stage)
            pltpu.sync_copy(stage,
                            out_hbm.at[pl.ds(cid * N + r0 + j * CH, CH)])
        pltpu.sync_copy(acc.at[pl.ds(r0 + NZF * CH, REM)],
                        stage.at[pl.ds(0, REM)])
        pltpu.sync_copy(stage.at[pl.ds(0, REM)],
                        out_hbm.at[pl.ds(cid * N + r0 + NZF * CH, REM)])

    @pl.when(sid == NS - 1)
    def _():
        rl = (NS - 1) * RPT

        @pl.loop(0, RPT_LAST // CH)
        def wc(j):
            pltpu.sync_copy(acc.at[pl.ds(rl + j * CH, CH)], stage)
            pltpu.sync_copy(stage,
                            out_hbm.at[pl.ds(cid * N + rl + j * CH, CH)])


@functools.partial(
    pl.kernel, mesh=_MESH,
    out_type=[jax.ShapeDtypeStruct((NC * N, D), jnp.float32)],
    scratch_types=[
        pltpu.VMEM((CH,), jnp.int32),
        pltpu.VMEM((CH,), jnp.int32),
        pltpu.VMEM((CH,), jnp.int32),
        pltpu.VMEM((CH,), jnp.int32),
        pltpu.VMEM((CH, D), jnp.float32),
        pltpu.VMEM((CH, D), jnp.float32),
        pltpu.VMEM_SHARED((N, D), jnp.float32),
        pltpu.SemaphoreType.DMA,
        pltpu.SemaphoreType.DMA,
    ])
def _agg(h_hbm, src_hbm, dst_hbm, z2d_hbm, psum_hbm,
         s0, s1, d0, d1, rows0, rows1, acc, sem0, sem1):
    cid = lax.axis_index("c")
    sid = lax.axis_index("s")
    wid = cid * NS + sid
    base = wid * EPW
    r0 = sid * RPT

    pltpu.sync_copy(z2d_hbm, rows0)
    _zero_acc(sid, r0, rows0, acc)
    plsc.subcore_barrier()

    pltpu.sync_copy(src_hbm.at[pl.ds(base, CH)], s0)
    pltpu.sync_copy(dst_hbm.at[pl.ds(base, CH)], d0)
    pltpu.async_copy(h_hbm.at[s0], rows0, sem0)
    pltpu.sync_copy(src_hbm.at[pl.ds(base + CH, CH)], s1)
    pltpu.sync_copy(dst_hbm.at[pl.ds(base + CH, CH)], d1)
    pltpu.async_copy(h_hbm.at[s1], rows1, sem1)

    @pl.loop(0, NPAIR)
    def pair(i):
        c0 = 2 * i
        pltpu.make_async_copy(h_hbm.at[s0], rows0, sem0).wait()
        pltpu.sync_copy(rows0, acc.at[d0], add=True)
        pltpu.make_async_copy(h_hbm.at[s1], rows1, sem1).wait()
        pltpu.sync_copy(rows1, acc.at[d1], add=True)

        @pl.when(c0 + 2 < NFULL)
        def _():
            off = base + (c0 + 2) * CH
            pltpu.sync_copy(src_hbm.at[pl.ds(off, CH)], s0)
            pltpu.sync_copy(dst_hbm.at[pl.ds(off, CH)], d0)
            pltpu.async_copy(h_hbm.at[s0], rows0, sem0)

        @pl.when(c0 + 3 < NFULL)
        def _():
            off = base + (c0 + 3) * CH
            pltpu.sync_copy(src_hbm.at[pl.ds(off, CH)], s1)
            pltpu.sync_copy(dst_hbm.at[pl.ds(off, CH)], d1)
            pltpu.async_copy(h_hbm.at[s1], rows1, sem1)

    pltpu.make_async_copy(h_hbm.at[s0], rows0, sem0).wait()
    pltpu.sync_copy(rows0, acc.at[d0], add=True)

    plsc.subcore_barrier()
    _write_acc(cid, sid, r0, acc, rows0, psum_hbm)


def _zero_accw(sid, r0, stage, acc):
    @pl.when(sid < NS - 1)
    def _():
        @pl.loop(0, NZF)
        def zc(j):
            pltpu.sync_copy(stage, acc.at[pl.ds(r0 + j * CH, CH)])
        pltpu.sync_copy(stage.at[pl.ds(0, REM)],
                        acc.at[pl.ds(r0 + NZF * CH, REM)])

    @pl.when(sid == NS - 1)
    def _():
        rl = (NS - 1) * RPT

        @pl.loop(0, RPT_LAST // CH)
        def zc(j):
            pltpu.sync_copy(stage, acc.at[pl.ds(rl + j * CH, CH)])


def _write_accw(cid, sid, r0, acc, stage, out_hbm):
    @pl.when(sid < NS - 1)
    def _():
        @pl.loop(0, NZF)
        def wc(j):
            pltpu.sync_copy(acc.at[pl.ds(r0 + j * CH, CH)], stage)
            pltpu.sync_copy(stage,
                            out_hbm.at[pl.ds(cid * N + r0 + j * CH, CH)])
        pltpu.sync_copy(acc.at[pl.ds(r0 + NZF * CH, REM)],
                        stage.at[pl.ds(0, REM)])
        pltpu.sync_copy(stage.at[pl.ds(0, REM)],
                        out_hbm.at[pl.ds(cid * N + r0 + NZF * CH, REM)])

    @pl.when(sid == NS - 1)
    def _():
        rl = (NS - 1) * RPT

        @pl.loop(0, RPT_LAST // CH)
        def wc(j):
            pltpu.sync_copy(acc.at[pl.ds(rl + j * CH, CH)], stage)
            pltpu.sync_copy(stage,
                            out_hbm.at[pl.ds(cid * N + rl + j * CH, CH)])


@functools.partial(
    pl.kernel, mesh=_MESH,
    out_type=[jax.ShapeDtypeStruct((NC * N, DW), jnp.float32)],
    scratch_types=[
        pltpu.VMEM((CH,), jnp.int32),
        pltpu.VMEM((CH, DW), jnp.float32),
        pltpu.VMEM((CH, DW), jnp.float32),
        pltpu.VMEM_SHARED((N, DW), jnp.float32),
    ])
def _deg(dst_hbm, zw_hbm, ow_hbm, cnt_hbm, d0, stage, ones_v, acc):
    cid = lax.axis_index("c")
    sid = lax.axis_index("s")
    wid = cid * NS + sid
    base = wid * EPW
    r0 = sid * RPT

    pltpu.sync_copy(zw_hbm, stage)
    pltpu.sync_copy(ow_hbm, ones_v)
    _zero_accw(sid, r0, stage, acc)
    plsc.subcore_barrier()

    @pl.loop(0, NFULL)
    def chunk(i):
        pltpu.sync_copy(dst_hbm.at[pl.ds(base + i * CH, CH)], d0)
        pltpu.sync_copy(ones_v, acc.at[d0], add=True)

    plsc.subcore_barrier()
    _write_accw(cid, sid, r0, acc, stage, cnt_hbm)


def _dense1_body(p0, p1, c0, c1, x, wl, wr, b, h_out, rc_out):
    cnt = c0[:, 0:1] + c1[:, 0:1]
    rc = 1.0 / jnp.maximum(cnt, 1.0)
    mean = (p0[...] + p1[...]) * rc
    h = (jnp.dot(mean, wl[...], preferred_element_type=jnp.float32)
         + jnp.dot(x[...], wr[...], preferred_element_type=jnp.float32)
         + b[...])
    h_out[...] = jnp.maximum(h, 0.0)
    rc_out[...] = rc


_dense1 = pl.pallas_call(
    _dense1_body,
    grid=(NB,),
    in_specs=[
        pl.BlockSpec((R, D), lambda i: (i, 0)),
        pl.BlockSpec((R, D), lambda i: (i + NB, 0)),
        pl.BlockSpec((R, DW), lambda i: (i, 0)),
        pl.BlockSpec((R, DW), lambda i: (i + NB, 0)),
        pl.BlockSpec((R, D), lambda i: (i, 0)),
        pl.BlockSpec((D, D), lambda i: (0, 0)),
        pl.BlockSpec((D, D), lambda i: (0, 0)),
        pl.BlockSpec((1, D), lambda i: (0, 0)),
    ],
    out_specs=[pl.BlockSpec((R, D), lambda i: (i, 0)),
               pl.BlockSpec((R, 1), lambda i: (i, 0))],
    out_shape=[jax.ShapeDtypeStruct((N, D), jnp.float32),
               jax.ShapeDtypeStruct((N, 1), jnp.float32)],
)


def _dense2_body(p0, p1, rc, h1, wl, wr, b, bt, wlin, blin, out,
                 gsum, gcnt):
    i = pl.program_id(0)
    mean = (p0[...] + p1[...]) * rc[...]
    h = (jnp.dot(mean, wl[...], preferred_element_type=jnp.float32)
         + jnp.dot(h1[...], wr[...], preferred_element_type=jnp.float32)
         + b[...])
    h = jnp.maximum(h, 0.0)
    gids = lax.broadcasted_iota(jnp.int32, (R, G), 1)
    mask = (bt[...] == gids).astype(jnp.float32)
    ps = lax.dot_general(mask, h, (((0,), (0,)), ((), ())),
                         preferred_element_type=jnp.float32)
    pc = lax.dot_general(mask, jnp.ones((R, D), jnp.float32),
                         (((0,), (0,)), ((), ())),
                         preferred_element_type=jnp.float32)

    @pl.when(i == 0)
    def _():
        gsum[...] = jnp.zeros_like(gsum)
        gcnt[...] = jnp.zeros_like(gcnt)

    gsum[...] += ps
    gcnt[...] += pc

    @pl.when(i == NB - 1)
    def _():
        g = gsum[...] / jnp.maximum(gcnt[...], 1.0)
        out[...] = (jnp.dot(g, wlin[...], preferred_element_type=jnp.float32)
                    + blin[...])


_dense2 = pl.pallas_call(
    _dense2_body,
    grid=(NB,),
    in_specs=[
        pl.BlockSpec((R, D), lambda i: (i, 0)),
        pl.BlockSpec((R, D), lambda i: (i + NB, 0)),
        pl.BlockSpec((R, 1), lambda i: (i, 0)),
        pl.BlockSpec((R, D), lambda i: (i, 0)),
        pl.BlockSpec((D, D), lambda i: (0, 0)),
        pl.BlockSpec((D, D), lambda i: (0, 0)),
        pl.BlockSpec((1, D), lambda i: (0, 0)),
        pl.BlockSpec((R, 1), lambda i: (i, 0)),
        pl.BlockSpec((D, 1), lambda i: (0, 0)),
        pl.BlockSpec((1, 1), lambda i: (0, 0)),
    ],
    out_specs=pl.BlockSpec((G, 1), lambda i: (0, 0)),
    out_shape=jax.ShapeDtypeStruct((G, 1), jnp.float32),
    scratch_shapes=[pltpu.VMEM((G, D), jnp.float32),
                    pltpu.VMEM((G, D), jnp.float32)],
    compiler_params=pltpu.CompilerParams(
        dimension_semantics=("arbitrary",)),
)


def kernel(x, edge_index, batch, W1l, b1l, W1r, b1r, W2l, b2l, W2r, b2r,
           Wlin, blin):
    src = edge_index[0]
    dst = edge_index[1]
    z2d = jnp.zeros((CH, D), jnp.float32)
    zw = jnp.zeros((CH, DW), jnp.float32)
    ow = jnp.ones((CH, DW), jnp.float32)

    (ps1,) = _agg(x, src, dst, z2d)
    (cntp,) = _deg(dst, zw, ow)
    h1, rc = _dense1(ps1, ps1, cntp, cntp, x, W1l.T, W1r.T,
                     (b1l + b1r).reshape(1, D))
    (ps2,) = _agg(h1, src, dst, z2d)
    out = _dense2(ps2, ps2, rc, h1, W2l.T, W2r.T,
                  (b2l + b2r).reshape(1, D),
                  batch.reshape(N, 1), Wlin.T, blin.reshape(1, 1))
    return out.reshape(G)

# --- scband reference (transcript-rebuilt; emitter-appended) ---
"""Pipeline reference for scband-gnn-sage-11665131176188 (READ-ONLY COPY).

The authoritative reference and input builder live on the scoring server;
editing this copy changes nothing except your own understanding.
"""

import jax, jax.numpy as jnp
import numpy as np

N = 10000   # n_nodes
E = 320000  # n_edges
D = 128     # input feature dim (dataset.num_features)
H = 128     # hidden_channels
G = 64      # number of graphs in the batch


def setup_inputs(seed: int = 0) -> dict:
    key = jax.random.key(seed)
    ks = jax.random.split(key, 16)
    x = jax.random.normal(ks[0], (N, D), dtype=jnp.float32)
    edge_index = jax.random.randint(ks[1], (2, E), 0, N)
    batch = jnp.sort(jax.random.randint(ks[2], (N,), 0, G))
    s1 = 1.0 / np.sqrt(D)
    s2 = 1.0 / np.sqrt(H)
    # SAGEConv layer 1: lin_l (aggregated neighbors) and lin_r (root)
    W1l = jax.random.uniform(ks[3], (H, D), jnp.float32, -s1, s1)
    b1l = jax.random.uniform(ks[4], (H,), jnp.float32, -s1, s1)
    W1r = jax.random.uniform(ks[5], (H, D), jnp.float32, -s1, s1)
    b1r = jnp.zeros((H,), jnp.float32)
    # SAGEConv layer 2
    W2l = jax.random.uniform(ks[6], (H, H), jnp.float32, -s2, s2)
    b2l = jax.random.uniform(ks[7], (H,), jnp.float32, -s2, s2)
    W2r = jax.random.uniform(ks[8], (H, H), jnp.float32, -s2, s2)
    b2r = jnp.zeros((H,), jnp.float32)
    # final Linear(H, 1)
    Wlin = jax.random.uniform(ks[9], (1, H), jnp.float32, -s2, s2)
    blin = jax.random.uniform(ks[10], (1,), jnp.float32, -s2, s2)
    return {"x": x, "edge_index": edge_index, "batch": batch,
            "W1l": W1l, "b1l": b1l, "W1r": W1r, "b1r": b1r,
            "W2l": W2l, "b2l": b2l, "W2r": W2r, "b2r": b2r,
            "Wlin": Wlin, "blin": blin}


def _sage_conv(h, edge_index, Wl, bl, Wr, br):
    src = edge_index[0]
    dst = edge_index[1]
    msgs = jnp.take(h, src, axis=0)                                   # gather x_j
    summed = jax.ops.segment_sum(msgs, dst, num_segments=N)           # scatter-add
    cnt = jax.ops.segment_sum(jnp.ones((E,), h.dtype), dst, num_segments=N)
    mean = summed / jnp.maximum(cnt, 1.0)[:, None]                    # mean aggr
    return mean @ Wl.T + bl + h @ Wr.T + br                           # lin_l + lin_r (root weight)


def reference(x, edge_index, batch, W1l, b1l, W1r, b1r, W2l, b2l, W2r, b2r, Wlin, blin):
    h = jax.nn.relu(_sage_conv(x, edge_index, W1l, b1l, W1r, b1r))
    h = jax.nn.relu(_sage_conv(h, edge_index, W2l, b2l, W2r, b2r))
    # global_mean_pool over batch assignment
    gs = jax.ops.segment_sum(h, batch, num_segments=G)
    gc = jax.ops.segment_sum(jnp.ones((N,), h.dtype), batch, num_segments=G)
    g = gs / jnp.maximum(gc, 1.0)[:, None]
    # dropout in eval mode is identity
    out = g @ Wlin.T + blin
    return out.squeeze(-1)

if __name__ == "__main__":
    import jax
    _d = setup_inputs()
    print(jax.jit(kernel)(*tuple(_d.values())))

</pallas_src>

<mosaic_0001>
#map = affine_map<(d0, d1) -> (0, 0)>
#map1 = affine_map<(d0, d1) -> (0)>
module attributes {stable_mosaic.version = 14 : i64} {
  func.func @_agg(%arg0: i32, %arg1: i32, %arg2: memref<10000x128xf32, #tpu.memory_space<hbm>>, %arg3: memref<320000xi32, #tpu.memory_space<hbm>>, %arg4: memref<320000xi32, #tpu.memory_space<hbm>>, %arg5: memref<80x128xf32, #tpu.memory_space<hbm>>, %arg6: memref<20000x128xf32, #tpu.memory_space<hbm>>, %arg7: memref<80xi32, #tpu.memory_space<vmem>>, %arg8: memref<80xi32, #tpu.memory_space<vmem>>, %arg9: memref<80xi32, #tpu.memory_space<vmem>>, %arg10: memref<80xi32, #tpu.memory_space<vmem>>, %arg11: memref<80x128xf32, #tpu.memory_space<vmem>>, %arg12: memref<80x128xf32, #tpu.memory_space<vmem>>, %arg13: memref<10000x128xf32, #tpu.memory_space<vmem_shared>>, %arg14: memref<!tpu.dma_semaphore, #tpu.memory_space<semaphore_mem>>, %arg15: memref<!tpu.dma_semaphore, #tpu.memory_space<semaphore_mem>>) attributes {dimension_semantics = [#tpu.dimension_semantics<core_parallel>, #tpu.dimension_semantics<subcore_parallel>], iteration_bounds = array<i64: 2, 16>, scalar_prefetch = 0 : i64, scratch_operands = 9 : i64, tpu.core_type = #tpu.core_type<sc_vector_subcore>, window_params = [{transform_indices = #map}, {transform_indices = #map1}, {transform_indices = #map1}, {transform_indices = #map}, {transform_indices = #map}]} {
    %mul3A = arith.constant 16 : i32
    %mul3A_0 = arith.muli %arg0, %mul3A : i32
    %add3A = arith.addi %mul3A_0, %arg1 : i32
    %mul3A_1 = arith.constant 10000 : i32
    %mul3A_2 = arith.muli %add3A, %mul3A_1 : i32
    %mul3A_3 = arith.constant 624 : i32
    %mul3A_4 = arith.muli %arg1, %mul3A_3 : i32
    "tpu.region"() ({
      %run_scoped3A = tpu.sem_alloc : memref<!tpu.dma_semaphore, #tpu.memory_space<semaphore_mem>>
      tpu.enqueue_dma source(%arg5 : memref<80x128xf32, #tpu.memory_space<hbm>>) target(%arg11 : memref<80x128xf32, #tpu.memory_space<vmem>>) target_semaphore(%run_scoped3A : memref<!tpu.dma_semaphore, #tpu.memory_space<semaphore_mem>>)
      tpu.wait_dma2 semaphore(%run_scoped3A : memref<!tpu.dma_semaphore, #tpu.memory_space<semaphore_mem>>) src(%arg5 : memref<80x128xf32, #tpu.memory_space<hbm>>) dst(%arg11 : memref<80x128xf32, #tpu.memory_space<vmem>>)
      tpu.yield
    }) : () -> ()
    %lt3A = arith.constant 15 : i32
    %lt3A_5 = arith.cmpi slt, %arg1, %lt3A : i32
    %convert_element_type3A = arith.extui %lt3A_5 : i1 to i32
    %cond3A = arith.constant 0 : i32
    %cond3A_6 = arith.cmpi ne, %convert_element_type3A, %cond3A : i32
    scf.if %cond3A_6 {
      %scan3A_37 = arith.constant 0 : i32
      %scan3A_38 = arith.constant 7 : i32
      %scan3A_39 = arith.addi %scan3A_37, %scan3A_38 : i32
      %scan3A_40 = arith.constant 1 : i32
      scf.for %scan3A_44 = %scan3A_37 to %scan3A_39 step %scan3A_40  : i32 {
        %mul3A_45 = arith.constant 1 : i32
        %mul3A_46 = arith.muli %scan3A_44, %mul3A_45 : i32
        %add3A_47 = arith.constant 0 : i32
        %add3A_48 = arith.addi %add3A_47, %mul3A_46 : i32
        %mul3A_49 = arith.constant 80 : i32
        %mul3A_50 = arith.muli %add3A_48, %mul3A_49 : i32
        %add3A_51 = arith.addi %mul3A_4, %mul3A_50 : i32
        "tpu.region"() ({
          %run_scoped3A = tpu.sem_alloc : memref<!tpu.dma_semaphore, #tpu.memory_space<semaphore_mem>>
          %dma_start3A_52 = arith.constant 0 : i32
          %dma_start3A_53 = tpu.memref_slice %arg13[%add3A_51, %dma_start3A_52] : memref<10000x128xf32, #tpu.memory_space<vmem_shared>> -> memref<80x128xf32, #tpu.memory_space<vmem_shared>>
          %dma_start3A_54 = arith.constant 0 : i32
          %dma_start3A_55 = tpu.memref_slice %arg13[%add3A_51, %dma_start3A_54] : memref<10000x128xf32, #tpu.memory_space<vmem_shared>> -> memref<80x128xf32, #tpu.memory_space<vmem_shared>>
          tpu.enqueue_dma source(%arg11 : memref<80x128xf32, #tpu.memory_space<vmem>>) target(%dma_start3A_55 : memref<80x128xf32, #tpu.memory_space<vmem_shared>>) target_semaphore(%run_scoped3A : memref<!tpu.dma_semaphore, #tpu.memory_space<semaphore_mem>>)
          %dma_wait3A_56 = arith.constant 0 : i32
          %dma_wait3A_57 = tpu.memref_slice %arg13[%add3A_51, %dma_wait3A_56] : memref<10000x128xf32, #tpu.memory_space<vmem_shared>> -> memref<80x128xf32, #tpu.memory_space<vmem_shared>>
          %dma_wait3A_58 = arith.constant 0 : i32
          %dma_wait3A_59 = tpu.memref_slice %arg13[%add3A_51, %dma_wait3A_58] : memref<10000x128xf32, #tpu.memory_space<vmem_shared>> -> memref<80x128xf32, #tpu.memory_space<vmem_shared>>
          tpu.wait_dma2 semaphore(%run_scoped3A : memref<!tpu.dma_semaphore, #tpu.memory_space<semaphore_mem>>) src(%arg11 : memref<80x128xf32, #tpu.memory_space<vmem>>) dst(%dma_wait3A_59 : memref<80x128xf32, #tpu.memory_space<vmem_shared>>)
          tpu.yield
        }) : () -> ()
      }
      %scan3A_41 = arith.constant 7 : i32
      %add3A_42 = arith.constant 560 : i32
      %add3A_43 = arith.addi %mul3A_4, %add3A_42 : i32
      "tpu.region"() ({
        %run_scoped3A = tpu.sem_alloc : memref<!tpu.dma_semaphore, #tpu.memory_space<semaphore_mem>>
        %dma_start3A_44 = arith.constant 0 : i32
        %dma_start3A_45 = arith.constant 0 : i32
        %dma_start3A_46 = tpu.memref_slice %arg11[%dma_start3A_44, %dma_start3A_45] : memref<80x128xf32, #tpu.memory_space<vmem>> -> memref<64x128xf32, #tpu.memory_space<vmem>>
        %dma_start3A_47 = arith.constant 0 : i32
        %dma_start3A_48 = tpu.memref_slice %arg13[%add3A_43, %dma_start3A_47] : memref<10000x128xf32, #tpu.memory_space<vmem_shared>> -> memref<64x128xf32, #tpu.memory_space<vmem_shared>>
        %dma_start3A_49 = arith.constant 0 : i32
        %dma_start3A_50 = tpu.memref_slice %arg13[%add3A_43, %dma_start3A_49] : memref<10000x128xf32, #tpu.memory_space<vmem_shared>> -> memref<64x128xf32, #tpu.memory_space<vmem_shared>>
        %dma_start3A_51 = arith.constant 0 : i32
        %dma_start3A_52 = arith.constant 0 : i32
        %dma_start3A_53 = tpu.memref_slice %arg11[%dma_start3A_51, %dma_start3A_52] : memref<80x128xf32, #tpu.memory_space<vmem>> -> memref<64x128xf32, #tpu.memory_space<vmem>>
        tpu.enqueue_dma source(%dma_start3A_53 : memref<64x128xf32, #tpu.memory_space<vmem>>) target(%dma_start3A_50 : memref<64x128xf32, #tpu.memory_space<vmem_shared>>) target_semaphore(%run_scoped3A : memref<!tpu.dma_semaphore, #tpu.memory_space<semaphore_mem>>)
        %dma_wait3A_54 = arith.constant 0 : i32
        %dma_wait3A_55 = arith.constant 0 : i32
        %dma_wait3A_56 = tpu.memref_slice %arg11[%dma_wait3A_54, %dma_wait3A_55] : memref<80x128xf32, #tpu.memory_space<vmem>> -> memref<64x128xf32, #tpu.memory_space<vmem>>
        %dma_wait3A_57 = arith.constant 0 : i32
        %dma_wait3A_58 = tpu.memref_slice %arg13[%add3A_43, %dma_wait3A_57] : memref<10000x128xf32, #tpu.memory_space<vmem_shared>> -> memref<64x128xf32, #tpu.memory_space<vmem_shared>>
        %dma_wait3A_59 = arith.constant 0 : i32
        %dma_wait3A_60 = tpu.memref_slice %arg13[%add3A_43, %dma_wait3A_59] : memref<10000x128xf32, #tpu.memory_space<vmem_shared>> -> memref<64x128xf32, #tpu.memory_space<vmem_shared>>
        %dma_wait3A_61 = arith.constant 0 : i32
        %dma_wait3A_62 = arith.constant 0 : i32
        %dma_wait3A_63 = tpu.memref_slice %arg11[%dma_wait3A_61, %dma_wait3A_62] : memref<80x128xf32, #tpu.memory_space<vmem>> -> memref<64x128xf32, #tpu.memory_space<vmem>>
        tpu.wait_dma2 semaphore(%run_scoped3A : memref<!tpu.dma_semaphore, #tpu.memory_space<semaphore_mem>>) src(%dma_wait3A_63 : memref<64x128xf32, #tpu.memory_space<vmem>>) dst(%dma_wait3A_60 : memref<64x128xf32, #tpu.memory_space<vmem_shared>>)
        tpu.yield
      }) : () -> ()
    } else {
    }
    %eq3A = arith.constant 15 : i32
    %eq3A_7 = arith.cmpi eq, %arg1, %eq3A : i32
    %convert_element_type3A_8 = arith.extui %eq3A_7 : i1 to i32
    %cond3A_9 = arith.constant 0 : i32
    %cond3A_10 = arith.cmpi ne, %convert_element_type3A_8, %cond3A_9 : i32
    scf.if %cond3A_10 {
      %scan3A_37 = arith.constant 0 : i32
      %scan3A_38 = arith.constant 8 : i32
      %scan3A_39 = arith.addi %scan3A_37, %scan3A_38 : i32
      %scan3A_40 = arith.constant 1 : i32
      scf.for %scan3A_42 = %scan3A_37 to %scan3A_39 step %scan3A_40  : i32 {
        %mul3A_43 = arith.constant 1 : i32
        %mul3A_44 = arith.muli %scan3A_42, %mul3A_43 : i32
        %add3A_45 = arith.constant 0 : i32
        %add3A_46 = arith.addi %add3A_45, %mul3A_44 : i32
        %mul3A_47 = arith.constant 80 : i32
        %mul3A_48 = arith.muli %add3A_46, %mul3A_47 : i32
        %add3A_49 = arith.constant 9360 : i32
        %add3A_50 = arith.addi %add3A_49, %mul3A_48 : i32
        "tpu.region"() ({
          %run_scoped3A = tpu.sem_alloc : memref<!tpu.dma_semaphore, #tpu.memory_space<semaphore_mem>>
          %dma_start3A_51 = arith.constant 0 : i32
          %dma_start3A_52 = tpu.memref_slice %arg13[%add3A_50, %dma_start3A_51] : memref<10000x128xf32, #tpu.memory_space<vmem_shared>> -> memref<80x128xf32, #tpu.memory_space<vmem_shared>>
          %dma_start3A_53 = arith.constant 0 : i32
          %dma_start3A_54 = tpu.memref_slice %arg13[%add3A_50, %dma_start3A_53] : memref<10000x128xf32, #tpu.memory_space<vmem_shared>> -> memref<80x128xf32, #tpu.memory_space<vmem_shared>>
          tpu.enqueue_dma source(%arg11 : memref<80x128xf32, #tpu.memory_space<vmem>>) target(%dma_start3A_54 : memref<80x128xf32, #tpu.memory_space<vmem_shared>>) target_semaphore(%run_scoped3A : memref<!tpu.dma_semaphore, #tpu.memory_space<semaphore_mem>>)
          %dma_wait3A_55 = arith.constant 0 : i32
          %dma_wait3A_56 = tpu.memref_slice %arg13[%add3A_50, %dma_wait3A_55] : memref<10000x128xf32, #tpu.memory_space<vmem_shared>> -> memref<80x128xf32, #tpu.memory_space<vmem_shared>>
          %dma_wait3A_57 = arith.constant 0 : i32
          %dma_wait3A_58 = tpu.memref_slice %arg13[%add3A_50, %dma_wait3A_57] : memref<10000x128xf32, #tpu.memory_space<vmem_shared>> -> memref<80x128xf32, #tpu.memory_space<vmem_shared>>
          tpu.wait_dma2 semaphore(%run_scoped3A : memref<!tpu.dma_semaphore, #tpu.memory_space<semaphore_mem>>) src(%arg11 : memref<80x128xf32, #tpu.memory_space<vmem>>) dst(%dma_wait3A_58 : memref<80x128xf32, #tpu.memory_space<vmem_shared>>)
          tpu.yield
        }) : () -> ()
      }
      %scan3A_41 = arith.constant 8 : i32
    } else {
    }
    %barrier3A = arith.constant 0 : index
    tpu.barrier barrier_id(%barrier3A)
    "tpu.region"() ({
      %run_scoped3A = tpu.sem_alloc : memref<!tpu.dma_semaphore, #tpu.memory_space<semaphore_mem>>
      %dma_start3A_37 = tpu.memref_slice %arg3[%mul3A_2] : memref<320000xi32, #tpu.memory_space<hbm>> -> memref<80xi32, #tpu.memory_space<hbm>>
      %dma_start3A_38 = tpu.memref_slice %arg3[%mul3A_2] : memref<320000xi32, #tpu.memory_space<hbm>> -> memref<80xi32, #tpu.memory_space<hbm>>
      tpu.enqueue_dma source(%dma_start3A_38 : memref<80xi32, #tpu.memory_space<hbm>>) target(%arg7 : memref<80xi32, #tpu.memory_space<vmem>>) target_semaphore(%run_scoped3A : memref<!tpu.dma_semaphore, #tpu.memory_space<semaphore_mem>>)
      %dma_wait3A_39 = tpu.memref_slice %arg3[%mul3A_2] : memref<320000xi32, #tpu.memory_space<hbm>> -> memref<80xi32, #tpu.memory_space<hbm>>
      %dma_wait3A_40 = tpu.memref_slice %arg3[%mul3A_2] : memref<320000xi32, #tpu.memory_space<hbm>> -> memref<80xi32, #tpu.memory_space<hbm>>
      tpu.wait_dma2 semaphore(%run_scoped3A : memref<!tpu.dma_semaphore, #tpu.memory_space<semaphore_mem>>) src(%dma_wait3A_40 : memref<80xi32, #tpu.memory_space<hbm>>) dst(%arg7 : memref<80xi32, #tpu.memory_space<vmem>>)
      tpu.yield
    }) : () -> ()
    "tpu.region"() ({
      %run_scoped3A = tpu.sem_alloc : memref<!tpu.dma_semaphore, #tpu.memory_space<semaphore_mem>>
      %dma_start3A_37 = tpu.memref_slice %arg4[%mul3A_2] : memref<320000xi32, #tpu.memory_space<hbm>> -> memref<80xi32, #tpu.memory_space<hbm>>
      %dma_start3A_38 = tpu.memref_slice %arg4[%mul3A_2] : memref<320000xi32, #tpu.memory_space<hbm>> -> memref<80xi32, #tpu.memory_space<hbm>>
      tpu.enqueue_dma source(%dma_start3A_38 : memref<80xi32, #tpu.memory_space<hbm>>) target(%arg9 : memref<80xi32, #tpu.memory_space<vmem>>) target_semaphore(%run_scoped3A : memref<!tpu.dma_semaphore, #tpu.memory_space<semaphore_mem>>)
      %dma_wait3A_39 = tpu.memref_slice %arg4[%mul3A_2] : memref<320000xi32, #tpu.memory_space<hbm>> -> memref<80xi32, #tpu.memory_space<hbm>>
      %dma_wait3A_40 = tpu.memref_slice %arg4[%mul3A_2] : memref<320000xi32, #tpu.memory_space<hbm>> -> memref<80xi32, #tpu.memory_space<hbm>>
      tpu.wait_dma2 semaphore(%run_scoped3A : memref<!tpu.dma_semaphore, #tpu.memory_space<semaphore_mem>>) src(%dma_wait3A_40 : memref<80xi32, #tpu.memory_space<hbm>>) dst(%arg9 : memref<80xi32, #tpu.memory_space<vmem>>)
      tpu.yield
    }) : () -> ()
    %dma_start3A = arith.constant 0 : i32
    %dma_start3A_11 = arith.constant 0 : i32
    %dma_start3A_12 = tpu.memref_slice %arg2[%dma_start3A, %dma_start3A_11] : memref<10000x128xf32, #tpu.memory_space<hbm>> -> memref<10000x128xf32, #tpu.memory_space<hbm>>
    tpu.enqueue_indirect_dma source(%dma_start3A_12 : memref<10000x128xf32, #tpu.memory_space<hbm>>) target(%arg11 : memref<80x128xf32, #tpu.memory_space<vmem>>) offsets(%arg7 : memref<80xi32, #tpu.memory_space<vmem>>) semaphore(%arg14 : memref<!tpu.dma_semaphore, #tpu.memory_space<semaphore_mem>>)
    %add3A_13 = arith.constant 80 : i32
    %add3A_14 = arith.addi %mul3A_2, %add3A_13 : i32
    "tpu.region"() ({
      %run_scoped3A = tpu.sem_alloc : memref<!tpu.dma_semaphore, #tpu.memory_space<semaphore_mem>>
      %dma_start3A_37 = tpu.memref_slice %arg3[%add3A_14] : memref<320000xi32, #tpu.memory_space<hbm>> -> memref<80xi32, #tpu.memory_space<hbm>>
      %dma_start3A_38 = tpu.memref_slice %arg3[%add3A_14] : memref<320000xi32, #tpu.memory_space<hbm>> -> memref<80xi32, #tpu.memory_space<hbm>>
      tpu.enqueue_dma source(%dma_start3A_38 : memref<80xi32, #tpu.memory_space<hbm>>) target(%arg8 : memref<80xi32, #tpu.memory_space<vmem>>) target_semaphore(%run_scoped3A : memref<!tpu.dma_semaphore, #tpu.memory_space<semaphore_mem>>)
      %dma_wait3A_39 = tpu.memref_slice %arg3[%add3A_14] : memref<320000xi32, #tpu.memory_space<hbm>> -> memref<80xi32, #tpu.memory_space<hbm>>
      %dma_wait3A_40 = tpu.memref_slice %arg3[%add3A_14] : memref<320000xi32, #tpu.memory_space<hbm>> -> memref<80xi32, #tpu.memory_space<hbm>>
      tpu.wait_dma2 semaphore(%run_scoped3A : memref<!tpu.dma_semaphore, #tpu.memory_space<semaphore_mem>>) src(%dma_wait3A_40 : memref<80xi32, #tpu.memory_space<hbm>>) dst(%arg8 : memref<80xi32, #tpu.memory_space<vmem>>)
      tpu.yield
    }) : () -> ()
    %add3A_15 = arith.constant 80 : i32
    %add3A_16 = arith.addi %mul3A_2, %add3A_15 : i32
    "tpu.region"() ({
      %run_scoped3A = tpu.sem_alloc : memref<!tpu.dma_semaphore, #tpu.memory_space<semaphore_mem>>
      %dma_start3A_37 = tpu.memref_slice %arg4[%add3A_16] : memref<320000xi32, #tpu.memory_space<hbm>> -> memref<80xi32, #tpu.memory_space<hbm>>
      %dma_start3A_38 = tpu.memref_slice %arg4[%add3A_16] : memref<320000xi32, #tpu.memory_space<hbm>> -> memref<80xi32, #tpu.memory_space<hbm>>
      tpu.enqueue_dma source(%dma_start3A_38 : memref<80xi32, #tpu.memory_space<hbm>>) target(%arg10 : memref<80xi32, #tpu.memory_space<vmem>>) target_semaphore(%run_scoped3A : memref<!tpu.dma_semaphore, #tpu.memory_space<semaphore_mem>>)
      %dma_wait3A_39 = tpu.memref_slice %arg4[%add3A_16] : memref<320000xi32, #tpu.memory_space<hbm>> -> memref<80xi32, #tpu.memory_space<hbm>>
      %dma_wait3A_40 = tpu.memref_slice %arg4[%add3A_16] : memref<320000xi32, #tpu.memory_space<hbm>> -> memref<80xi32, #tpu.memory_space<hbm>>
      tpu.wait_dma2 semaphore(%run_scoped3A : memref<!tpu.dma_semaphore, #tpu.memory_space<semaphore_mem>>) src(%dma_wait3A_40 : memref<80xi32, #tpu.memory_space<hbm>>) dst(%arg10 : memref<80xi32, #tpu.memory_space<vmem>>)
      tpu.yield
    }) : () -> ()
    %dma_start3A_17 = arith.constant 0 : i32
    %dma_start3A_18 = arith.constant 0 : i32
    %dma_start3A_19 = tpu.memref_slice %arg2[%dma_start3A_17, %dma_start3A_18] : memref<10000x128xf32, #tpu.memory_space<hbm>> -> memref<10000x128xf32, #tpu.memory_space<hbm>>
    tpu.enqueue_indirect_dma source(%dma_start3A_19 : memref<10000x128xf32, #tpu.memory_space<hbm>>) target(%arg12 : memref<80x128xf32, #tpu.memory_space<vmem>>) offsets(%arg8 : memref<80xi32, #tpu.memory_space<vmem>>) semaphore(%arg15 : memref<!tpu.dma_semaphore, #tpu.memory_space<semaphore_mem>>)
    %scan3A = arith.constant 0 : i32
    %scan3A_20 = arith.constant 62 : i32
    %scan3A_21 = arith.addi %scan3A, %scan3A_20 : i32
    %scan3A_22 = arith.constant 1 : i32
    scf.for %scan3A_37 = %scan3A to %scan3A_21 step %scan3A_22  : i32 {
      %mul3A_38 = arith.constant 1 : i32
      %mul3A_39 = arith.muli %scan3A_37, %mul3A_38 : i32
      %add3A_40 = arith.constant 0 : i32
      %add3A_41 = arith.addi %add3A_40, %mul3A_39 : i32
      %mul3A_42 = arith.constant 2 : i32
      %mul3A_43 = arith.muli %mul3A_42, %add3A_41 : i32
      %dma_wait3A_44 = arith.constant 0 : i32
      %dma_wait3A_45 = arith.constant 0 : i32
      %dma_wait3A_46 = tpu.memref_slice %arg2[%dma_wait3A_44, %dma_wait3A_45] : memref<10000x128xf32, #tpu.memory_space<hbm>> -> memref<10000x128xf32, #tpu.memory_space<hbm>>
      tpu.wait_indirect_dma semaphore(%arg14 : memref<!tpu.dma_semaphore, #tpu.memory_space<semaphore_mem>>) src(%dma_wait3A_46 : memref<10000x128xf32, #tpu.memory_space<hbm>>) dst(%arg11 : memref<80x128xf32, #tpu.memory_space<vmem>>)
      "tpu.region"() ({
        %run_scoped3A = tpu.sem_alloc : memref<!tpu.dma_semaphore, #tpu.memory_space<semaphore_mem>>
        %dma_start3A_64 = arith.constant 0 : i32
        %dma_start3A_65 = arith.constant 0 : i32
        %dma_start3A_66 = tpu.memref_slice %arg13[%dma_start3A_64, %dma_start3A_65] : memref<10000x128xf32, #tpu.memory_space<vmem_shared>> -> memref<10000x128xf32, #tpu.memory_space<vmem_shared>>
        tpu.enqueue_indirect_dma source(%arg11 : memref<80x128xf32, #tpu.memory_space<vmem>>) target(%dma_start3A_66 : memref<10000x128xf32, #tpu.memory_space<vmem_shared>>) offsets(%arg9 : memref<80xi32, #tpu.memory_space<vmem>>) semaphore(%run_scoped3A : memref<!tpu.dma_semaphore, #tpu.memory_space<semaphore_mem>>) {add = true}
        %dma_wait3A_67 = arith.constant 0 : i32
        %dma_wait3A_68 = arith.constant 0 : i32
        %dma_wait3A_69 = tpu.memref_slice %arg13[%dma_wait3A_67, %dma_wait3A_68] : memref<10000x128xf32, #tpu.memory_space<vmem_shared>> -> memref<10000x128xf32, #tpu.memory_space<vmem_shared>>
        tpu.wait_indirect_dma semaphore(%run_scoped3A : memref<!tpu.dma_semaphore, #tpu.memory_space<semaphore_mem>>) src(%arg11 : memref<80x128xf32, #tpu.memory_space<vmem>>) dst(%dma_wait3A_69 : memref<10000x128xf32, #tpu.memory_space<vmem_shared>>)
        tpu.yield
      }) : () -> ()
      %dma_wait3A_47 = arith.constant 0 : i32
      %dma_wait3A_48 = arith.constant 0 : i32
      %dma_wait3A_49 = tpu.memref_slice %arg2[%dma_wait3A_47, %dma_wait3A_48] : memref<10000x128xf32, #tpu.memory_space<hbm>> -> memref<10000x128xf32, #tpu.memory_space<hbm>>
      tpu.wait_indirect_dma semaphore(%arg15 : memref<!tpu.dma_semaphore, #tpu.memory_space<semaphore_mem>>) src(%dma_wait3A_49 : memref<10000x128xf32, #tpu.memory_space<hbm>>) dst(%arg12 : memref<80x128xf32, #tpu.memory_space<vmem>>)
      "tpu.region"() ({
        %run_scoped3A = tpu.sem_alloc : memref<!tpu.dma_semaphore, #tpu.memory_space<semaphore_mem>>
        %dma_start3A_64 = arith.constant 0 : i32
        %dma_start3A_65 = arith.constant 0 : i32
        %dma_start3A_66 = tpu.memref_slice %arg13[%dma_start3A_64, %dma_start3A_65] : memref<10000x128xf32, #tpu.memory_space<vmem_shared>> -> memref<10000x128xf32, #tpu.memory_space<vmem_shared>>
        tpu.enqueue_indirect_dma source(%arg12 : memref<80x128xf32, #tpu.memory_space<vmem>>) target(%dma_start3A_66 : memref<10000x128xf32, #tpu.memory_space<vmem_shared>>) offsets(%arg10 : memref<80xi32, #tpu.memory_space<vmem>>) semaphore(%run_scoped3A : memref<!tpu.dma_semaphore, #tpu.memory_space<semaphore_mem>>) {add = true}
        %dma_wait3A_67 = arith.constant 0 : i32
        %dma_wait3A_68 = arith.constant 0 : i32
        %dma_wait3A_69 = tpu.memref_slice %arg13[%dma_wait3A_67, %dma_wait3A_68] : memref<10000x128xf32, #tpu.memory_space<vmem_shared>> -> memref<10000x128xf32, #tpu.memory_space<vmem_shared>>
        tpu.wait_indirect_dma semaphore(%run_scoped3A : memref<!tpu.dma_semaphore, #tpu.memory_space<semaphore_mem>>) src(%arg12 : memref<80x128xf32, #tpu.memory_space<vmem>>) dst(%dma_wait3A_69 : memref<10000x128xf32, #tpu.memory_space<vmem_shared>>)
        tpu.yield
      }) : () -> ()
      %add3A_50 = arith.constant 2 : i32
      %add3A_51 = arith.addi %mul3A_43, %add3A_50 : i32
      %lt3A_52 = arith.constant 125 : i32
      %lt3A_53 = arith.cmpi slt, %add3A_51, %lt3A_52 : i32
      %convert_element_type3A_54 = arith.extui %lt3A_53 : i1 to i32
      %cond3A_55 = arith.constant 0 : i32
      %cond3A_56 = arith.cmpi ne, %convert_element_type3A_54, %cond3A_55 : i32
      scf.if %cond3A_56 {
        %add3A_64 = arith.constant 2 : i32
        %add3A_65 = arith.addi %mul3A_43, %add3A_64 : i32
        %mul3A_66 = arith.constant 80 : i32
        %mul3A_67 = arith.muli %add3A_65, %mul3A_66 : i32
        %add3A_68 = arith.addi %mul3A_2, %mul3A_67 : i32
        "tpu.region"() ({
          %run_scoped3A = tpu.sem_alloc : memref<!tpu.dma_semaphore, #tpu.memory_space<semaphore_mem>>
          %dma_start3A_72 = tpu.memref_slice %arg3[%add3A_68] : memref<320000xi32, #tpu.memory_space<hbm>> -> memref<80xi32, #tpu.memory_space<hbm>>
          %dma_start3A_73 = tpu.memref_slice %arg3[%add3A_68] : memref<320000xi32, #tpu.memory_space<hbm>> -> memref<80xi32, #tpu.memory_space<hbm>>
          tpu.enqueue_dma source(%dma_start3A_73 : memref<80xi32, #tpu.memory_space<hbm>>) target(%arg7 : memref<80xi32, #tpu.memory_space<vmem>>) target_semaphore(%run_scoped3A : memref<!tpu.dma_semaphore, #tpu.memory_space<semaphore_mem>>)
          %dma_wait3A_74 = tpu.memref_slice %arg3[%add3A_68] : memref<320000xi32, #tpu.memory_space<hbm>> -> memref<80xi32, #tpu.memory_space<hbm>>
          %dma_wait3A_75 = tpu.memref_slice %arg3[%add3A_68] : memref<320000xi32, #tpu.memory_space<hbm>> -> memref<80xi32, #tpu.memory_space<hbm>>
          tpu.wait_dma2 semaphore(%run_scoped3A : memref<!tpu.dma_semaphore, #tpu.memory_space<semaphore_mem>>) src(%dma_wait3A_75 : memref<80xi32, #tpu.memory_space<hbm>>) dst(%arg7 : memref<80xi32, #tpu.memory_space<vmem>>)
          tpu.yield
        }) : () -> ()
        "tpu.region"() ({
          %run_scoped3A = tpu.sem_alloc : memref<!tpu.dma_semaphore, #tpu.memory_space<semaphore_mem>>
          %dma_start3A_72 = tpu.memref_slice %arg4[%add3A_68] : memref<320000xi32, #tpu.memory_space<hbm>> -> memref<80xi32, #tpu.memory_space<hbm>>
          %dma_start3A_73 = tpu.memref_slice %arg4[%add3A_68] : memref<320000xi32, #tpu.memory_space<hbm>> -> memref<80xi32, #tpu.memory_space<hbm>>
          tpu.enqueue_dma source(%dma_start3A_73 : memref<80xi32, #tpu.memory_space<hbm>>) target(%arg9 : memref<80xi32, #tpu.memory_space<vmem>>) target_semaphore(%run_scoped3A : memref<!tpu.dma_semaphore, #tpu.memory_space<semaphore_mem>>)
          %dma_wait3A_74 = tpu.memref_slice %arg4[%add3A_68] : memref<320000xi32, #tpu.memory_space<hbm>> -> memref<80xi32, #tpu.memory_space<hbm>>
          %dma_wait3A_75 = tpu.memref_slice %arg4[%add3A_68] : memref<320000xi32, #tpu.memory_space<hbm>> -> memref<80xi32, #tpu.memory_space<hbm>>
          tpu.wait_dma2 semaphore(%run_scoped3A : memref<!tpu.dma_semaphore, #tpu.memory_space<semaphore_mem>>) src(%dma_wait3A_75 : memref<80xi32, #tpu.memory_space<hbm>>) dst(%arg9 : memref<80xi32, #tpu.memory_space<vmem>>)
          tpu.yield
        }) : () -> ()
        %dma_start3A_69 = arith.constant 0 : i32
        %dma_start3A_70 = arith.constant 0 : i32
        %dma_start3A_71 = tpu.memref_slice %arg2[%dma_start3A_69, %dma_start3A_70] : memref<10000x128xf32, #tpu.memory_space<hbm>> -> memref<10000x128xf32, #tpu.memory_space<hbm>>
        tpu.enqueue_indirect_dma source(%dma_start3A_71 : memref<10000x128xf32, #tpu.memory_space<hbm>>) target(%arg11 : memref<80x128xf32, #tpu.memory_space<vmem>>) offsets(%arg7 : memref<80xi32, #tpu.memory_space<vmem>>) semaphore(%arg14 : memref<!tpu.dma_semaphore, #tpu.memory_space<semaphore_mem>>)
      } else {
      }
      %add3A_57 = arith.constant 3 : i32
      %add3A_58 = arith.addi %mul3A_43, %add3A_57 : i32
      %lt3A_59 = arith.constant 125 : i32
      %lt3A_60 = arith.cmpi slt, %add3A_58, %lt3A_59 : i32
      %convert_element_type3A_61 = arith.extui %lt3A_60 : i1 to i32
      %cond3A_62 = arith.constant 0 : i32
      %cond3A_63 = arith.cmpi ne, %convert_element_type3A_61, %cond3A_62 : i32
      scf.if %cond3A_63 {
        %add3A_64 = arith.constant 3 : i32
        %add3A_65 = arith.addi %mul3A_43, %add3A_64 : i32
        %mul3A_66 = arith.constant 80 : i32
        %mul3A_67 = arith.muli %add3A_65, %mul3A_66 : i32
        %add3A_68 = arith.addi %mul3A_2, %mul3A_67 : i32
        "tpu.region"() ({
          %run_scoped3A = tpu.sem_alloc : memref<!tpu.dma_semaphore, #tpu.memory_space<semaphore_mem>>
          %dma_start3A_72 = tpu.memref_slice %arg3[%add3A_68] : memref<320000xi32, #tpu.memory_space<hbm>> -> memref<80xi32, #tpu.memory_space<hbm>>
          %dma_start3A_73 = tpu.memref_slice %arg3[%add3A_68] : memref<320000xi32, #tpu.memory_space<hbm>> -> memref<80xi32, #tpu.memory_space<hbm>>
          tpu.enqueue_dma source(%dma_start3A_73 : memref<80xi32, #tpu.memory_space<hbm>>) target(%arg8 : memref<80xi32, #tpu.memory_space<vmem>>) target_semaphore(%run_scoped3A : memref<!tpu.dma_semaphore, #tpu.memory_space<semaphore_mem>>)
          %dma_wait3A_74 = tpu.memref_slice %arg3[%add3A_68] : memref<320000xi32, #tpu.memory_space<hbm>> -> memref<80xi32, #tpu.memory_space<hbm>>
          %dma_wait3A_75 = tpu.memref_slice %arg3[%add3A_68] : memref<320000xi32, #tpu.memory_space<hbm>> -> memref<80xi32, #tpu.memory_space<hbm>>
          tpu.wait_dma2 semaphore(%run_scoped3A : memref<!tpu.dma_semaphore, #tpu.memory_space<semaphore_mem>>) src(%dma_wait3A_75 : memref<80xi32, #tpu.memory_space<hbm>>) dst(%arg8 : memref<80xi32, #tpu.memory_space<vmem>>)
          tpu.yield
        }) : () -> ()
        "tpu.region"() ({
          %run_scoped3A = tpu.sem_alloc : memref<!tpu.dma_semaphore, #tpu.memory_space<semaphore_mem>>
          %dma_start3A_72 = tpu.memref_slice %arg4[%add3A_68] : memref<320000xi32, #tpu.memory_space<hbm>> -> memref<80xi32, #tpu.memory_space<hbm>>
          %dma_start3A_73 = tpu.memref_slice %arg4[%add3A_68] : memref<320000xi32, #tpu.memory_space<hbm>> -> memref<80xi32, #tpu.memory_space<hbm>>
          tpu.enqueue_dma source(%dma_start3A_73 : memref<80xi32, #tpu.memory_space<hbm>>) target(%arg10 : memref<80xi32, #tpu.memory_space<vmem>>) target_semaphore(%run_scoped3A : memref<!tpu.dma_semaphore, #tpu.memory_space<semaphore_mem>>)
          %dma_wait3A_74 = tpu.memref_slice %arg4[%add3A_68] : memref<320000xi32, #tpu.memory_space<hbm>> -> memref<80xi32, #tpu.memory_space<hbm>>
          %dma_wait3A_75 = tpu.memref_slice %arg4[%add3A_68] : memref<320000xi32, #tpu.memory_space<hbm>> -> memref<80xi32, #tpu.memory_space<hbm>>
          tpu.wait_dma2 semaphore(%run_scoped3A : memref<!tpu.dma_semaphore, #tpu.memory_space<semaphore_mem>>) src(%dma_wait3A_75 : memref<80xi32, #tpu.memory_space<hbm>>) dst(%arg10 : memref<80xi32, #tpu.memory_space<vmem>>)
          tpu.yield
        }) : () -> ()
        %dma_start3A_69 = arith.constant 0 : i32
        %dma_start3A_70 = arith.constant 0 : i32
        %dma_start3A_71 = tpu.memref_slice %arg2[%dma_start3A_69, %dma_start3A_70] : memref<10000x128xf32, #tpu.memory_space<hbm>> -> memref<10000x128xf32, #tpu.memory_space<hbm>>
        tpu.enqueue_indirect_dma source(%dma_start3A_71 : memref<10000x128xf32, #tpu.memory_space<hbm>>) target(%arg12 : memref<80x128xf32, #tpu.memory_space<vmem>>) offsets(%arg8 : memref<80xi32, #tpu.memory_space<vmem>>) semaphore(%arg15 : memref<!tpu.dma_semaphore, #tpu.memory_space<semaphore_mem>>)
      } else {
      }
    }
    %scan3A_23 = arith.constant 62 : i32
    %dma_wait3A = arith.constant 0 : i32
    %dma_wait3A_24 = arith.constant 0 : i32
    %dma_wait3A_25 = tpu.memref_slice %arg2[%dma_wait3A, %dma_wait3A_24] : memref<10000x128xf32, #tpu.memory_space<hbm>> -> memref<10000x128xf32, #tpu.memory_space<hbm>>
    tpu.wait_indirect_dma semaphore(%arg14 : memref<!tpu.dma_semaphore, #tpu.memory_space<semaphore_mem>>) src(%dma_wait3A_25 : memref<10000x128xf32, #tpu.memory_space<hbm>>) dst(%arg11 : memref<80x128xf32, #tpu.memory_space<vmem>>)
    "tpu.region"() ({
      %run_scoped3A = tpu.sem_alloc : memref<!tpu.dma_semaphore, #tpu.memory_space<semaphore_mem>>
      %dma_start3A_37 = arith.constant 0 : i32
      %dma_start3A_38 = arith.constant 0 : i32
      %dma_start3A_39 = tpu.memref_slice %arg13[%dma_start3A_37, %dma_start3A_38] : memref<10000x128xf32, #tpu.memory_space<vmem_shared>> -> memref<10000x128xf32, #tpu.memory_space<vmem_shared>>
      tpu.enqueue_indirect_dma source(%arg11 : memref<80x128xf32, #tpu.memory_space<vmem>>) target(%dma_start3A_39 : memref<10000x128xf32, #tpu.memory_space<vmem_shared>>) offsets(%arg9 : memref<80xi32, #tpu.memory_space<vmem>>) semaphore(%run_scoped3A : memref<!tpu.dma_semaphore, #tpu.memory_space<semaphore_mem>>) {add = true}
      %dma_wait3A_40 = arith.constant 0 : i32
      %dma_wait3A_41 = arith.constant 0 : i32
      %dma_wait3A_42 = tpu.memref_slice %arg13[%dma_wait3A_40, %dma_wait3A_41] : memref<10000x128xf32, #tpu.memory_space<vmem_shared>> -> memref<10000x128xf32, #tpu.memory_space<vmem_shared>>
      tpu.wait_indirect_dma semaphore(%run_scoped3A : memref<!tpu.dma_semaphore, #tpu.memory_space<semaphore_mem>>) src(%arg11 : memref<80x128xf32, #tpu.memory_space<vmem>>) dst(%dma_wait3A_42 : memref<10000x128xf32, #tpu.memory_space<vmem_shared>>)
      tpu.yield
    }) : () -> ()
    %barrier3A_26 = arith.constant 0 : index
    tpu.barrier barrier_id(%barrier3A_26)
    %lt3A_27 = arith.constant 15 : i32
    %lt3A_28 = arith.cmpi slt, %arg1, %lt3A_27 : i32
    %convert_element_type3A_29 = arith.extui %lt3A_28 : i1 to i32
    %cond3A_30 = arith.constant 0 : i32
    %cond3A_31 = arith.cmpi ne, %convert_element_type3A_29, %cond3A_30 : i32
    scf.if %cond3A_31 {
      %scan3A_37 = arith.constant 0 : i32
      %scan3A_38 = arith.constant 7 : i32
      %scan3A_39 = arith.addi %scan3A_37, %scan3A_38 : i32
      %scan3A_40 = arith.constant 1 : i32
      scf.for %scan3A_49 = %scan3A_37 to %scan3A_39 step %scan3A_40  : i32 {
        %mul3A_50 = arith.constant 1 : i32
        %mul3A_51 = arith.muli %scan3A_49, %mul3A_50 : i32
        %add3A_52 = arith.constant 0 : i32
        %add3A_53 = arith.addi %add3A_52, %mul3A_51 : i32
        %mul3A_54 = arith.constant 80 : i32
        %mul3A_55 = arith.muli %add3A_53, %mul3A_54 : i32
        %add3A_56 = arith.addi %mul3A_4, %mul3A_55 : i32
        "tpu.region"() ({
          %run_scoped3A = tpu.sem_alloc : memref<!tpu.dma_semaphore, #tpu.memory_space<semaphore_mem>>
          %dma_start3A_63 = arith.constant 0 : i32
          %dma_start3A_64 = tpu.memref_slice %arg13[%add3A_56, %dma_start3A_63] : memref<10000x128xf32, #tpu.memory_space<vmem_shared>> -> memref<80x128xf32, #tpu.memory_space<vmem_shared>>
          %dma_start3A_65 = arith.constant 0 : i32
          %dma_start3A_66 = tpu.memref_slice %arg13[%add3A_56, %dma_start3A_65] : memref<10000x128xf32, #tpu.memory_space<vmem_shared>> -> memref<80x128xf32, #tpu.memory_space<vmem_shared>>
          tpu.enqueue_dma source(%dma_start3A_66 : memref<80x128xf32, #tpu.memory_space<vmem_shared>>) target(%arg11 : memref<80x128xf32, #tpu.memory_space<vmem>>) target_semaphore(%run_scoped3A : memref<!tpu.dma_semaphore, #tpu.memory_space<semaphore_mem>>)
          %dma_wait3A_67 = arith.constant 0 : i32
          %dma_wait3A_68 = tpu.memref_slice %arg13[%add3A_56, %dma_wait3A_67] : memref<10000x128xf32, #tpu.memory_space<vmem_shared>> -> memref<80x128xf32, #tpu.memory_space<vmem_shared>>
          %dma_wait3A_69 = arith.constant 0 : i32
          %dma_wait3A_70 = tpu.memref_slice %arg13[%add3A_56, %dma_wait3A_69] : memref<10000x128xf32, #tpu.memory_space<vmem_shared>> -> memref<80x128xf32, #tpu.memory_space<vmem_shared>>
          tpu.wait_dma2 semaphore(%run_scoped3A : memref<!tpu.dma_semaphore, #tpu.memory_space<semaphore_mem>>) src(%dma_wait3A_70 : memref<80x128xf32, #tpu.memory_space<vmem_shared>>) dst(%arg11 : memref<80x128xf32, #tpu.memory_space<vmem>>)
          tpu.yield
        }) : () -> ()
        %mul3A_57 = arith.constant 10000 : i32
        %mul3A_58 = arith.muli %arg0, %mul3A_57 : i32
        %add3A_59 = arith.addi %mul3A_58, %mul3A_4 : i32
        %mul3A_60 = arith.constant 80 : i32
        %mul3A_61 = arith.muli %add3A_53, %mul3A_60 : i32
        %add3A_62 = arith.addi %add3A_59, %mul3A_61 : i32
        "tpu.region"() ({
          %run_scoped3A = tpu.sem_alloc : memref<!tpu.dma_semaphore, #tpu.memory_space<semaphore_mem>>
          %dma_start3A_63 = arith.constant 0 : i32
          %dma_start3A_64 = tpu.memref_slice %arg6[%add3A_62, %dma_start3A_63] : memref<20000x128xf32, #tpu.memory_space<hbm>> -> memref<80x128xf32, #tpu.memory_space<hbm>>
          %dma_start3A_65 = arith.constant 0 : i32
          %dma_start3A_66 = tpu.memref_slice %arg6[%add3A_62, %dma_start3A_65] : memref<20000x128xf32, #tpu.memory_space<hbm>> -> memref<80x128xf32, #tpu.memory_space<hbm>>
          tpu.enqueue_dma source(%arg11 : memref<80x128xf32, #tpu.memory_space<vmem>>) target(%dma_start3A_66 : memref<80x128xf32, #tpu.memory_space<hbm>>) target_semaphore(%run_scoped3A : memref<!tpu.dma_semaphore, #tpu.memory_space<semaphore_mem>>)
          %dma_wait3A_67 = arith.constant 0 : i32
          %dma_wait3A_68 = tpu.memref_slice %arg6[%add3A_62, %dma_wait3A_67] : memref<20000x128xf32, #tpu.memory_space<hbm>> -> memref<80x128xf32, #tpu.memory_space<hbm>>
          %dma_wait3A_69 = arith.constant 0 : i32
          %dma_wait3A_70 = tpu.memref_slice %arg6[%add3A_62, %dma_wait3A_69] : memref<20000x128xf32, #tpu.memory_space<hbm>> -> memref<80x128xf32, #tpu.memory_space<hbm>>
          tpu.wait_dma2 semaphore(%run_scoped3A : memref<!tpu.dma_semaphore, #tpu.memory_space<semaphore_mem>>) src(%arg11 : memref<80x128xf32, #tpu.memory_space<vmem>>) dst(%dma_wait3A_70 : memref<80x128xf32, #tpu.memory_space<hbm>>)
          tpu.yield
        }) : () -> ()
      }
      %scan3A_41 = arith.constant 7 : i32
      %add3A_42 = arith.constant 560 : i32
      %add3A_43 = arith.addi %mul3A_4, %add3A_42 : i32
      "tpu.region"() ({
        %run_scoped3A = tpu.sem_alloc : memref<!tpu.dma_semaphore, #tpu.memory_space<semaphore_mem>>
        %dma_start3A_49 = arith.constant 0 : i32
        %dma_start3A_50 = arith.constant 0 : i32
        %dma_start3A_51 = tpu.memref_slice %arg11[%dma_start3A_49, %dma_start3A_50] : memref<80x128xf32, #tpu.memory_space<vmem>> -> memref<64x128xf32, #tpu.memory_space<vmem>>
        %dma_start3A_52 = arith.constant 0 : i32
        %dma_start3A_53 = tpu.memref_slice %arg13[%add3A_43, %dma_start3A_52] : memref<10000x128xf32, #tpu.memory_space<vmem_shared>> -> memref<64x128xf32, #tpu.memory_space<vmem_shared>>
        %dma_start3A_54 = arith.constant 0 : i32
        %dma_start3A_55 = arith.constant 0 : i32
        %dma_start3A_56 = tpu.memref_slice %arg11[%dma_start3A_54, %dma_start3A_55] : memref<80x128xf32, #tpu.memory_space<vmem>> -> memref<64x128xf32, #tpu.memory_space<vmem>>
        %dma_start3A_57 = arith.constant 0 : i32
        %dma_start3A_58 = tpu.memref_slice %arg13[%add3A_43, %dma_start3A_57] : memref<10000x128xf32, #tpu.memory_space<vmem_shared>> -> memref<64x128xf32, #tpu.memory_space<vmem_shared>>
        tpu.enqueue_dma source(%dma_start3A_58 : memref<64x128xf32, #tpu.memory_space<vmem_shared>>) target(%dma_start3A_56 : memref<64x128xf32, #tpu.memory_space<vmem>>) target_semaphore(%run_scoped3A : memref<!tpu.dma_semaphore, #tpu.memory_space<semaphore_mem>>)
        %dma_wait3A_59 = arith.constant 0 : i32
        %dma_wait3A_60 = arith.constant 0 : i32
        %dma_wait3A_61 = tpu.memref_slice %arg11[%dma_wait3A_59, %dma_wait3A_60] : memref<80x128xf32, #tpu.memory_space<vmem>> -> memref<64x128xf32, #tpu.memory_space<vmem>>
        %dma_wait3A_62 = arith.constant 0 : i32
        %dma_wait3A_63 = tpu.memref_slice %arg13[%add3A_43, %dma_wait3A_62] : memref<10000x128xf32, #tpu.memory_space<vmem_shared>> -> memref<64x128xf32, #tpu.memory_space<vmem_shared>>
        %dma_wait3A_64 = arith.constant 0 : i32
        %dma_wait3A_65 = arith.constant 0 : i32
        %dma_wait3A_66 = tpu.memref_slice %arg11[%dma_wait3A_64, %dma_wait3A_65] : memref<80x128xf32, #tpu.memory_space<vmem>> -> memref<64x128xf32, #tpu.memory_space<vmem>>
        %dma_wait3A_67 = arith.constant 0 : i32
        %dma_wait3A_68 = tpu.memref_slice %arg13[%add3A_43, %dma_wait3A_67] : memref<10000x128xf32, #tpu.memory_space<vmem_shared>> -> memref<64x128xf32, #tpu.memory_space<vmem_shared>>
        tpu.wait_dma2 semaphore(%run_scoped3A : memref<!tpu.dma_semaphore, #tpu.memory_space<semaphore_mem>>) src(%dma_wait3A_68 : memref<64x128xf32, #tpu.memory_space<vmem_shared>>) dst(%dma_wait3A_66 : memref<64x128xf32, #tpu.memory_space<vmem>>)
        tpu.yield
      }) : () -> ()
      %mul3A_44 = arith.constant 10000 : i32
      %mul3A_45 = arith.muli %arg0, %mul3A_44 : i32
      %add3A_46 = arith.addi %mul3A_45, %mul3A_4 : i32
      %add3A_47 = arith.constant 560 : i32
      %add3A_48 = arith.addi %add3A_46, %add3A_47 : i32
      "tpu.region"() ({
        %run_scoped3A = tpu.sem_alloc : memref<!tpu.dma_semaphore, #tpu.memory_space<semaphore_mem>>
        %dma_start3A_49 = arith.constant 0 : i32
        %dma_start3A_50 = arith.constant 0 : i32
        %dma_start3A_51 = tpu.memref_slice %arg11[%dma_start3A_49, %dma_start3A_50] : memref<80x128xf32, #tpu.memory_space<vmem>> -> memref<64x128xf32, #tpu.memory_space<vmem>>
        %dma_start3A_52 = arith.constant 0 : i32
        %dma_start3A_53 = tpu.memref_slice %arg6[%add3A_48, %dma_start3A_52] : memref<20000x128xf32, #tpu.memory_space<hbm>> -> memref<64x128xf32, #tpu.memory_space<hbm>>
        %dma_start3A_54 = arith.constant 0 : i32
        %dma_start3A_55 = tpu.memref_slice %arg6[%add3A_48, %dma_start3A_54] : memref<20000x128xf32, #tpu.memory_space<hbm>> -> memref<64x128xf32, #tpu.memory_space<hbm>>
        %dma_start3A_56 = arith.constant 0 : i32
        %dma_start3A_57 = arith.constant 0 : i32
        %dma_start3A_58 = tpu.memref_slice %arg11[%dma_start3A_56, %dma_start3A_57] : memref<80x128xf32, #tpu.memory_space<vmem>> -> memref<64x128xf32, #tpu.memory_space<vmem>>
        tpu.enqueue_dma source(%dma_start3A_58 : memref<64x128xf32, #tpu.memory_space<vmem>>) target(%dma_start3A_55 : memref<64x128xf32, #tpu.memory_space<hbm>>) target_semaphore(%run_scoped3A : memref<!tpu.dma_semaphore, #tpu.memory_space<semaphore_mem>>)
        %dma_wait3A_59 = arith.constant 0 : i32
        %dma_wait3A_60 = arith.constant 0 : i32
        %dma_wait3A_61 = tpu.memref_slice %arg11[%dma_wait3A_59, %dma_wait3A_60] : memref<80x128xf32, #tpu.memory_space<vmem>> -> memref<64x128xf32, #tpu.memory_space<vmem>>
        %dma_wait3A_62 = arith.constant 0 : i32
        %dma_wait3A_63 = tpu.memref_slice %arg6[%add3A_48, %dma_wait3A_62] : memref<20000x128xf32, #tpu.memory_space<hbm>> -> memref<64x128xf32, #tpu.memory_space<hbm>>
        %dma_wait3A_64 = arith.constant 0 : i32
        %dma_wait3A_65 = tpu.memref_slice %arg6[%add3A_48, %dma_wait3A_64] : memref<20000x128xf32, #tpu.memory_space<hbm>> -> memref<64x128xf32, #tpu.memory_space<hbm>>
        %dma_wait3A_66 = arith.constant 0 : i32
        %dma_wait3A_67 = arith.constant 0 : i32
        %dma_wait3A_68 = tpu.memref_slice %arg11[%dma_wait3A_66, %dma_wait3A_67] : memref<80x128xf32, #tpu.memory_space<vmem>> -> memref<64x128xf32, #tpu.memory_space<vmem>>
        tpu.wait_dma2 semaphore(%run_scoped3A : memref<!tpu.dma_semaphore, #tpu.memory_space<semaphore_mem>>) src(%dma_wait3A_68 : memref<64x128xf32, #tpu.memory_space<vmem>>) dst(%dma_wait3A_65 : memref<64x128xf32, #tpu.memory_space<hbm>>)
        tpu.yield
      }) : () -> ()
    } else {
    }
    %eq3A_32 = arith.constant 15 : i32
    %eq3A_33 = arith.cmpi eq, %arg1, %eq3A_32 : i32
    %convert_element_type3A_34 = arith.extui %eq3A_33 : i1 to i32
    %cond3A_35 = arith.constant 0 : i32
    %cond3A_36 = arith.cmpi ne, %convert_element_type3A_34, %cond3A_35 : i32
    scf.if %cond3A_36 {
      %scan3A_37 = arith.constant 0 : i32
      %scan3A_38 = arith.constant 8 : i32
      %scan3A_39 = arith.addi %scan3A_37, %scan3A_38 : i32
      %scan3A_40 = arith.constant 1 : i32
      scf.for %scan3A_42 = %scan3A_37 to %scan3A_39 step %scan3A_40  : i32 {
        %mul3A_43 = arith.constant 1 : i32
        %mul3A_44 = arith.muli %scan3A_42, %mul3A_43 : i32
        %add3A_45 = arith.constant 0 : i32
        %add3A_46 = arith.addi %add3A_45, %mul3A_44 : i32
        %mul3A_47 = arith.constant 80 : i32
        %mul3A_48 = arith.muli %add3A_46, %mul3A_47 : i32
        %add3A_49 = arith.constant 9360 : i32
        %add3A_50 = arith.addi %add3A_49, %mul3A_48 : i32
        "tpu.region"() ({
          %run_scoped3A = tpu.sem_alloc : memref<!tpu.dma_semaphore, #tpu.memory_space<semaphore_mem>>
          %dma_start3A_58 = arith.constant 0 : i32
          %dma_start3A_59 = tpu.memref_slice %arg13[%add3A_50, %dma_start3A_58] : memref<10000x128xf32, #tpu.memory_space<vmem_shared>> -> memref<80x128xf32, #tpu.memory_space<vmem_shared>>
          %dma_start3A_60 = arith.constant 0 : i32
          %dma_start3A_61 = tpu.memref_slice %arg13[%add3A_50, %dma_start3A_60] : memref<10000x128xf32, #tpu.memory_space<vmem_shared>> -> memref<80x128xf32, #tpu.memory_space<vmem_shared>>
          tpu.enqueue_dma source(%dma_start3A_61 : memref<80x128xf32, #tpu.memory_space<vmem_shared>>) target(%arg11 : memref<80x128xf32, #tpu.memory_space<vmem>>) target_semaphore(%run_scoped3A : memref<!tpu.dma_semaphore, #tpu.memory_space<semaphore_mem>>)
          %dma_wait3A_62 = arith.constant 0 : i32
          %dma_wait3A_63 = tpu.memref_slice %arg13[%add3A_50, %dma_wait3A_62] : memref<10000x128xf32, #tpu.memory_space<vmem_shared>> -> memref<80x128xf32, #tpu.memory_space<vmem_shared>>
          %dma_wait3A_64 = arith.constant 0 : i32
          %dma_wait3A_65 = tpu.memref_slice %arg13[%add3A_50, %dma_wait3A_64] : memref<10000x128xf32, #tpu.memory_space<vmem_shared>> -> memref<80x128xf32, #tpu.memory_space<vmem_shared>>
          tpu.wait_dma2 semaphore(%run_scoped3A : memref<!tpu.dma_semaphore, #tpu.memory_space<semaphore_mem>>) src(%dma_wait3A_65 : memref<80x128xf32, #tpu.memory_space<vmem_shared>>) dst(%arg11 : memref<80x128xf32, #tpu.memory_space<vmem>>)
          tpu.yield
        }) : () -> ()
        %mul3A_51 = arith.constant 10000 : i32
        %mul3A_52 = arith.muli %arg0, %mul3A_51 : i32
        %add3A_53 = arith.constant 9360 : i32
        %add3A_54 = arith.addi %mul3A_52, %add3A_53 : i32
        %mul3A_55 = arith.constant 80 : i32
        %mul3A_56 = arith.muli %add3A_46, %mul3A_55 : i32
        %add3A_57 = arith.addi %add3A_54, %mul3A_56 : i32
        "tpu.region"() ({
          %run_scoped3A = tpu.sem_alloc : memref<!tpu.dma_semaphore, #tpu.memory_space<semaphore_mem>>
          %dma_start3A_58 = arith.constant 0 : i32
          %dma_start3A_59 = tpu.memref_slice %arg6[%add3A_57, %dma_start3A_58] : memref<20000x128xf32, #tpu.memory_space<hbm>> -> memref<80x128xf32, #tpu.memory_space<hbm>>
          %dma_start3A_60 = arith.constant 0 : i32
          %dma_start3A_61 = tpu.memref_slice %arg6[%add3A_57, %dma_start3A_60] : memref<20000x128xf32, #tpu.memory_space<hbm>> -> memref<80x128xf32, #tpu.memory_space<hbm>>
          tpu.enqueue_dma source(%arg11 : memref<80x128xf32, #tpu.memory_space<vmem>>) target(%dma_start3A_61 : memref<80x128xf32, #tpu.memory_space<hbm>>) target_semaphore(%run_scoped3A : memref<!tpu.dma_semaphore, #tpu.memory_space<semaphore_mem>>)
          %dma_wait3A_62 = arith.constant 0 : i32
          %dma_wait3A_63 = tpu.memref_slice %arg6[%add3A_57, %dma_wait3A_62] : memref<20000x128xf32, #tpu.memory_space<hbm>> -> memref<80x128xf32, #tpu.memory_space<hbm>>
          %dma_wait3A_64 = arith.constant 0 : i32
          %dma_wait3A_65 = tpu.memref_slice %arg6[%add3A_57, %dma_wait3A_64] : memref<20000x128xf32, #tpu.memory_space<hbm>> -> memref<80x128xf32, #tpu.memory_space<hbm>>
          tpu.wait_dma2 semaphore(%run_scoped3A : memref<!tpu.dma_semaphore, #tpu.memory_space<semaphore_mem>>) src(%arg11 : memref<80x128xf32, #tpu.memory_space<vmem>>) dst(%dma_wait3A_65 : memref<80x128xf32, #tpu.memory_space<hbm>>)
          tpu.yield
        }) : () -> ()
      }
      %scan3A_41 = arith.constant 8 : i32
    } else {
    }
    return
  }
}

#map = affine_map<(d0, d1) -> (0, 0)>
#map1 = affine_map<(d0, d1) -> (0)>
module attributes {stable_mosaic.version = 14 : i64} {
  func.func @_agg(%arg0: i32, %arg1: i32, %arg2: memref<10000x128xf32, #tpu.memory_space<hbm>>, %arg3: memref<320000xi32, #tpu.memory_space<hbm>>, %arg4: memref<320000xi32, #tpu.memory_space<hbm>>, %arg5: memref<80x128xf32, #tpu.memory_space<hbm>>, %arg6: memref<20000x128xf32, #tpu.memory_space<hbm>>, %arg7: memref<80xi32, #tpu.memory_space<vmem>>, %arg8: memref<80xi32, #tpu.memory_space<vmem>>, %arg9: memref<80xi32, #tpu.memory_space<vmem>>, %arg10: memref<80xi32, #tpu.memory_space<vmem>>, %arg11: memref<80x128xf32, #tpu.memory_space<vmem>>, %arg12: memref<80x128xf32, #tpu.memory_space<vmem>>, %arg13: memref<10000x128xf32, #tpu.memory_space<vmem_shared>>, %arg14: memref<!tpu.dma_semaphore, #tpu.memory_space<semaphore_mem>>, %arg15: memref<!tpu.dma_semaphore, #tpu.memory_space<semaphore_mem>>) attributes {dimension_semantics = [#tpu.dimension_semantics<core_parallel>, #tpu.dimension_semantics<subcore_parallel>], iteration_bounds = array<i64: 2, 16>, scalar_prefetch = 0 : i64, scratch_operands = 9 : i64, tpu.core_type = #tpu.core_type<sc_vector_subcore>, window_params = [{transform_indices = #map}, {transform_indices = #map1}, {transform_indices = #map1}, {transform_indices = #map}, {transform_indices = #map}]} {
    %mul3A = arith.constant 16 : i32
    %mul3A_0 = arith.muli %arg0, %mul3A : i32
    %add3A = arith.addi %mul3A_0, %arg1 : i32
    %mul3A_1 = arith.constant 10000 : i32
    %mul3A_2 = arith.muli %add3A, %mul3A_1 : i32
    %mul3A_3 = arith.constant 624 : i32
    %mul3A_4 = arith.muli %arg1, %mul3A_3 : i32
    "tpu.region"() ({
      %run_scoped3A = tpu.sem_alloc : memref<!tpu.dma_semaphore, #tpu.memory_space<semaphore_mem>>
      tpu.enqueue_dma source(%arg5 : memref<80x128xf32, #tpu.memory_space<hbm>>) target(%arg11 : memref<80x128xf32, #tpu.memory_space<vmem>>) target_semaphore(%run_scoped3A : memref<!tpu.dma_semaphore, #tpu.memory_space<semaphore_mem>>)
      tpu.wait_dma2 semaphore(%run_scoped3A : memref<!tpu.dma_semaphore, #tpu.memory_space<semaphore_mem>>) src(%arg5 : memref<80x128xf32, #tpu.memory_space<hbm>>) dst(%arg11 : memref<80x128xf32, #tpu.memory_space<vmem>>)
      tpu.yield
    }) : () -> ()
    %lt3A = arith.constant 15 : i32
    %lt3A_5 = arith.cmpi slt, %arg1, %lt3A : i32
    %convert_element_type3A = arith.extui %lt3A_5 : i1 to i32
    %cond3A = arith.constant 0 : i32
    %cond3A_6 = arith.cmpi ne, %convert_element_type3A, %cond3A : i32
    scf.if %cond3A_6 {
      %scan3A_37 = arith.constant 0 : i32
      %scan3A_38 = arith.constant 7 : i32
      %scan3A_39 = arith.addi %scan3A_37, %scan3A_38 : i32
      %scan3A_40 = arith.constant 1 : i32
      scf.for %scan3A_44 = %scan3A_37 to %scan3A_39 step %scan3A_40  : i32 {
        %mul3A_45 = arith.constant 1 : i32
        %mul3A_46 = arith.muli %scan3A_44, %mul3A_45 : i32
        %add3A_47 = arith.constant 0 : i32
        %add3A_48 = arith.addi %add3A_47, %mul3A_46 : i32
        %mul3A_49 = arith.constant 80 : i32
        %mul3A_50 = arith.muli %add3A_48, %mul3A_49 : i32
        %add3A_51 = arith.addi %mul3A_4, %mul3A_50 : i32
        "tpu.region"() ({
          %run_scoped3A = tpu.sem_alloc : memref<!tpu.dma_semaphore, #tpu.memory_space<semaphore_mem>>
          %dma_start3A_52 = arith.constant 0 : i32
          %dma_start3A_53 = tpu.memref_slice %arg13[%add3A_51, %dma_start3A_52] : memref<10000x128xf32, #tpu.memory_space<vmem_shared>> -> memref<80x128xf32, #tpu.memory_space<vmem_shared>>
          %dma_start3A_54 = arith.constant 0 : i32
          %dma_start3A_55 = tpu.memref_slice %arg13[%add3A_51, %dma_start3A_54] : memref<10000x128xf32, #tpu.memory_space<vmem_shared>> -> memref<80x128xf32, #tpu.memory_space<vmem_shared>>
          tpu.enqueue_dma source(%arg11 : memref<80x128xf32, #tpu.memory_space<vmem>>) target(%dma_start3A_55 : memref<80x128xf32, #tpu.memory_space<vmem_shared>>) target_semaphore(%run_scoped3A : memref<!tpu.dma_semaphore, #tpu.memory_space<semaphore_mem>>)
          %dma_wait3A_56 = arith.constant 0 : i32
          %dma_wait3A_57 = tpu.memref_slice %arg13[%add3A_51, %dma_wait3A_56] : memref<10000x128xf32, #tpu.memory_space<vmem_shared>> -> memref<80x128xf32, #tpu.memory_space<vmem_shared>>
          %dma_wait3A_58 = arith.constant 0 : i32
          %dma_wait3A_59 = tpu.memref_slice %arg13[%add3A_51, %dma_wait3A_58] : memref<10000x128xf32, #tpu.memory_space<vmem_shared>> -> memref<80x128xf32, #tpu.memory_space<vmem_shared>>
          tpu.wait_dma2 semaphore(%run_scoped3A : memref<!tpu.dma_semaphore, #tpu.memory_space<semaphore_mem>>) src(%arg11 : memref<80x128xf32, #tpu.memory_space<vmem>>) dst(%dma_wait3A_59 : memref<80x128xf32, #tpu.memory_space<vmem_shared>>)
          tpu.yield
        }) : () -> ()
      }
      %scan3A_41 = arith.constant 7 : i32
      %add3A_42 = arith.constant 560 : i32
      %add3A_43 = arith.addi %mul3A_4, %add3A_42 : i32
      "tpu.region"() ({
        %run_scoped3A = tpu.sem_alloc : memref<!tpu.dma_semaphore, #tpu.memory_space<semaphore_mem>>
        %dma_start3A_44 = arith.constant 0 : i32
        %dma_start3A_45 = arith.constant 0 : i32
        %dma_start3A_46 = tpu.memref_slice %arg11[%dma_start3A_44, %dma_start3A_45] : memref<80x128xf32, #tpu.memory_space<vmem>> -> memref<64x128xf32, #tpu.memory_space<vmem>>
        %dma_start3A_47 = arith.constant 0 : i32
        %dma_start3A_48 = tpu.memref_slice %arg13[%add3A_43, %dma_start3A_47] : memref<10000x128xf32, #tpu.memory_space<vmem_shared>> -> memref<64x128xf32, #tpu.memory_space<vmem_shared>>
        %dma_start3A_49 = arith.constant 0 : i32
        %dma_start3A_50 = tpu.memref_slice %arg13[%add3A_43, %dma_start3A_49] : memref<10000x128xf32, #tpu.memory_space<vmem_shared>> -> memref<64x128xf32, #tpu.memory_space<vmem_shared>>
        %dma_start3A_51 = arith.constant 0 : i32
        %dma_start3A_52 = arith.constant 0 : i32
        %dma_start3A_53 = tpu.memref_slice %arg11[%dma_start3A_51, %dma_start3A_52] : memref<80x128xf32, #tpu.memory_space<vmem>> -> memref<64x128xf32, #tpu.memory_space<vmem>>
        tpu.enqueue_dma source(%dma_start3A_53 : memref<64x128xf32, #tpu.memory_space<vmem>>) target(%dma_start3A_50 : memref<64x128xf32, #tpu.memory_space<vmem_shared>>) target_semaphore(%run_scoped3A : memref<!tpu.dma_semaphore, #tpu.memory_space<semaphore_mem>>)
        %dma_wait3A_54 = arith.constant 0 : i32
        %dma_wait3A_55 = arith.constant 0 : i32
        %dma_wait3A_56 = tpu.memref_slice %arg11[%dma_wait3A_54, %dma_wait3A_55] : memref<80x128xf32, #tpu.memory_space<vmem>> -> memref<64x128xf32, #tpu.memory_space<vmem>>
        %dma_wait3A_57 = arith.constant 0 : i32
        %dma_wait3A_58 = tpu.memref_slice %arg13[%add3A_43, %dma_wait3A_57] : memref<10000x128xf32, #tpu.memory_space<vmem_shared>> -> memref<64x128xf32, #tpu.memory_space<vmem_shared>>
        %dma_wait3A_59 = arith.constant 0 : i32
        %dma_wait3A_60 = tpu.memref_slice %arg13[%add3A_43, %dma_wait3A_59] : memref<10000x128xf32, #tpu.memory_space<vmem_shared>> -> memref<64x128xf32, #tpu.memory_space<vmem_shared>>
        %dma_wait3A_61 = arith.constant 0 : i32
        %dma_wait3A_62 = arith.constant 0 : i32
        %dma_wait3A_63 = tpu.memref_slice %arg11[%dma_wait3A_61, %dma_wait3A_62] : memref<80x128xf32, #tpu.memory_space<vmem>> -> memref<64x128xf32, #tpu.memory_space<vmem>>
        tpu.wait_dma2 semaphore(%run_scoped3A : memref<!tpu.dma_semaphore, #tpu.memory_space<semaphore_mem>>) src(%dma_wait3A_63 : memref<64x128xf32, #tpu.memory_space<vmem>>) dst(%dma_wait3A_60 : memref<64x128xf32, #tpu.memory_space<vmem_shared>>)
        tpu.yield
      }) : () -> ()
    } else {
    }
    %eq3A = arith.constant 15 : i32
    %eq3A_7 = arith.cmpi eq, %arg1, %eq3A : i32
    %convert_element_type3A_8 = arith.extui %eq3A_7 : i1 to i32
    %cond3A_9 = arith.constant 0 : i32
    %cond3A_10 = arith.cmpi ne, %convert_element_type3A_8, %cond3A_9 : i32
    scf.if %cond3A_10 {
      %scan3A_37 = arith.constant 0 : i32
      %scan3A_38 = arith.constant 8 : i32
      %scan3A_39 = arith.addi %scan3A_37, %scan3A_38 : i32
      %scan3A_40 = arith.constant 1 : i32
      scf.for %scan3A_42 = %scan3A_37 to %scan3A_39 step %scan3A_40  : i32 {
        %mul3A_43 = arith.constant 1 : i32
        %mul3A_44 = arith.muli %scan3A_42, %mul3A_43 : i32
        %add3A_45 = arith.constant 0 : i32
        %add3A_46 = arith.addi %add3A_45, %mul3A_44 : i32
        %mul3A_47 = arith.constant 80 : i32
        %mul3A_48 = arith.muli %add3A_46, %mul3A_47 : i32
        %add3A_49 = arith.constant 9360 : i32
        %add3A_50 = arith.addi %add3A_49, %mul3A_48 : i32
        "tpu.region"() ({
          %run_scoped3A = tpu.sem_alloc : memref<!tpu.dma_semaphore, #tpu.memory_space<semaphore_mem>>
          %dma_start3A_51 = arith.constant 0 : i32
          %dma_start3A_52 = tpu.memref_slice %arg13[%add3A_50, %dma_start3A_51] : memref<10000x128xf32, #tpu.memory_space<vmem_shared>> -> memref<80x128xf32, #tpu.memory_space<vmem_shared>>
          %dma_start3A_53 = arith.constant 0 : i32
          %dma_start3A_54 = tpu.memref_slice %arg13[%add3A_50, %dma_start3A_53] : memref<10000x128xf32, #tpu.memory_space<vmem_shared>> -> memref<80x128xf32, #tpu.memory_space<vmem_shared>>
          tpu.enqueue_dma source(%arg11 : memref<80x128xf32, #tpu.memory_space<vmem>>) target(%dma_start3A_54 : memref<80x128xf32, #tpu.memory_space<vmem_shared>>) target_semaphore(%run_scoped3A : memref<!tpu.dma_semaphore, #tpu.memory_space<semaphore_mem>>)
          %dma_wait3A_55 = arith.constant 0 : i32
          %dma_wait3A_56 = tpu.memref_slice %arg13[%add3A_50, %dma_wait3A_55] : memref<10000x128xf32, #tpu.memory_space<vmem_shared>> -> memref<80x128xf32, #tpu.memory_space<vmem_shared>>
          %dma_wait3A_57 = arith.constant 0 : i32
          %dma_wait3A_58 = tpu.memref_slice %arg13[%add3A_50, %dma_wait3A_57] : memref<10000x128xf32, #tpu.memory_space<vmem_shared>> -> memref<80x128xf32, #tpu.memory_space<vmem_shared>>
          tpu.wait_dma2 semaphore(%run_scoped3A : memref<!tpu.dma_semaphore, #tpu.memory_space<semaphore_mem>>) src(%arg11 : memref<80x128xf32, #tpu.memory_space<vmem>>) dst(%dma_wait3A_58 : memref<80x128xf32, #tpu.memory_space<vmem_shared>>)
          tpu.yield
        }) : () -> ()
      }
      %scan3A_41 = arith.constant 8 : i32
    } else {
    }
    %barrier3A = arith.constant 0 : index
    tpu.barrier barrier_id(%barrier3A)
    "tpu.region"() ({
      %run_scoped3A = tpu.sem_alloc : memref<!tpu.dma_semaphore, #tpu.memory_space<semaphore_mem>>
      %dma_start3A_37 = tpu.memref_slice %arg3[%mul3A_2] : memref<320000xi32, #tpu.memory_space<hbm>> -> memref<80xi32, #tpu.memory_space<hbm>>
      %dma_start3A_38 = tpu.memref_slice %arg3[%mul3A_2] : memref<320000xi32, #tpu.memory_space<hbm>> -> memref<80xi32, #tpu.memory_space<hbm>>
      tpu.enqueue_dma source(%dma_start3A_38 : memref<80xi32, #tpu.memory_space<hbm>>) target(%arg7 : memref<80xi32, #tpu.memory_space<vmem>>) target_semaphore(%run_scoped3A : memref<!tpu.dma_semaphore, #tpu.memory_space<semaphore_mem>>)
      %dma_wait3A_39 = tpu.memref_slice %arg3[%mul3A_2] : memref<320000xi32, #tpu.memory_space<hbm>> -> memref<80xi32, #tpu.memory_space<hbm>>
      %dma_wait3A_40 = tpu.memref_slice %arg3[%mul3A_2] : memref<320000xi32, #tpu.memory_space<hbm>> -> memref<80xi32, #tpu.memory_space<hbm>>
      tpu.wait_dma2 semaphore(%run_scoped3A : memref<!tpu.dma_semaphore, #tpu.memory_space<semaphore_mem>>) src(%dma_wait3A_40 : memref<80xi32, #tpu.memory_space<hbm>>) dst(%arg7 : memref<80xi32, #tpu.memory_space<vmem>>)
      tpu.yield
    }) : () -> ()
    "tpu.region"() ({
      %run_scoped3A = tpu.sem_alloc : memref<!tpu.dma_semaphore, #tpu.memory_space<semaphore_mem>>
      %dma_start3A_37 = tpu.memref_slice %arg4[%mul3A_2] : memref<320000xi32, #tpu.memory_space<hbm>> -> memref<80xi32, #tpu.memory_space<hbm>>
      %dma_start3A_38 = tpu.memref_slice %arg4[%mul3A_2] : memref<320000xi32, #tpu.memory_space<hbm>> -> memref<80xi32, #tpu.memory_space<hbm>>
      tpu.enqueue_dma source(%dma_start3A_38 : memref<80xi32, #tpu.memory_space<hbm>>) target(%arg9 : memref<80xi32, #tpu.memory_space<vmem>>) target_semaphore(%run_scoped3A : memref<!tpu.dma_semaphore, #tpu.memory_space<semaphore_mem>>)
      %dma_wait3A_39 = tpu.memref_slice %arg4[%mul3A_2] : memref<320000xi32, #tpu.memory_space<hbm>> -> memref<80xi32, #tpu.memory_space<hbm>>
      %dma_wait3A_40 = tpu.memref_slice %arg4[%mul3A_2] : memref<320000xi32, #tpu.memory_space<hbm>> -> memref<80xi32, #tpu.memory_space<hbm>>
      tpu.wait_dma2 semaphore(%run_scoped3A : memref<!tpu.dma_semaphore, #tpu.memory_space<semaphore_mem>>) src(%dma_wait3A_40 : memref<80xi32, #tpu.memory_space<hbm>>) dst(%arg9 : memref<80xi32, #tpu.memory_space<vmem>>)
      tpu.yield
    }) : () -> ()
    %dma_start3A = arith.constant 0 : i32
    %dma_start3A_11 = arith.constant 0 : i32
    %dma_start3A_12 = tpu.memref_slice %arg2[%dma_start3A, %dma_start3A_11] : memref<10000x128xf32, #tpu.memory_space<hbm>> -> memref<10000x128xf32, #tpu.memory_space<hbm>>
    tpu.enqueue_indirect_dma source(%dma_start3A_12 : memref<10000x128xf32, #tpu.memory_space<hbm>>) target(%arg11 : memref<80x128xf32, #tpu.memory_space<vmem>>) offsets(%arg7 : memref<80xi32, #tpu.memory_space<vmem>>) semaphore(%arg14 : memref<!tpu.dma_semaphore, #tpu.memory_space<semaphore_mem>>)
    %add3A_13 = arith.constant 80 : i32
    %add3A_14 = arith.addi %mul3A_2, %add3A_13 : i32
    "tpu.region"() ({
      %run_scoped3A = tpu.sem_alloc : memref<!tpu.dma_semaphore, #tpu.memory_space<semaphore_mem>>
      %dma_start3A_37 = tpu.memref_slice %arg3[%add3A_14] : memref<320000xi32, #tpu.memory_space<hbm>> -> memref<80xi32, #tpu.memory_space<hbm>>
      %dma_start3A_38 = tpu.memref_slice %arg3[%add3A_14] : memref<320000xi32, #tpu.memory_space<hbm>> -> memref<80xi32, #tpu.memory_space<hbm>>
      tpu.enqueue_dma source(%dma_start3A_38 : memref<80xi32, #tpu.memory_space<hbm>>) target(%arg8 : memref<80xi32, #tpu.memory_space<vmem>>) target_semaphore(%run_scoped3A : memref<!tpu.dma_semaphore, #tpu.memory_space<semaphore_mem>>)
      %dma_wait3A_39 = tpu.memref_slice %arg3[%add3A_14] : memref<320000xi32, #tpu.memory_space<hbm>> -> memref<80xi32, #tpu.memory_space<hbm>>
      %dma_wait3A_40 = tpu.memref_slice %arg3[%add3A_14] : memref<320000xi32, #tpu.memory_space<hbm>> -> memref<80xi32, #tpu.memory_space<hbm>>
      tpu.wait_dma2 semaphore(%run_scoped3A : memref<!tpu.dma_semaphore, #tpu.memory_space<semaphore_mem>>) src(%dma_wait3A_40 : memref<80xi32, #tpu.memory_space<hbm>>) dst(%arg8 : memref<80xi32, #tpu.memory_space<vmem>>)
      tpu.yield
    }) : () -> ()
    %add3A_15 = arith.constant 80 : i32
    %add3A_16 = arith.addi %mul3A_2, %add3A_15 : i32
    "tpu.region"() ({
      %run_scoped3A = tpu.sem_alloc : memref<!tpu.dma_semaphore, #tpu.memory_space<semaphore_mem>>
      %dma_start3A_37 = tpu.memref_slice %arg4[%add3A_16] : memref<320000xi32, #tpu.memory_space<hbm>> -> memref<80xi32, #tpu.memory_space<hbm>>
      %dma_start3A_38 = tpu.memref_slice %arg4[%add3A_16] : memref<320000xi32, #tpu.memory_space<hbm>> -> memref<80xi32, #tpu.memory_space<hbm>>
      tpu.enqueue_dma source(%dma_start3A_38 : memref<80xi32, #tpu.memory_space<hbm>>) target(%arg10 : memref<80xi32, #tpu.memory_space<vmem>>) target_semaphore(%run_scoped3A : memref<!tpu.dma_semaphore, #tpu.memory_space<semaphore_mem>>)
      %dma_wait3A_39 = tpu.memref_slice %arg4[%add3A_16] : memref<320000xi32, #tpu.memory_space<hbm>> -> memref<80xi32, #tpu.memory_space<hbm>>
      %dma_wait3A_40 = tpu.memref_slice %arg4[%add3A_16] : memref<320000xi32, #tpu.memory_space<hbm>> -> memref<80xi32, #tpu.memory_space<hbm>>
      tpu.wait_dma2 semaphore(%run_scoped3A : memref<!tpu.dma_semaphore, #tpu.memory_space<semaphore_mem>>) src(%dma_wait3A_40 : memref<80xi32, #tpu.memory_space<hbm>>) dst(%arg10 : memref<80xi32, #tpu.memory_space<vmem>>)
      tpu.yield
    }) : () -> ()
    %dma_start3A_17 = arith.constant 0 : i32
    %dma_start3A_18 = arith.constant 0 : i32
    %dma_start3A_19 = tpu.memref_slice %arg2[%dma_start3A_17, %dma_start3A_18] : memref<10000x128xf32, #tpu.memory_space<hbm>> -> memref<10000x128xf32, #tpu.memory_space<hbm>>
    tpu.enqueue_indirect_dma source(%dma_start3A_19 : memref<10000x128xf32, #tpu.memory_space<hbm>>) target(%arg12 : memref<80x128xf32, #tpu.memory_space<vmem>>) offsets(%arg8 : memref<80xi32, #tpu.memory_space<vmem>>) semaphore(%arg15 : memref<!tpu.dma_semaphore, #tpu.memory_space<semaphore_mem>>)
    %scan3A = arith.constant 0 : i32
    %scan3A_20 = arith.constant 62 : i32
    %scan3A_21 = arith.addi %scan3A, %scan3A_20 : i32
    %scan3A_22 = arith.constant 1 : i32
    scf.for %scan3A_37 = %scan3A to %scan3A_21 step %scan3A_22  : i32 {
      %mul3A_38 = arith.constant 1 : i32
      %mul3A_39 = arith.muli %scan3A_37, %mul3A_38 : i32
      %add3A_40 = arith.constant 0 : i32
      %add3A_41 = arith.addi %add3A_40, %mul3A_39 : i32
      %mul3A_42 = arith.constant 2 : i32
      %mul3A_43 = arith.muli %mul3A_42, %add3A_41 : i32
      %dma_wait3A_44 = arith.constant 0 : i32
      %dma_wait3A_45 = arith.constant 0 : i32
      %dma_wait3A_46 = tpu.memref_slice %arg2[%dma_wait3A_44, %dma_wait3A_45] : memref<10000x128xf32, #tpu.memory_space<hbm>> -> memref<10000x128xf32, #tpu.memory_space<hbm>>
      tpu.wait_indirect_dma semaphore(%arg14 : memref<!tpu.dma_semaphore, #tpu.memory_space<semaphore_mem>>) src(%dma_wait3A_46 : memref<10000x128xf32, #tpu.memory_space<hbm>>) dst(%arg11 : memref<80x128xf32, #tpu.memory_space<vmem>>)
      "tpu.region"() ({
        %run_scoped3A = tpu.sem_alloc : memref<!tpu.dma_semaphore, #tpu.memory_space<semaphore_mem>>
        %dma_start3A_64 = arith.constant 0 : i32
        %dma_start3A_65 = arith.constant 0 : i32
        %dma_start3A_66 = tpu.memref_slice %arg13[%dma_start3A_64, %dma_start3A_65] : memref<10000x128xf32, #tpu.memory_space<vmem_shared>> -> memref<10000x128xf32, #tpu.memory_space<vmem_shared>>
        tpu.enqueue_indirect_dma source(%arg11 : memref<80x128xf32, #tpu.memory_space<vmem>>) target(%dma_start3A_66 : memref<10000x128xf32, #tpu.memory_space<vmem_shared>>) offsets(%arg9 : memref<80xi32, #tpu.memory_space<vmem>>) semaphore(%run_scoped3A : memref<!tpu.dma_semaphore, #tpu.memory_space<semaphore_mem>>) {add = true}
        %dma_wait3A_67 = arith.constant 0 : i32
        %dma_wait3A_68 = arith.constant 0 : i32
        %dma_wait3A_69 = tpu.memref_slice %arg13[%dma_wait3A_67, %dma_wait3A_68] : memref<10000x128xf32, #tpu.memory_space<vmem_shared>> -> memref<10000x128xf32, #tpu.memory_space<vmem_shared>>
        tpu.wait_indirect_dma semaphore(%run_scoped3A : memref<!tpu.dma_semaphore, #tpu.memory_space<semaphore_mem>>) src(%arg11 : memref<80x128xf32, #tpu.memory_space<vmem>>) dst(%dma_wait3A_69 : memref<10000x128xf32, #tpu.memory_space<vmem_shared>>)
        tpu.yield
      }) : () -> ()
      %dma_wait3A_47 = arith.constant 0 : i32
      %dma_wait3A_48 = arith.constant 0 : i32
      %dma_wait3A_49 = tpu.memref_slice %arg2[%dma_wait3A_47, %dma_wait3A_48] : memref<10000x128xf32, #tpu.memory_space<hbm>> -> memref<10000x128xf32, #tpu.memory_space<hbm>>
      tpu.wait_indirect_dma semaphore(%arg15 : memref<!tpu.dma_semaphore, #tpu.memory_space<semaphore_mem>>) src(%dma_wait3A_49 : memref<10000x128xf32, #tpu.memory_space<hbm>>) dst(%arg12 : memref<80x128xf32, #tpu.memory_space<vmem>>)
      "tpu.region"() ({
        %run_scoped3A = tpu.sem_alloc : memref<!tpu.dma_semaphore, #tpu.memory_space<semaphore_mem>>
        %dma_start3A_64 = arith.constant 0 : i32
        %dma_start3A_65 = arith.constant 0 : i32
        %dma_start3A_66 = tpu.memref_slice %arg13[%dma_start3A_64, %dma_start3A_65] : memref<10000x128xf32, #tpu.memory_space<vmem_shared>> -> memref<10000x128xf32, #tpu.memory_space<vmem_shared>>
        tpu.enqueue_indirect_dma source(%arg12 : memref<80x128xf32, #tpu.memory_space<vmem>>) target(%dma_start3A_66 : memref<10000x128xf32, #tpu.memory_space<vmem_shared>>) offsets(%arg10 : memref<80xi32, #tpu.memory_space<vmem>>) semaphore(%run_scoped3A : memref<!tpu.dma_semaphore, #tpu.memory_space<semaphore_mem>>) {add = true}
        %dma_wait3A_67 = arith.constant 0 : i32
        %dma_wait3A_68 = arith.constant 0 : i32
        %dma_wait3A_69 = tpu.memref_slice %arg13[%dma_wait3A_67, %dma_wait3A_68] : memref<10000x128xf32, #tpu.memory_space<vmem_shared>> -> memref<10000x128xf32, #tpu.memory_space<vmem_shared>>
        tpu.wait_indirect_dma semaphore(%run_scoped3A : memref<!tpu.dma_semaphore, #tpu.memory_space<semaphore_mem>>) src(%arg12 : memref<80x128xf32, #tpu.memory_space<vmem>>) dst(%dma_wait3A_69 : memref<10000x128xf32, #tpu.memory_space<vmem_shared>>)
        tpu.yield
      }) : () -> ()
      %add3A_50 = arith.constant 2 : i32
      %add3A_51 = arith.addi %mul3A_43, %add3A_50 : i32
      %lt3A_52 = arith.constant 125 : i32
      %lt3A_53 = arith.cmpi slt, %add3A_51, %lt3A_52 : i32
      %convert_element_type3A_54 = arith.extui %lt3A_53 : i1 to i32
      %cond3A_55 = arith.constant 0 : i32
      %cond3A_56 = arith.cmpi ne, %convert_element_type3A_54, %cond3A_55 : i32
      scf.if %cond3A_56 {
        %add3A_64 = arith.constant 2 : i32
        %add3A_65 = arith.addi %mul3A_43, %add3A_64 : i32
        %mul3A_66 = arith.constant 80 : i32
        %mul3A_67 = arith.muli %add3A_65, %mul3A_66 : i32
        %add3A_68 = arith.addi %mul3A_2, %mul3A_67 : i32
        "tpu.region"() ({
          %run_scoped3A = tpu.sem_alloc : memref<!tpu.dma_semaphore, #tpu.memory_space<semaphore_mem>>
          %dma_start3A_72 = tpu.memref_slice %arg3[%add3A_68] : memref<320000xi32, #tpu.memory_space<hbm>> -> memref<80xi32, #tpu.memory_space<hbm>>
          %dma_start3A_73 = tpu.memref_slice %arg3[%add3A_68] : memref<320000xi32, #tpu.memory_space<hbm>> -> memref<80xi32, #tpu.memory_space<hbm>>
          tpu.enqueue_dma source(%dma_start3A_73 : memref<80xi32, #tpu.memory_space<hbm>>) target(%arg7 : memref<80xi32, #tpu.memory_space<vmem>>) target_semaphore(%run_scoped3A : memref<!tpu.dma_semaphore, #tpu.memory_space<semaphore_mem>>)
          %dma_wait3A_74 = tpu.memref_slice %arg3[%add3A_68] : memref<320000xi32, #tpu.memory_space<hbm>> -> memref<80xi32, #tpu.memory_space<hbm>>
          %dma_wait3A_75 = tpu.memref_slice %arg3[%add3A_68] : memref<320000xi32, #tpu.memory_space<hbm>> -> memref<80xi32, #tpu.memory_space<hbm>>
          tpu.wait_dma2 semaphore(%run_scoped3A : memref<!tpu.dma_semaphore, #tpu.memory_space<semaphore_mem>>) src(%dma_wait3A_75 : memref<80xi32, #tpu.memory_space<hbm>>) dst(%arg7 : memref<80xi32, #tpu.memory_space<vmem>>)
          tpu.yield
        }) : () -> ()
        "tpu.region"() ({
          %run_scoped3A = tpu.sem_alloc : memref<!tpu.dma_semaphore, #tpu.memory_space<semaphore_mem>>
          %dma_start3A_72 = tpu.memref_slice %arg4[%add3A_68] : memref<320000xi32, #tpu.memory_space<hbm>> -> memref<80xi32, #tpu.memory_space<hbm>>
          %dma_start3A_73 = tpu.memref_slice %arg4[%add3A_68] : memref<320000xi32, #tpu.memory_space<hbm>> -> memref<80xi32, #tpu.memory_space<hbm>>
          tpu.enqueue_dma source(%dma_start3A_73 : memref<80xi32, #tpu.memory_space<hbm>>) target(%arg9 : memref<80xi32, #tpu.memory_space<vmem>>) target_semaphore(%run_scoped3A : memref<!tpu.dma_semaphore, #tpu.memory_space<semaphore_mem>>)
          %dma_wait3A_74 = tpu.memref_slice %arg4[%add3A_68] : memref<320000xi32, #tpu.memory_space<hbm>> -> memref<80xi32, #tpu.memory_space<hbm>>
          %dma_wait3A_75 = tpu.memref_slice %arg4[%add3A_68] : memref<320000xi32, #tpu.memory_space<hbm>> -> memref<80xi32, #tpu.memory_space<hbm>>
          tpu.wait_dma2 semaphore(%run_scoped3A : memref<!tpu.dma_semaphore, #tpu.memory_space<semaphore_mem>>) src(%dma_wait3A_75 : memref<80xi32, #tpu.memory_space<hbm>>) dst(%arg9 : memref<80xi32, #tpu.memory_space<vmem>>)
          tpu.yield
        }) : () -> ()
        %dma_start3A_69 = arith.constant 0 : i32
        %dma_start3A_70 = arith.constant 0 : i32
        %dma_start3A_71 = tpu.memref_slice %arg2[%dma_start3A_69, %dma_start3A_70] : memref<10000x128xf32, #tpu.memory_space<hbm>> -> memref<10000x128xf32, #tpu.memory_space<hbm>>
        tpu.enqueue_indirect_dma source(%dma_start3A_71 : memref<10000x128xf32, #tpu.memory_space<hbm>>) target(%arg11 : memref<80x128xf32, #tpu.memory_space<vmem>>) offsets(%arg7 : memref<80xi32, #tpu.memory_space<vmem>>) semaphore(%arg14 : memref<!tpu.dma_semaphore, #tpu.memory_space<semaphore_mem>>)
      } else {
      }
      %add3A_57 = arith.constant 3 : i32
      %add3A_58 = arith.addi %mul3A_43, %add3A_57 : i32
      %lt3A_59 = arith.constant 125 : i32
      %lt3A_60 = arith.cmpi slt, %add3A_58, %lt3A_59 : i32
      %convert_element_type3A_61 = arith.extui %lt3A_60 : i1 to i32
      %cond3A_62 = arith.constant 0 : i32
      %cond3A_63 = arith.cmpi ne, %convert_element_type3A_61, %cond3A_62 : i32
      scf.if %cond3A_63 {
        %add3A_64 = arith.constant 3 : i32
        %add3A_65 = arith.addi %mul3A_43, %add3A_64 : i32
        %mul3A_66 = arith.constant 80 : i32
        %mul3A_67 = arith.muli %add3A_65, %mul3A_66 : i32
        %add3A_68 = arith.addi %mul3A_2, %mul3A_67 : i32
        "tpu.region"() ({
          %run_scoped3A = tpu.sem_alloc : memref<!tpu.dma_semaphore, #tpu.memory_space<semaphore_mem>>
          %dma_start3A_72 = tpu.memref_slice %arg3[%add3A_68] : memref<320000xi32, #tpu.memory_space<hbm>> -> memref<80xi32, #tpu.memory_space<hbm>>
          %dma_start3A_73 = tpu.memref_slice %arg3[%add3A_68] : memref<320000xi32, #tpu.memory_space<hbm>> -> memref<80xi32, #tpu.memory_space<hbm>>
          tpu.enqueue_dma source(%dma_start3A_73 : memref<80xi32, #tpu.memory_space<hbm>>) target(%arg8 : memref<80xi32, #tpu.memory_space<vmem>>) target_semaphore(%run_scoped3A : memref<!tpu.dma_semaphore, #tpu.memory_space<semaphore_mem>>)
          %dma_wait3A_74 = tpu.memref_slice %arg3[%add3A_68] : memref<320000xi32, #tpu.memory_space<hbm>> -> memref<80xi32, #tpu.memory_space<hbm>>
          %dma_wait3A_75 = tpu.memref_slice %arg3[%add3A_68] : memref<320000xi32, #tpu.memory_space<hbm>> -> memref<80xi32, #tpu.memory_space<hbm>>
          tpu.wait_dma2 semaphore(%run_scoped3A : memref<!tpu.dma_semaphore, #tpu.memory_space<semaphore_mem>>) src(%dma_wait3A_75 : memref<80xi32, #tpu.memory_space<hbm>>) dst(%arg8 : memref<80xi32, #tpu.memory_space<vmem>>)
          tpu.yield
        }) : () -> ()
        "tpu.region"() ({
          %run_scoped3A = tpu.sem_alloc : memref<!tpu.dma_semaphore, #tpu.memory_space<semaphore_mem>>
          %dma_start3A_72 = tpu.memref_slice %arg4[%add3A_68] : memref<320000xi32, #tpu.memory_space<hbm>> -> memref<80xi32, #tpu.memory_space<hbm>>
          %dma_start3A_73 = tpu.memref_slice %arg4[%add3A_68] : memref<320000xi32, #tpu.memory_space<hbm>> -> memref<80xi32, #tpu.memory_space<hbm>>
          tpu.enqueue_dma source(%dma_start3A_73 : memref<80xi32, #tpu.memory_space<hbm>>) target(%arg10 : memref<80xi32, #tpu.memory_space<vmem>>) target_semaphore(%run_scoped3A : memref<!tpu.dma_semaphore, #tpu.memory_space<semaphore_mem>>)
          %dma_wait3A_74 = tpu.memref_slice %arg4[%add3A_68] : memref<320000xi32, #tpu.memory_space<hbm>> -> memref<80xi32, #tpu.memory_space<hbm>>
          %dma_wait3A_75 = tpu.memref_slice %arg4[%add3A_68] : memref<320000xi32, #tpu.memory_space<hbm>> -> memref<80xi32, #tpu.memory_space<hbm>>
          tpu.wait_dma2 semaphore(%run_scoped3A : memref<!tpu.dma_semaphore, #tpu.memory_space<semaphore_mem>>) src(%dma_wait3A_75 : memref<80xi32, #tpu.memory_space<hbm>>) dst(%arg10 : memref<80xi32, #tpu.memory_space<vmem>>)
          tpu.yield
        }) : () -> ()
        %dma_start3A_69 = arith.constant 0 : i32
        %dma_start3A_70 = arith.constant 0 : i32
        %dma_start3A_71 = tpu.memref_slice %arg2[%dma_start3A_69, %dma_start3A_70] : memref<10000x128xf32, #tpu.memory_space<hbm>> -> memref<10000x128xf32, #tpu.memory_space<hbm>>
        tpu.enqueue_indirect_dma source(%dma_start3A_71 : memref<10000x128xf32, #tpu.memory_space<hbm>>) target(%arg12 : memref<80x128xf32, #tpu.memory_space<vmem>>) offsets(%arg8 : memref<80xi32, #tpu.memory_space<vmem>>) semaphore(%arg15 : memref<!tpu.dma_semaphore, #tpu.memory_space<semaphore_mem>>)
      } else {
      }
    }
    %scan3A_23 = arith.constant 62 : i32
    %dma_wait3A = arith.constant 0 : i32
    %dma_wait3A_24 = arith.constant 0 : i32
    %dma_wait3A_25 = tpu.memref_slice %arg2[%dma_wait3A, %dma_wait3A_24] : memref<10000x128xf32, #tpu.memory_space<hbm>> -> memref<10000x128xf32, #tpu.memory_space<hbm>>
    tpu.wait_indirect_dma semaphore(%arg14 : memref<!tpu.dma_semaphore, #tpu.memory_space<semaphore_mem>>) src(%dma_wait3A_25 : memref<10000x128xf32, #tpu.memory_space<hbm>>) dst(%arg11 : memref<80x128xf32, #tpu.memory_space<vmem>>)
    "tpu.region"() ({
      %run_scoped3A = tpu.sem_alloc : memref<!tpu.dma_semaphore, #tpu.memory_space<semaphore_mem>>
      %dma_start3A_37 = arith.constant 0 : i32
      %dma_start3A_38 = arith.constant 0 : i32
      %dma_start3A_39 = tpu.memref_slice %arg13[%dma_start3A_37, %dma_start3A_38] : memref<10000x128xf32, #tpu.memory_space<vmem_shared>> -> memref<10000x128xf32, #tpu.memory_space<vmem_shared>>
      tpu.enqueue_indirect_dma source(%arg11 : memref<80x128xf32, #tpu.memory_space<vmem>>) target(%dma_start3A_39 : memref<10000x128xf32, #tpu.memory_space<vmem_shared>>) offsets(%arg9 : memref<80xi32, #tpu.memory_space<vmem>>) semaphore(%run_scoped3A : memref<!tpu.dma_semaphore, #tpu.memory_space<semaphore_mem>>) {add = true}
      %dma_wait3A_40 = arith.constant 0 : i32
      %dma_wait3A_41 = arith.constant 0 : i32
      %dma_wait3A_42 = tpu.memref_slice %arg13[%dma_wait3A_40, %dma_wait3A_41] : memref<10000x128xf32, #tpu.memory_space<vmem_shared>> -> memref<10000x128xf32, #tpu.memory_space<vmem_shared>>
      tpu.wait_indirect_dma semaphore(%run_scoped3A : memref<!tpu.dma_semaphore, #tpu.memory_space<semaphore_mem>>) src(%arg11 : memref<80x128xf32, #tpu.memory_space<vmem>>) dst(%dma_wait3A_42 : memref<10000x128xf32, #tpu.memory_space<vmem_shared>>)
      tpu.yield
    }) : () -> ()
    %barrier3A_26 = arith.constant 0 : index
    tpu.barrier barrier_id(%barrier3A_26)
    %lt3A_27 = arith.constant 15 : i32
    %lt3A_28 = arith.cmpi slt, %arg1, %lt3A_27 : i32
    %convert_element_type3A_29 = arith.extui %lt3A_28 : i1 to i32
    %cond3A_30 = arith.constant 0 : i32
    %cond3A_31 = arith.cmpi ne, %convert_element_type3A_29, %cond3A_30 : i32
    scf.if %cond3A_31 {
      %scan3A_37 = arith.constant 0 : i32
      %scan3A_38 = arith.constant 7 : i32
      %scan3A_39 = arith.addi %scan3A_37, %scan3A_38 : i32
      %scan3A_40 = arith.constant 1 : i32
      scf.for %scan3A_49 = %scan3A_37 to %scan3A_39 step %scan3A_40  : i32 {
        %mul3A_50 = arith.constant 1 : i32
        %mul3A_51 = arith.muli %scan3A_49, %mul3A_50 : i32
        %add3A_52 = arith.constant 0 : i32
        %add3A_53 = arith.addi %add3A_52, %mul3A_51 : i32
        %mul3A_54 = arith.constant 80 : i32
        %mul3A_55 = arith.muli %add3A_53, %mul3A_54 : i32
        %add3A_56 = arith.addi %mul3A_4, %mul3A_55 : i32
        "tpu.region"() ({
          %run_scoped3A = tpu.sem_alloc : memref<!tpu.dma_semaphore, #tpu.memory_space<semaphore_mem>>
          %dma_start3A_63 = arith.constant 0 : i32
          %dma_start3A_64 = tpu.memref_slice %arg13[%add3A_56, %dma_start3A_63] : memref<10000x128xf32, #tpu.memory_space<vmem_shared>> -> memref<80x128xf32, #tpu.memory_space<vmem_shared>>
          %dma_start3A_65 = arith.constant 0 : i32
          %dma_start3A_66 = tpu.memref_slice %arg13[%add3A_56, %dma_start3A_65] : memref<10000x128xf32, #tpu.memory_space<vmem_shared>> -> memref<80x128xf32, #tpu.memory_space<vmem_shared>>
          tpu.enqueue_dma source(%dma_start3A_66 : memref<80x128xf32, #tpu.memory_space<vmem_shared>>) target(%arg11 : memref<80x128xf32, #tpu.memory_space<vmem>>) target_semaphore(%run_scoped3A : memref<!tpu.dma_semaphore, #tpu.memory_space<semaphore_mem>>)
          %dma_wait3A_67 = arith.constant 0 : i32
          %dma_wait3A_68 = tpu.memref_slice %arg13[%add3A_56, %dma_wait3A_67] : memref<10000x128xf32, #tpu.memory_space<vmem_shared>> -> memref<80x128xf32, #tpu.memory_space<vmem_shared>>
          %dma_wait3A_69 = arith.constant 0 : i32
          %dma_wait3A_70 = tpu.memref_slice %arg13[%add3A_56, %dma_wait3A_69] : memref<10000x128xf32, #tpu.memory_space<vmem_shared>> -> memref<80x128xf32, #tpu.memory_space<vmem_shared>>
          tpu.wait_dma2 semaphore(%run_scoped3A : memref<!tpu.dma_semaphore, #tpu.memory_space<semaphore_mem>>) src(%dma_wait3A_70 : memref<80x128xf32, #tpu.memory_space<vmem_shared>>) dst(%arg11 : memref<80x128xf32, #tpu.memory_space<vmem>>)
          tpu.yield
        }) : () -> ()
        %mul3A_57 = arith.constant 10000 : i32
        %mul3A_58 = arith.muli %arg0, %mul3A_57 : i32
        %add3A_59 = arith.addi %mul3A_58, %mul3A_4 : i32
        %mul3A_60 = arith.constant 80 : i32
        %mul3A_61 = arith.muli %add3A_53, %mul3A_60 : i32
        %add3A_62 = arith.addi %add3A_59, %mul3A_61 : i32
        "tpu.region"() ({
          %run_scoped3A = tpu.sem_alloc : memref<!tpu.dma_semaphore, #tpu.memory_space<semaphore_mem>>
          %dma_start3A_63 = arith.constant 0 : i32
          %dma_start3A_64 = tpu.memref_slice %arg6[%add3A_62, %dma_start3A_63] : memref<20000x128xf32, #tpu.memory_space<hbm>> -> memref<80x128xf32, #tpu.memory_space<hbm>>
          %dma_start3A_65 = arith.constant 0 : i32
          %dma_start3A_66 = tpu.memref_slice %arg6[%add3A_62, %dma_start3A_65] : memref<20000x128xf32, #tpu.memory_space<hbm>> -> memref<80x128xf32, #tpu.memory_space<hbm>>
          tpu.enqueue_dma source(%arg11 : memref<80x128xf32, #tpu.memory_space<vmem>>) target(%dma_start3A_66 : memref<80x128xf32, #tpu.memory_space<hbm>>) target_semaphore(%run_scoped3A : memref<!tpu.dma_semaphore, #tpu.memory_space<semaphore_mem>>)
          %dma_wait3A_67 = arith.constant 0 : i32
          %dma_wait3A_68 = tpu.memref_slice %arg6[%add3A_62, %dma_wait3A_67] : memref<20000x128xf32, #tpu.memory_space<hbm>> -> memref<80x128xf32, #tpu.memory_space<hbm>>
          %dma_wait3A_69 = arith.constant 0 : i32
          %dma_wait3A_70 = tpu.memref_slice %arg6[%add3A_62, %dma_wait3A_69] : memref<20000x128xf32, #tpu.memory_space<hbm>> -> memref<80x128xf32, #tpu.memory_space<hbm>>
          tpu.wait_dma2 semaphore(%run_scoped3A : memref<!tpu.dma_semaphore, #tpu.memory_space<semaphore_mem>>) src(%arg11 : memref<80x128xf32, #tpu.memory_space<vmem>>) dst(%dma_wait3A_70 : memref<80x128xf32, #tpu.memory_space<hbm>>)
          tpu.yield
        }) : () -> ()
      }
      %scan3A_41 = arith.constant 7 : i32
      %add3A_42 = arith.constant 560 : i32
      %add3A_43 = arith.addi %mul3A_4, %add3A_42 : i32
      "tpu.region"() ({
        %run_scoped3A = tpu.sem_alloc : memref<!tpu.dma_semaphore, #tpu.memory_space<semaphore_mem>>
        %dma_start3A_49 = arith.constant 0 : i32
        %dma_start3A_50 = arith.constant 0 : i32
        %dma_start3A_51 = tpu.memref_slice %arg11[%dma_start3A_49, %dma_start3A_50] : memref<80x128xf32, #tpu.memory_space<vmem>> -> memref<64x128xf32, #tpu.memory_space<vmem>>
        %dma_start3A_52 = arith.constant 0 : i32
        %dma_start3A_53 = tpu.memref_slice %arg13[%add3A_43, %dma_start3A_52] : memref<10000x128xf32, #tpu.memory_space<vmem_shared>> -> memref<64x128xf32, #tpu.memory_space<vmem_shared>>
        %dma_start3A_54 = arith.constant 0 : i32
        %dma_start3A_55 = arith.constant 0 : i32
        %dma_start3A_56 = tpu.memref_slice %arg11[%dma_start3A_54, %dma_start3A_55] : memref<80x128xf32, #tpu.memory_space<vmem>> -> memref<64x128xf32, #tpu.memory_space<vmem>>
        %dma_start3A_57 = arith.constant 0 : i32
        %dma_start3A_58 = tpu.memref_slice %arg13[%add3A_43, %dma_start3A_57] : memref<10000x128xf32, #tpu.memory_space<vmem_shared>> -> memref<64x128xf32, #tpu.memory_space<vmem_shared>>
        tpu.enqueue_dma source(%dma_start3A_58 : memref<64x128xf32, #tpu.memory_space<vmem_shared>>) target(%dma_start3A_56 : memref<64x128xf32, #tpu.memory_space<vmem>>) target_semaphore(%run_scoped3A : memref<!tpu.dma_semaphore, #tpu.memory_space<semaphore_mem>>)
        %dma_wait3A_59 = arith.constant 0 : i32
        %dma_wait3A_60 = arith.constant 0 : i32
        %dma_wait3A_61 = tpu.memref_slice %arg11[%dma_wait3A_59, %dma_wait3A_60] : memref<80x128xf32, #tpu.memory_space<vmem>> -> memref<64x128xf32, #tpu.memory_space<vmem>>
        %dma_wait3A_62 = arith.constant 0 : i32
        %dma_wait3A_63 = tpu.memref_slice %arg13[%add3A_43, %dma_wait3A_62] : memref<10000x128xf32, #tpu.memory_space<vmem_shared>> -> memref<64x128xf32, #tpu.memory_space<vmem_shared>>
        %dma_wait3A_64 = arith.constant 0 : i32
        %dma_wait3A_65 = arith.constant 0 : i32
        %dma_wait3A_66 = tpu.memref_slice %arg11[%dma_wait3A_64, %dma_wait3A_65] : memref<80x128xf32, #tpu.memory_space<vmem>> -> memref<64x128xf32, #tpu.memory_space<vmem>>
        %dma_wait3A_67 = arith.constant 0 : i32
        %dma_wait3A_68 = tpu.memref_slice %arg13[%add3A_43, %dma_wait3A_67] : memref<10000x128xf32, #tpu.memory_space<vmem_shared>> -> memref<64x128xf32, #tpu.memory_space<vmem_shared>>
        tpu.wait_dma2 semaphore(%run_scoped3A : memref<!tpu.dma_semaphore, #tpu.memory_space<semaphore_mem>>) src(%dma_wait3A_68 : memref<64x128xf32, #tpu.memory_space<vmem_shared>>) dst(%dma_wait3A_66 : memref<64x128xf32, #tpu.memory_space<vmem>>)
        tpu.yield
      }) : () -> ()
      %mul3A_44 = arith.constant 10000 : i32
      %mul3A_45 = arith.muli %arg0, %mul3A_44 : i32
      %add3A_46 = arith.addi %mul3A_45, %mul3A_4 : i32
      %add3A_47 = arith.constant 560 : i32
      %add3A_48 = arith.addi %add3A_46, %add3A_47 : i32
      "tpu.region"() ({
        %run_scoped3A = tpu.sem_alloc : memref<!tpu.dma_semaphore, #tpu.memory_space<semaphore_mem>>
        %dma_start3A_49 = arith.constant 0 : i32
        %dma_start3A_50 = arith.constant 0 : i32
        %dma_start3A_51 = tpu.memref_slice %arg11[%dma_start3A_49, %dma_start3A_50] : memref<80x128xf32, #tpu.memory_space<vmem>> -> memref<64x128xf32, #tpu.memory_space<vmem>>
        %dma_start3A_52 = arith.constant 0 : i32
        %dma_start3A_53 = tpu.memref_slice %arg6[%add3A_48, %dma_start3A_52] : memref<20000x128xf32, #tpu.memory_space<hbm>> -> memref<64x128xf32, #tpu.memory_space<hbm>>
        %dma_start3A_54 = arith.constant 0 : i32
        %dma_start3A_55 = tpu.memref_slice %arg6[%add3A_48, %dma_start3A_54] : memref<20000x128xf32, #tpu.memory_space<hbm>> -> memref<64x128xf32, #tpu.memory_space<hbm>>
        %dma_start3A_56 = arith.constant 0 : i32
        %dma_start3A_57 = arith.constant 0 : i32
        %dma_start3A_58 = tpu.memref_slice %arg11[%dma_start3A_56, %dma_start3A_57] : memref<80x128xf32, #tpu.memory_space<vmem>> -> memref<64x128xf32, #tpu.memory_space<vmem>>
        tpu.enqueue_dma source(%dma_start3A_58 : memref<64x128xf32, #tpu.memory_space<vmem>>) target(%dma_start3A_55 : memref<64x128xf32, #tpu.memory_space<hbm>>) target_semaphore(%run_scoped3A : memref<!tpu.dma_semaphore, #tpu.memory_space<semaphore_mem>>)
        %dma_wait3A_59 = arith.constant 0 : i32
        %dma_wait3A_60 = arith.constant 0 : i32
        %dma_wait3A_61 = tpu.memref_slice %arg11[%dma_wait3A_59, %dma_wait3A_60] : memref<80x128xf32, #tpu.memory_space<vmem>> -> memref<64x128xf32, #tpu.memory_space<vmem>>
        %dma_wait3A_62 = arith.constant 0 : i32
        %dma_wait3A_63 = tpu.memref_slice %arg6[%add3A_48, %dma_wait3A_62] : memref<20000x128xf32, #tpu.memory_space<hbm>> -> memref<64x128xf32, #tpu.memory_space<hbm>>
        %dma_wait3A_64 = arith.constant 0 : i32
        %dma_wait3A_65 = tpu.memref_slice %arg6[%add3A_48, %dma_wait3A_64] : memref<20000x128xf32, #tpu.memory_space<hbm>> -> memref<64x128xf32, #tpu.memory_space<hbm>>
        %dma_wait3A_66 = arith.constant 0 : i32
        %dma_wait3A_67 = arith.constant 0 : i32
        %dma_wait3A_68 = tpu.memref_slice %arg11[%dma_wait3A_66, %dma_wait3A_67] : memref<80x128xf32, #tpu.memory_space<vmem>> -> memref<64x128xf32, #tpu.memory_space<vmem>>
        tpu.wait_dma2 semaphore(%run_scoped3A : memref<!tpu.dma_semaphore, #tpu.memory_space<semaphore_mem>>) src(%dma_wait3A_68 : memref<64x128xf32, #tpu.memory_space<vmem>>) dst(%dma_wait3A_65 : memref<64x128xf32, #tpu.memory_space<hbm>>)
        tpu.yield
      }) : () -> ()
    } else {
    }
    %eq3A_32 = arith.constant 15 : i32
    %eq3A_33 = arith.cmpi eq, %arg1, %eq3A_32 : i32
    %convert_element_type3A_34 = arith.extui %eq3A_33 : i1 to i32
    %cond3A_35 = arith.constant 0 : i32
    %cond3A_36 = arith.cmpi ne, %convert_element_type3A_34, %cond3A_35 : i32
    scf.if %cond3A_36 {
      %scan3A_37 = arith.constant 0 : i32
      %scan3A_38 = arith.constant 8 : i32
      %scan3A_39 = arith.addi %scan3A_37, %scan3A_38 : i32
      %scan3A_40 = arith.constant 1 : i32
      scf.for %scan3A_42 = %scan3A_37 to %scan3A_39 step %scan3A_40  : i32 {
        %mul3A_43 = arith.constant 1 : i32
        %mul3A_44 = arith.muli %scan3A_42, %mul3A_43 : i32
        %add3A_45 = arith.constant 0 : i32
        %add3A_46 = arith.addi %add3A_45, %mul3A_44 : i32
        %mul3A_47 = arith.constant 80 : i32
        %mul3A_48 = arith.muli %add3A_46, %mul3A_47 : i32
        %add3A_49 = arith.constant 9360 : i32
        %add3A_50 = arith.addi %add3A_49, %mul3A_48 : i32
        "tpu.region"() ({
          %run_scoped3A = tpu.sem_alloc : memref<!tpu.dma_semaphore, #tpu.memory_space<semaphore_mem>>
          %dma_start3A_58 = arith.constant 0 : i32
          %dma_start3A_59 = tpu.memref_slice %arg13[%add3A_50, %dma_start3A_58] : memref<10000x128xf32, #tpu.memory_space<vmem_shared>> -> memref<80x128xf32, #tpu.memory_space<vmem_shared>>
          %dma_start3A_60 = arith.constant 0 : i32
          %dma_start3A_61 = tpu.memref_slice %arg13[%add3A_50, %dma_start3A_60] : memref<10000x128xf32, #tpu.memory_space<vmem_shared>> -> memref<80x128xf32, #tpu.memory_space<vmem_shared>>
          tpu.enqueue_dma source(%dma_start3A_61 : memref<80x128xf32, #tpu.memory_space<vmem_shared>>) target(%arg11 : memref<80x128xf32, #tpu.memory_space<vmem>>) target_semaphore(%run_scoped3A : memref<!tpu.dma_semaphore, #tpu.memory_space<semaphore_mem>>)
          %dma_wait3A_62 = arith.constant 0 : i32
          %dma_wait3A_63 = tpu.memref_slice %arg13[%add3A_50, %dma_wait3A_62] : memref<10000x128xf32, #tpu.memory_space<vmem_shared>> -> memref<80x128xf32, #tpu.memory_space<vmem_shared>>
          %dma_wait3A_64 = arith.constant 0 : i32
          %dma_wait3A_65 = tpu.memref_slice %arg13[%add3A_50, %dma_wait3A_64] : memref<10000x128xf32, #tpu.memory_space<vmem_shared>> -> memref<80x128xf32, #tpu.memory_space<vmem_shared>>
          tpu.wait_dma2 semaphore(%run_scoped3A : memref<!tpu.dma_semaphore, #tpu.memory_space<semaphore_mem>>) src(%dma_wait3A_65 : memref<80x128xf32, #tpu.memory_space<vmem_shared>>) dst(%arg11 : memref<80x128xf32, #tpu.memory_space<vmem>>)
          tpu.yield
        }) : () -> ()
        %mul3A_51 = arith.constant 10000 : i32
        %mul3A_52 = arith.muli %arg0, %mul3A_51 : i32
        %add3A_53 = arith.constant 9360 : i32
        %add3A_54 = arith.addi %mul3A_52, %add3A_53 : i32
        %mul3A_55 = arith.constant 80 : i32
        %mul3A_56 = arith.muli %add3A_46, %mul3A_55 : i32
        %add3A_57 = arith.addi %add3A_54, %mul3A_56 : i32
        "tpu.region"() ({
          %run_scoped3A = tpu.sem_alloc : memref<!tpu.dma_semaphore, #tpu.memory_space<semaphore_mem>>
          %dma_start3A_58 = arith.constant 0 : i32
          %dma_start3A_59 = tpu.memref_slice %arg6[%add3A_57, %dma_start3A_58] : memref<20000x128xf32, #tpu.memory_space<hbm>> -> memref<80x128xf32, #tpu.memory_space<hbm>>
          %dma_start3A_60 = arith.constant 0 : i32
          %dma_start3A_61 = tpu.memref_slice %arg6[%add3A_57, %dma_start3A_60] : memref<20000x128xf32, #tpu.memory_space<hbm>> -> memref<80x128xf32, #tpu.memory_space<hbm>>
          tpu.enqueue_dma source(%arg11 : memref<80x128xf32, #tpu.memory_space<vmem>>) target(%dma_start3A_61 : memref<80x128xf32, #tpu.memory_space<hbm>>) target_semaphore(%run_scoped3A : memref<!tpu.dma_semaphore, #tpu.memory_space<semaphore_mem>>)
          %dma_wait3A_62 = arith.constant 0 : i32
          %dma_wait3A_63 = tpu.memref_slice %arg6[%add3A_57, %dma_wait3A_62] : memref<20000x128xf32, #tpu.memory_space<hbm>> -> memref<80x128xf32, #tpu.memory_space<hbm>>
          %dma_wait3A_64 = arith.constant 0 : i32
          %dma_wait3A_65 = tpu.memref_slice %arg6[%add3A_57, %dma_wait3A_64] : memref<20000x128xf32, #tpu.memory_space<hbm>> -> memref<80x128xf32, #tpu.memory_space<hbm>>
          tpu.wait_dma2 semaphore(%run_scoped3A : memref<!tpu.dma_semaphore, #tpu.memory_space<semaphore_mem>>) src(%arg11 : memref<80x128xf32, #tpu.memory_space<vmem>>) dst(%dma_wait3A_65 : memref<80x128xf32, #tpu.memory_space<hbm>>)
          tpu.yield
        }) : () -> ()
      }
      %scan3A_41 = arith.constant 8 : i32
    } else {
    }
    return
  }
}

#map = affine_map<(d0, d1) -> (0)>
#map1 = affine_map<(d0, d1) -> (0, 0)>
module attributes {stable_mosaic.version = 14 : i64} {
  func.func @_deg(%arg0: i32, %arg1: i32, %arg2: memref<320000xi32, #tpu.memory_space<hbm>>, %arg3: memref<80x128xf32, #tpu.memory_space<hbm>>, %arg4: memref<80x128xf32, #tpu.memory_space<hbm>>, %arg5: memref<20000x128xf32, #tpu.memory_space<hbm>>, %arg6: memref<80xi32, #tpu.memory_space<vmem>>, %arg7: memref<80x128xf32, #tpu.memory_space<vmem>>, %arg8: memref<80x128xf32, #tpu.memory_space<vmem>>, %arg9: memref<10000x128xf32, #tpu.memory_space<vmem_shared>>) attributes {dimension_semantics = [#tpu.dimension_semantics<core_parallel>, #tpu.dimension_semantics<subcore_parallel>], iteration_bounds = array<i64: 2, 16>, scalar_prefetch = 0 : i64, scratch_operands = 4 : i64, tpu.core_type = #tpu.core_type<sc_vector_subcore>, window_params = [{transform_indices = #map}, {transform_indices = #map1}, {transform_indices = #map1}, {transform_indices = #map1}]} {
    %mul3A = arith.constant 16 : i32
    %mul3A_0 = arith.muli %arg0, %mul3A : i32
    %add3A = arith.addi %mul3A_0, %arg1 : i32
    %mul3A_1 = arith.constant 10000 : i32
    %mul3A_2 = arith.muli %add3A, %mul3A_1 : i32
    %mul3A_3 = arith.constant 624 : i32
    %mul3A_4 = arith.muli %arg1, %mul3A_3 : i32
    "tpu.region"() ({
      %run_scoped3A = tpu.sem_alloc : memref<!tpu.dma_semaphore, #tpu.memory_space<semaphore_mem>>
      tpu.enqueue_dma source(%arg3 : memref<80x128xf32, #tpu.memory_space<hbm>>) target(%arg7 : memref<80x128xf32, #tpu.memory_space<vmem>>) target_semaphore(%run_scoped3A : memref<!tpu.dma_semaphore, #tpu.memory_space<semaphore_mem>>)
      tpu.wait_dma2 semaphore(%run_scoped3A : memref<!tpu.dma_semaphore, #tpu.memory_space<semaphore_mem>>) src(%arg3 : memref<80x128xf32, #tpu.memory_space<hbm>>) dst(%arg7 : memref<80x128xf32, #tpu.memory_space<vmem>>)
      tpu.yield
    }) : () -> ()
    "tpu.region"() ({
      %run_scoped3A = tpu.sem_alloc : memref<!tpu.dma_semaphore, #tpu.memory_space<semaphore_mem>>
      tpu.enqueue_dma source(%arg4 : memref<80x128xf32, #tpu.memory_space<hbm>>) target(%arg8 : memref<80x128xf32, #tpu.memory_space<vmem>>) target_semaphore(%run_scoped3A : memref<!tpu.dma_semaphore, #tpu.memory_space<semaphore_mem>>)
      tpu.wait_dma2 semaphore(%run_scoped3A : memref<!tpu.dma_semaphore, #tpu.memory_space<semaphore_mem>>) src(%arg4 : memref<80x128xf32, #tpu.memory_space<hbm>>) dst(%arg8 : memref<80x128xf32, #tpu.memory_space<vmem>>)
      tpu.yield
    }) : () -> ()
    %lt3A = arith.constant 15 : i32
    %lt3A_5 = arith.cmpi slt, %arg1, %lt3A : i32
    %convert_element_type3A = arith.extui %lt3A_5 : i1 to i32
    %cond3A = arith.constant 0 : i32
    %cond3A_6 = arith.cmpi ne, %convert_element_type3A, %cond3A : i32
    scf.if %cond3A_6 {
      %scan3A_26 = arith.constant 0 : i32
      %scan3A_27 = arith.constant 7 : i32
      %scan3A_28 = arith.addi %scan3A_26, %scan3A_27 : i32
      %scan3A_29 = arith.constant 1 : i32
      scf.for %scan3A_33 = %scan3A_26 to %scan3A_28 step %scan3A_29  : i32 {
        %mul3A_34 = arith.constant 1 : i32
        %mul3A_35 = arith.muli %scan3A_33, %mul3A_34 : i32
        %add3A_36 = arith.constant 0 : i32
        %add3A_37 = arith.addi %add3A_36, %mul3A_35 : i32
        %mul3A_38 = arith.constant 80 : i32
        %mul3A_39 = arith.muli %add3A_37, %mul3A_38 : i32
        %add3A_40 = arith.addi %mul3A_4, %mul3A_39 : i32
        "tpu.region"() ({
          %run_scoped3A = tpu.sem_alloc : memref<!tpu.dma_semaphore, #tpu.memory_space<semaphore_mem>>
          %dma_start3A = arith.constant 0 : i32
          %dma_start3A_41 = tpu.memref_slice %arg9[%add3A_40, %dma_start3A] : memref<10000x128xf32, #tpu.memory_space<vmem_shared>> -> memref<80x128xf32, #tpu.memory_space<vmem_shared>>
          %dma_start3A_42 = arith.constant 0 : i32
          %dma_start3A_43 = tpu.memref_slice %arg9[%add3A_40, %dma_start3A_42] : memref<10000x128xf32, #tpu.memory_space<vmem_shared>> -> memref<80x128xf32, #tpu.memory_space<vmem_shared>>
          tpu.enqueue_dma source(%arg7 : memref<80x128xf32, #tpu.memory_space<vmem>>) target(%dma_start3A_43 : memref<80x128xf32, #tpu.memory_space<vmem_shared>>) target_semaphore(%run_scoped3A : memref<!tpu.dma_semaphore, #tpu.memory_space<semaphore_mem>>)
          %dma_wait3A = arith.constant 0 : i32
          %dma_wait3A_44 = tpu.memref_slice %arg9[%add3A_40, %dma_wait3A] : memref<10000x128xf32, #tpu.memory_space<vmem_shared>> -> memref<80x128xf32, #tpu.memory_space<vmem_shared>>
          %dma_wait3A_45 = arith.constant 0 : i32
          %dma_wait3A_46 = tpu.memref_slice %arg9[%add3A_40, %dma_wait3A_45] : memref<10000x128xf32, #tpu.memory_space<vmem_shared>> -> memref<80x128xf32, #tpu.memory_space<vmem_shared>>
          tpu.wait_dma2 semaphore(%run_scoped3A : memref<!tpu.dma_semaphore, #tpu.memory_space<semaphore_mem>>) src(%arg7 : memref<80x128xf32, #tpu.memory_space<vmem>>) dst(%dma_wait3A_46 : memref<80x128xf32, #tpu.memory_space<vmem_shared>>)
          tpu.yield
        }) : () -> ()
      }
      %scan3A_30 = arith.constant 7 : i32
      %add3A_31 = arith.constant 560 : i32
      %add3A_32 = arith.addi %mul3A_4, %add3A_31 : i32
      "tpu.region"() ({
        %run_scoped3A = tpu.sem_alloc : memref<!tpu.dma_semaphore, #tpu.memory_space<semaphore_mem>>
        %dma_start3A = arith.constant 0 : i32
        %dma_start3A_33 = arith.constant 0 : i32
        %dma_start3A_34 = tpu.memref_slice %arg7[%dma_start3A, %dma_start3A_33] : memref<80x128xf32, #tpu.memory_space<vmem>> -> memref<64x128xf32, #tpu.memory_space<vmem>>
        %dma_start3A_35 = arith.constant 0 : i32
        %dma_start3A_36 = tpu.memref_slice %arg9[%add3A_32, %dma_start3A_35] : memref<10000x128xf32, #tpu.memory_space<vmem_shared>> -> memref<64x128xf32, #tpu.memory_space<vmem_shared>>
        %dma_start3A_37 = arith.constant 0 : i32
        %dma_start3A_38 = tpu.memref_slice %arg9[%add3A_32, %dma_start3A_37] : memref<10000x128xf32, #tpu.memory_space<vmem_shared>> -> memref<64x128xf32, #tpu.memory_space<vmem_shared>>
        %dma_start3A_39 = arith.constant 0 : i32
        %dma_start3A_40 = arith.constant 0 : i32
        %dma_start3A_41 = tpu.memref_slice %arg7[%dma_start3A_39, %dma_start3A_40] : memref<80x128xf32, #tpu.memory_space<vmem>> -> memref<64x128xf32, #tpu.memory_space<vmem>>
        tpu.enqueue_dma source(%dma_start3A_41 : memref<64x128xf32, #tpu.memory_space<vmem>>) target(%dma_start3A_38 : memref<64x128xf32, #tpu.memory_space<vmem_shared>>) target_semaphore(%run_scoped3A : memref<!tpu.dma_semaphore, #tpu.memory_space<semaphore_mem>>)
        %dma_wait3A = arith.constant 0 : i32
        %dma_wait3A_42 = arith.constant 0 : i32
        %dma_wait3A_43 = tpu.memref_slice %arg7[%dma_wait3A, %dma_wait3A_42] : memref<80x128xf32, #tpu.memory_space<vmem>> -> memref<64x128xf32, #tpu.memory_space<vmem>>
        %dma_wait3A_44 = arith.constant 0 : i32
        %dma_wait3A_45 = tpu.memref_slice %arg9[%add3A_32, %dma_wait3A_44] : memref<10000x128xf32, #tpu.memory_space<vmem_shared>> -> memref<64x128xf32, #tpu.memory_space<vmem_shared>>
        %dma_wait3A_46 = arith.constant 0 : i32
        %dma_wait3A_47 = tpu.memref_slice %arg9[%add3A_32, %dma_wait3A_46] : memref<10000x128xf32, #tpu.memory_space<vmem_shared>> -> memref<64x128xf32, #tpu.memory_space<vmem_shared>>
        %dma_wait3A_48 = arith.constant 0 : i32
        %dma_wait3A_49 = arith.constant 0 : i32
        %dma_wait3A_50 = tpu.memref_slice %arg7[%dma_wait3A_48, %dma_wait3A_49] : memref<80x128xf32, #tpu.memory_space<vmem>> -> memref<64x128xf32, #tpu.memory_space<vmem>>
        tpu.wait_dma2 semaphore(%run_scoped3A : memref<!tpu.dma_semaphore, #tpu.memory_space<semaphore_mem>>) src(%dma_wait3A_50 : memref<64x128xf32, #tpu.memory_space<vmem>>) dst(%dma_wait3A_47 : memref<64x128xf32, #tpu.memory_space<vmem_shared>>)
        tpu.yield
      }) : () -> ()
    } else {
    }
    %eq3A = arith.constant 15 : i32
    %eq3A_7 = arith.cmpi eq, %arg1, %eq3A : i32
    %convert_element_type3A_8 = arith.extui %eq3A_7 : i1 to i32
    %cond3A_9 = arith.constant 0 : i32
    %cond3A_10 = arith.cmpi ne, %convert_element_type3A_8, %cond3A_9 : i32
    scf.if %cond3A_10 {
      %scan3A_26 = arith.constant 0 : i32
      %scan3A_27 = arith.constant 8 : i32
      %scan3A_28 = arith.addi %scan3A_26, %scan3A_27 : i32
      %scan3A_29 = arith.constant 1 : i32
      scf.for %scan3A_31 = %scan3A_26 to %scan3A_28 step %scan3A_29  : i32 {
        %mul3A_32 = arith.constant 1 : i32
        %mul3A_33 = arith.muli %scan3A_31, %mul3A_32 : i32
        %add3A_34 = arith.constant 0 : i32
        %add3A_35 = arith.addi %add3A_34, %mul3A_33 : i32
        %mul3A_36 = arith.constant 80 : i32
        %mul3A_37 = arith.muli %add3A_35, %mul3A_36 : i32
        %add3A_38 = arith.constant 9360 : i32
        %add3A_39 = arith.addi %add3A_38, %mul3A_37 : i32
        "tpu.region"() ({
          %run_scoped3A = tpu.sem_alloc : memref<!tpu.dma_semaphore, #tpu.memory_space<semaphore_mem>>
          %dma_start3A = arith.constant 0 : i32
          %dma_start3A_40 = tpu.memref_slice %arg9[%add3A_39, %dma_start3A] : memref<10000x128xf32, #tpu.memory_space<vmem_shared>> -> memref<80x128xf32, #tpu.memory_space<vmem_shared>>
          %dma_start3A_41 = arith.constant 0 : i32
          %dma_start3A_42 = tpu.memref_slice %arg9[%add3A_39, %dma_start3A_41] : memref<10000x128xf32, #tpu.memory_space<vmem_shared>> -> memref<80x128xf32, #tpu.memory_space<vmem_shared>>
          tpu.enqueue_dma source(%arg7 : memref<80x128xf32, #tpu.memory_space<vmem>>) target(%dma_start3A_42 : memref<80x128xf32, #tpu.memory_space<vmem_shared>>) target_semaphore(%run_scoped3A : memref<!tpu.dma_semaphore, #tpu.memory_space<semaphore_mem>>)
          %dma_wait3A = arith.constant 0 : i32
          %dma_wait3A_43 = tpu.memref_slice %arg9[%add3A_39, %dma_wait3A] : memref<10000x128xf32, #tpu.memory_space<vmem_shared>> -> memref<80x128xf32, #tpu.memory_space<vmem_shared>>
          %dma_wait3A_44 = arith.constant 0 : i32
          %dma_wait3A_45 = tpu.memref_slice %arg9[%add3A_39, %dma_wait3A_44] : memref<10000x128xf32, #tpu.memory_space<vmem_shared>> -> memref<80x128xf32, #tpu.memory_space<vmem_shared>>
          tpu.wait_dma2 semaphore(%run_scoped3A : memref<!tpu.dma_semaphore, #tpu.memory_space<semaphore_mem>>) src(%arg7 : memref<80x128xf32, #tpu.memory_space<vmem>>) dst(%dma_wait3A_45 : memref<80x128xf32, #tpu.memory_space<vmem_shared>>)
          tpu.yield
        }) : () -> ()
      }
      %scan3A_30 = arith.constant 8 : i32
    } else {
    }
    %barrier3A = arith.constant 0 : index
    tpu.barrier barrier_id(%barrier3A)
    %scan3A = arith.constant 0 : i32
    %scan3A_11 = arith.constant 125 : i32
    %scan3A_12 = arith.addi %scan3A, %scan3A_11 : i32
    %scan3A_13 = arith.constant 1 : i32
    scf.for %scan3A_26 = %scan3A to %scan3A_12 step %scan3A_13  : i32 {
      %mul3A_27 = arith.constant 1 : i32
      %mul3A_28 = arith.muli %scan3A_26, %mul3A_27 : i32
      %add3A_29 = arith.constant 0 : i32
      %add3A_30 = arith.addi %add3A_29, %mul3A_28 : i32
      %mul3A_31 = arith.constant 80 : i32
      %mul3A_32 = arith.muli %add3A_30, %mul3A_31 : i32
      %add3A_33 = arith.addi %mul3A_2, %mul3A_32 : i32
      "tpu.region"() ({
        %run_scoped3A = tpu.sem_alloc : memref<!tpu.dma_semaphore, #tpu.memory_space<semaphore_mem>>
        %dma_start3A = tpu.memref_slice %arg2[%add3A_33] : memref<320000xi32, #tpu.memory_space<hbm>> -> memref<80xi32, #tpu.memory_space<hbm>>
        %dma_start3A_34 = tpu.memref_slice %arg2[%add3A_33] : memref<320000xi32, #tpu.memory_space<hbm>> -> memref<80xi32, #tpu.memory_space<hbm>>
        tpu.enqueue_dma source(%dma_start3A_34 : memref<80xi32, #tpu.memory_space<hbm>>) target(%arg6 : memref<80xi32, #tpu.memory_space<vmem>>) target_semaphore(%run_scoped3A : memref<!tpu.dma_semaphore, #tpu.memory_space<semaphore_mem>>)
        %dma_wait3A = tpu.memref_slice %arg2[%add3A_33] : memref<320000xi32, #tpu.memory_space<hbm>> -> memref<80xi32, #tpu.memory_space<hbm>>
        %dma_wait3A_35 = tpu.memref_slice %arg2[%add3A_33] : memref<320000xi32, #tpu.memory_space<hbm>> -> memref<80xi32, #tpu.memory_space<hbm>>
        tpu.wait_dma2 semaphore(%run_scoped3A : memref<!tpu.dma_semaphore, #tpu.memory_space<semaphore_mem>>) src(%dma_wait3A_35 : memref<80xi32, #tpu.memory_space<hbm>>) dst(%arg6 : memref<80xi32, #tpu.memory_space<vmem>>)
        tpu.yield
      }) : () -> ()
      "tpu.region"() ({
        %run_scoped3A = tpu.sem_alloc : memref<!tpu.dma_semaphore, #tpu.memory_space<semaphore_mem>>
        %dma_start3A = arith.constant 0 : i32
        %dma_start3A_34 = arith.constant 0 : i32
        %dma_start3A_35 = tpu.memref_slice %arg9[%dma_start3A, %dma_start3A_34] : memref<10000x128xf32, #tpu.memory_space<vmem_shared>> -> memref<10000x128xf32, #tpu.memory_space<vmem_shared>>
        tpu.enqueue_indirect_dma source(%arg8 : memref<80x128xf32, #tpu.memory_space<vmem>>) target(%dma_start3A_35 : memref<10000x128xf32, #tpu.memory_space<vmem_shared>>) offsets(%arg6 : memref<80xi32, #tpu.memory_space<vmem>>) semaphore(%run_scoped3A : memref<!tpu.dma_semaphore, #tpu.memory_space<semaphore_mem>>) {add = true}
        %dma_wait3A = arith.constant 0 : i32
        %dma_wait3A_36 = arith.constant 0 : i32
        %dma_wait3A_37 = tpu.memref_slice %arg9[%dma_wait3A, %dma_wait3A_36] : memref<10000x128xf32, #tpu.memory_space<vmem_shared>> -> memref<10000x128xf32, #tpu.memory_space<vmem_shared>>
        tpu.wait_indirect_dma semaphore(%run_scoped3A : memref<!tpu.dma_semaphore, #tpu.memory_space<semaphore_mem>>) src(%arg8 : memref<80x128xf32, #tpu.memory_space<vmem>>) dst(%dma_wait3A_37 : memref<10000x128xf32, #tpu.memory_space<vmem_shared>>)
        tpu.yield
      }) : () -> ()
    }
    %scan3A_14 = arith.constant 125 : i32
    %barrier3A_15 = arith.constant 0 : index
    tpu.barrier barrier_id(%barrier3A_15)
    %lt3A_16 = arith.constant 15 : i32
    %lt3A_17 = arith.cmpi slt, %arg1, %lt3A_16 : i32
    %convert_element_type3A_18 = arith.extui %lt3A_17 : i1 to i32
    %cond3A_19 = arith.constant 0 : i32
    %cond3A_20 = arith.cmpi ne, %convert_element_type3A_18, %cond3A_19 : i32
    scf.if %cond3A_20 {
      %scan3A_26 = arith.constant 0 : i32
      %scan3A_27 = arith.constant 7 : i32
      %scan3A_28 = arith.addi %scan3A_26, %scan3A_27 : i32
      %scan3A_29 = arith.constant 1 : i32
      scf.for %scan3A_38 = %scan3A_26 to %scan3A_28 step %scan3A_29  : i32 {
        %mul3A_39 = arith.constant 1 : i32
        %mul3A_40 = arith.muli %scan3A_38, %mul3A_39 : i32
        %add3A_41 = arith.constant 0 : i32
        %add3A_42 = arith.addi %add3A_41, %mul3A_40 : i32
        %mul3A_43 = arith.constant 80 : i32
        %mul3A_44 = arith.muli %add3A_42, %mul3A_43 : i32
        %add3A_45 = arith.addi %mul3A_4, %mul3A_44 : i32
        "tpu.region"() ({
          %run_scoped3A = tpu.sem_alloc : memref<!tpu.dma_semaphore, #tpu.memory_space<semaphore_mem>>
          %dma_start3A = arith.constant 0 : i32
          %dma_start3A_52 = tpu.memref_slice %arg9[%add3A_45, %dma_start3A] : memref<10000x128xf32, #tpu.memory_space<vmem_shared>> -> memref<80x128xf32, #tpu.memory_space<vmem_shared>>
          %dma_start3A_53 = arith.constant 0 : i32
          %dma_start3A_54 = tpu.memref_slice %arg9[%add3A_45, %dma_start3A_53] : memref<10000x128xf32, #tpu.memory_space<vmem_shared>> -> memref<80x128xf32, #tpu.memory_space<vmem_shared>>
          tpu.enqueue_dma source(%dma_start3A_54 : memref<80x128xf32, #tpu.memory_space<vmem_shared>>) target(%arg7 : memref<80x128xf32, #tpu.memory_space<vmem>>) target_semaphore(%run_scoped3A : memref<!tpu.dma_semaphore, #tpu.memory_space<semaphore_mem>>)
          %dma_wait3A = arith.constant 0 : i32
          %dma_wait3A_55 = tpu.memref_slice %arg9[%add3A_45, %dma_wait3A] : memref<10000x128xf32, #tpu.memory_space<vmem_shared>> -> memref<80x128xf32, #tpu.memory_space<vmem_shared>>
          %dma_wait3A_56 = arith.constant 0 : i32
          %dma_wait3A_57 = tpu.memref_slice %arg9[%add3A_45, %dma_wait3A_56] : memref<10000x128xf32, #tpu.memory_space<vmem_shared>> -> memref<80x128xf32, #tpu.memory_space<vmem_shared>>
          tpu.wait_dma2 semaphore(%run_scoped3A : memref<!tpu.dma_semaphore, #tpu.memory_space<semaphore_mem>>) src(%dma_wait3A_57 : memref<80x128xf32, #tpu.memory_space<vmem_shared>>) dst(%arg7 : memref<80x128xf32, #tpu.memory_space<vmem>>)
          tpu.yield
        }) : () -> ()
        %mul3A_46 = arith.constant 10000 : i32
        %mul3A_47 = arith.muli %arg0, %mul3A_46 : i32
        %add3A_48 = arith.addi %mul3A_47, %mul3A_4 : i32
        %mul3A_49 = arith.constant 80 : i32
        %mul3A_50 = arith.muli %add3A_42, %mul3A_49 : i32
        %add3A_51 = arith.addi %add3A_48, %mul3A_50 : i32
        "tpu.region"() ({
          %run_scoped3A = tpu.sem_alloc : memref<!tpu.dma_semaphore, #tpu.memory_space<semaphore_mem>>
          %dma_start3A = arith.constant 0 : i32
          %dma_start3A_52 = tpu.memref_slice %arg5[%add3A_51, %dma_start3A] : memref<20000x128xf32, #tpu.memory_space<hbm>> -> memref<80x128xf32, #tpu.memory_space<hbm>>
          %dma_start3A_53 = arith.constant 0 : i32
          %dma_start3A_54 = tpu.memref_slice %arg5[%add3A_51, %dma_start3A_53] : memref<20000x128xf32, #tpu.memory_space<hbm>> -> memref<80x128xf32, #tpu.memory_space<hbm>>
          tpu.enqueue_dma source(%arg7 : memref<80x128xf32, #tpu.memory_space<vmem>>) target(%dma_start3A_54 : memref<80x128xf32, #tpu.memory_space<hbm>>) target_semaphore(%run_scoped3A : memref<!tpu.dma_semaphore, #tpu.memory_space<semaphore_mem>>)
          %dma_wait3A = arith.constant 0 : i32
          %dma_wait3A_55 = tpu.memref_slice %arg5[%add3A_51, %dma_wait3A] : memref<20000x128xf32, #tpu.memory_space<hbm>> -> memref<80x128xf32, #tpu.memory_space<hbm>>
          %dma_wait3A_56 = arith.constant 0 : i32
          %dma_wait3A_57 = tpu.memref_slice %arg5[%add3A_51, %dma_wait3A_56] : memref<20000x128xf32, #tpu.memory_space<hbm>> -> memref<80x128xf32, #tpu.memory_space<hbm>>
          tpu.wait_dma2 semaphore(%run_scoped3A : memref<!tpu.dma_semaphore, #tpu.memory_space<semaphore_mem>>) src(%arg7 : memref<80x128xf32, #tpu.memory_space<vmem>>) dst(%dma_wait3A_57 : memref<80x128xf32, #tpu.memory_space<hbm>>)
          tpu.yield
        }) : () -> ()
      }
      %scan3A_30 = arith.constant 7 : i32
      %add3A_31 = arith.constant 560 : i32
      %add3A_32 = arith.addi %mul3A_4, %add3A_31 : i32
      "tpu.region"() ({
        %run_scoped3A = tpu.sem_alloc : memref<!tpu.dma_semaphore, #tpu.memory_space<semaphore_mem>>
        %dma_start3A = arith.constant 0 : i32
        %dma_start3A_38 = arith.constant 0 : i32
        %dma_start3A_39 = tpu.memref_slice %arg7[%dma_start3A, %dma_start3A_38] : memref<80x128xf32, #tpu.memory_space<vmem>> -> memref<64x128xf32, #tpu.memory_space<vmem>>
        %dma_start3A_40 = arith.constant 0 : i32
        %dma_start3A_41 = tpu.memref_slice %arg9[%add3A_32, %dma_start3A_40] : memref<10000x128xf32, #tpu.memory_space<vmem_shared>> -> memref<64x128xf32, #tpu.memory_space<vmem_shared>>
        %dma_start3A_42 = arith.constant 0 : i32
        %dma_start3A_43 = arith.constant 0 : i32
        %dma_start3A_44 = tpu.memref_slice %arg7[%dma_start3A_42, %dma_start3A_43] : memref<80x128xf32, #tpu.memory_space<vmem>> -> memref<64x128xf32, #tpu.memory_space<vmem>>
        %dma_start3A_45 = arith.constant 0 : i32
        %dma_start3A_46 = tpu.memref_slice %arg9[%add3A_32, %dma_start3A_45] : memref<10000x128xf32, #tpu.memory_space<vmem_shared>> -> memref<64x128xf32, #tpu.memory_space<vmem_shared>>
        tpu.enqueue_dma source(%dma_start3A_46 : memref<64x128xf32, #tpu.memory_space<vmem_shared>>) target(%dma_start3A_44 : memref<64x128xf32, #tpu.memory_space<vmem>>) target_semaphore(%run_scoped3A : memref<!tpu.dma_semaphore, #tpu.memory_space<semaphore_mem>>)
        %dma_wait3A = arith.constant 0 : i32
        %dma_wait3A_47 = arith.constant 0 : i32
        %dma_wait3A_48 = tpu.memref_slice %arg7[%dma_wait3A, %dma_wait3A_47] : memref<80x128xf32, #tpu.memory_space<vmem>> -> memref<64x128xf32, #tpu.memory_space<vmem>>
        %dma_wait3A_49 = arith.constant 0 : i32
        %dma_wait3A_50 = tpu.memref_slice %arg9[%add3A_32, %dma_wait3A_49] : memref<10000x128xf32, #tpu.memory_space<vmem_shared>> -> memref<64x128xf32, #tpu.memory_space<vmem_shared>>
        %dma_wait3A_51 = arith.constant 0 : i32
        %dma_wait3A_52 = arith.constant 0 : i32
        %dma_wait3A_53 = tpu.memref_slice %arg7[%dma_wait3A_51, %dma_wait3A_52] : memref<80x128xf32, #tpu.memory_space<vmem>> -> memref<64x128xf32, #tpu.memory_space<vmem>>
        %dma_wait3A_54 = arith.constant 0 : i32
        %dma_wait3A_55 = tpu.memref_slice %arg9[%add3A_32, %dma_wait3A_54] : memref<10000x128xf32, #tpu.memory_space<vmem_shared>> -> memref<64x128xf32, #tpu.memory_space<vmem_shared>>
        tpu.wait_dma2 semaphore(%run_scoped3A : memref<!tpu.dma_semaphore, #tpu.memory_space<semaphore_mem>>) src(%dma_wait3A_55 : memref<64x128xf32, #tpu.memory_space<vmem_shared>>) dst(%dma_wait3A_53 : memref<64x128xf32, #tpu.memory_space<vmem>>)
        tpu.yield
      }) : () -> ()
      %mul3A_33 = arith.constant 10000 : i32
      %mul3A_34 = arith.muli %arg0, %mul3A_33 : i32
      %add3A_35 = arith.addi %mul3A_34, %mul3A_4 : i32
      %add3A_36 = arith.constant 560 : i32
      %add3A_37 = arith.addi %add3A_35, %add3A_36 : i32
      "tpu.region"() ({
        %run_scoped3A = tpu.sem_alloc : memref<!tpu.dma_semaphore, #tpu.memory_space<semaphore_mem>>
        %dma_start3A = arith.constant 0 : i32
        %dma_start3A_38 = arith.constant 0 : i32
        %dma_start3A_39 = tpu.memref_slice %arg7[%dma_start3A, %dma_start3A_38] : memref<80x128xf32, #tpu.memory_space<vmem>> -> memref<64x128xf32, #tpu.memory_space<vmem>>
        %dma_start3A_40 = arith.constant 0 : i32
        %dma_start3A_41 = tpu.memref_slice %arg5[%add3A_37, %dma_start3A_40] : memref<20000x128xf32, #tpu.memory_space<hbm>> -> memref<64x128xf32, #tpu.memory_space<hbm>>
        %dma_start3A_42 = arith.constant 0 : i32
        %dma_start3A_43 = tpu.memref_slice %arg5[%add3A_37, %dma_start3A_42] : memref<20000x128xf32, #tpu.memory_space<hbm>> -> memref<64x128xf32, #tpu.memory_space<hbm>>
        %dma_start3A_44 = arith.constant 0 : i32
        %dma_start3A_45 = arith.constant 0 : i32
        %dma_start3A_46 = tpu.memref_slice %arg7[%dma_start3A_44, %dma_start3A_45] : memref<80x128xf32, #tpu.memory_space<vmem>> -> memref<64x128xf32, #tpu.memory_space<vmem>>
        tpu.enqueue_dma source(%dma_start3A_46 : memref<64x128xf32, #tpu.memory_space<vmem>>) target(%dma_start3A_43 : memref<64x128xf32, #tpu.memory_space<hbm>>) target_semaphore(%run_scoped3A : memref<!tpu.dma_semaphore, #tpu.memory_space<semaphore_mem>>)
        %dma_wait3A = arith.constant 0 : i32
        %dma_wait3A_47 = arith.constant 0 : i32
        %dma_wait3A_48 = tpu.memref_slice %arg7[%dma_wait3A, %dma_wait3A_47] : memref<80x128xf32, #tpu.memory_space<vmem>> -> memref<64x128xf32, #tpu.memory_space<vmem>>
        %dma_wait3A_49 = arith.constant 0 : i32
        %dma_wait3A_50 = tpu.memref_slice %arg5[%add3A_37, %dma_wait3A_49] : memref<20000x128xf32, #tpu.memory_space<hbm>> -> memref<64x128xf32, #tpu.memory_space<hbm>>
        %dma_wait3A_51 = arith.constant 0 : i32
        %dma_wait3A_52 = tpu.memref_slice %arg5[%add3A_37, %dma_wait3A_51] : memref<20000x128xf32, #tpu.memory_space<hbm>> -> memref<64x128xf32, #tpu.memory_space<hbm>>
        %dma_wait3A_53 = arith.constant 0 : i32
        %dma_wait3A_54 = arith.constant 0 : i32
        %dma_wait3A_55 = tpu.memref_slice %arg7[%dma_wait3A_53, %dma_wait3A_54] : memref<80x128xf32, #tpu.memory_space<vmem>> -> memref<64x128xf32, #tpu.memory_space<vmem>>
        tpu.wait_dma2 semaphore(%run_scoped3A : memref<!tpu.dma_semaphore, #tpu.memory_space<semaphore_mem>>) src(%dma_wait3A_55 : memref<64x128xf32, #tpu.memory_space<vmem>>) dst(%dma_wait3A_52 : memref<64x128xf32, #tpu.memory_space<hbm>>)
        tpu.yield
      }) : () -> ()
    } else {
    }
    %eq3A_21 = arith.constant 15 : i32
    %eq3A_22 = arith.cmpi eq, %arg1, %eq3A_21 : i32
    %convert_element_type3A_23 = arith.extui %eq3A_22 : i1 to i32
    %cond3A_24 = arith.constant 0 : i32
    %cond3A_25 = arith.cmpi ne, %convert_element_type3A_23, %cond3A_24 : i32
    scf.if %cond3A_25 {
      %scan3A_26 = arith.constant 0 : i32
      %scan3A_27 = arith.constant 8 : i32
      %scan3A_28 = arith.addi %scan3A_26, %scan3A_27 : i32
      %scan3A_29 = arith.constant 1 : i32
      scf.for %scan3A_31 = %scan3A_26 to %scan3A_28 step %scan3A_29  : i32 {
        %mul3A_32 = arith.constant 1 : i32
        %mul3A_33 = arith.muli %scan3A_31, %mul3A_32 : i32
        %add3A_34 = arith.constant 0 : i32
        %add3A_35 = arith.addi %add3A_34, %mul3A_33 : i32
        %mul3A_36 = arith.constant 80 : i32
        %mul3A_37 = arith.muli %add3A_35, %mul3A_36 : i32
        %add3A_38 = arith.constant 9360 : i32
        %add3A_39 = arith.addi %add3A_38, %mul3A_37 : i32
        "tpu.region"() ({
          %run_scoped3A = tpu.sem_alloc : memref<!tpu.dma_semaphore, #tpu.memory_space<semaphore_mem>>
          %dma_start3A = arith.constant 0 : i32
          %dma_start3A_47 = tpu.memref_slice %arg9[%add3A_39, %dma_start3A] : memref<10000x128xf32, #tpu.memory_space<vmem_shared>> -> memref<80x128xf32, #tpu.memory_space<vmem_shared>>
          %dma_start3A_48 = arith.constant 0 : i32
          %dma_start3A_49 = tpu.memref_slice %arg9[%add3A_39, %dma_start3A_48] : memref<10000x128xf32, #tpu.memory_space<vmem_shared>> -> memref<80x128xf32, #tpu.memory_space<vmem_shared>>
          tpu.enqueue_dma source(%dma_start3A_49 : memref<80x128xf32, #tpu.memory_space<vmem_shared>>) target(%arg7 : memref<80x128xf32, #tpu.memory_space<vmem>>) target_semaphore(%run_scoped3A : memref<!tpu.dma_semaphore, #tpu.memory_space<semaphore_mem>>)
          %dma_wait3A = arith.constant 0 : i32
          %dma_wait3A_50 = tpu.memref_slice %arg9[%add3A_39, %dma_wait3A] : memref<10000x128xf32, #tpu.memory_space<vmem_shared>> -> memref<80x128xf32, #tpu.memory_space<vmem_shared>>
          %dma_wait3A_51 = arith.constant 0 : i32
          %dma_wait3A_52 = tpu.memref_slice %arg9[%add3A_39, %dma_wait3A_51] : memref<10000x128xf32, #tpu.memory_space<vmem_shared>> -> memref<80x128xf32, #tpu.memory_space<vmem_shared>>
          tpu.wait_dma2 semaphore(%run_scoped3A : memref<!tpu.dma_semaphore, #tpu.memory_space<semaphore_mem>>) src(%dma_wait3A_52 : memref<80x128xf32, #tpu.memory_space<vmem_shared>>) dst(%arg7 : memref<80x128xf32, #tpu.memory_space<vmem>>)
          tpu.yield
        }) : () -> ()
        %mul3A_40 = arith.constant 10000 : i32
        %mul3A_41 = arith.muli %arg0, %mul3A_40 : i32
        %add3A_42 = arith.constant 9360 : i32
        %add3A_43 = arith.addi %mul3A_41, %add3A_42 : i32
        %mul3A_44 = arith.constant 80 : i32
        %mul3A_45 = arith.muli %add3A_35, %mul3A_44 : i32
        %add3A_46 = arith.addi %add3A_43, %mul3A_45 : i32
        "tpu.region"() ({
          %run_scoped3A = tpu.sem_alloc : memref<!tpu.dma_semaphore, #tpu.memory_space<semaphore_mem>>
          %dma_start3A = arith.constant 0 : i32
          %dma_start3A_47 = tpu.memref_slice %arg5[%add3A_46, %dma_start3A] : memref<20000x128xf32, #tpu.memory_space<hbm>> -> memref<80x128xf32, #tpu.memory_space<hbm>>
          %dma_start3A_48 = arith.constant 0 : i32
          %dma_start3A_49 = tpu.memref_slice %arg5[%add3A_46, %dma_start3A_48] : memref<20000x128xf32, #tpu.memory_space<hbm>> -> memref<80x128xf32, #tpu.memory_space<hbm>>
          tpu.enqueue_dma source(%arg7 : memref<80x128xf32, #tpu.memory_space<vmem>>) target(%dma_start3A_49 : memref<80x128xf32, #tpu.memory_space<hbm>>) target_semaphore(%run_scoped3A : memref<!tpu.dma_semaphore, #tpu.memory_space<semaphore_mem>>)
          %dma_wait3A = arith.constant 0 : i32
          %dma_wait3A_50 = tpu.memref_slice %arg5[%add3A_46, %dma_wait3A] : memref<20000x128xf32, #tpu.memory_space<hbm>> -> memref<80x128xf32, #tpu.memory_space<hbm>>
          %dma_wait3A_51 = arith.constant 0 : i32
          %dma_wait3A_52 = tpu.memref_slice %arg5[%add3A_46, %dma_wait3A_51] : memref<20000x128xf32, #tpu.memory_space<hbm>> -> memref<80x128xf32, #tpu.memory_space<hbm>>
          tpu.wait_dma2 semaphore(%run_scoped3A : memref<!tpu.dma_semaphore, #tpu.memory_space<semaphore_mem>>) src(%arg7 : memref<80x128xf32, #tpu.memory_space<vmem>>) dst(%dma_wait3A_52 : memref<80x128xf32, #tpu.memory_space<hbm>>)
          tpu.yield
        }) : () -> ()
      }
      %scan3A_30 = arith.constant 8 : i32
    } else {
    }
    return
  }
}

module attributes {stable_mosaic.version = 14 : i64} {
  func.func @_dense1_body(%arg0: i32, %arg1: memref<400x128xf32, #tpu.memory_space<vmem>>, %arg2: memref<400x128xf32, #tpu.memory_space<vmem>>, %arg3: memref<400x128xf32, #tpu.memory_space<vmem>>, %arg4: memref<400x128xf32, #tpu.memory_space<vmem>>, %arg5: memref<400x128xf32, #tpu.memory_space<vmem>>, %arg6: memref<128x128xf32, #tpu.memory_space<vmem>>, %arg7: memref<128x128xf32, #tpu.memory_space<vmem>>, %arg8: memref<1x128xf32, #tpu.memory_space<vmem>>, %arg9: memref<400x128xf32, #tpu.memory_space<vmem>>, %arg10: memref<400x1xf32, #tpu.memory_space<vmem>>) attributes {dimension_semantics = [#tpu.dimension_semantics<arbitrary>], iteration_bounds = array<i64: 25>, scalar_prefetch = 0 : i64, scratch_operands = 0 : i64, tpu.core_type = #tpu.core_type<tc>, window_params = [{transform_indices = @transform_0, window_bounds = array<i64: 400, 128>}, {transform_indices = @transform_1, window_bounds = array<i64: 400, 128>}, {transform_indices = @transform_2, window_bounds = array<i64: 400, 128>}, {transform_indices = @transform_3, window_bounds = array<i64: 400, 128>}, {transform_indices = @transform_4, window_bounds = array<i64: 400, 128>}, {pipeline_mode = #tpu.pipeline_mode<synchronous>, transform_indices = @transform_5, window_bounds = array<i64: 128, 128>}, {pipeline_mode = #tpu.pipeline_mode<synchronous>, transform_indices = @transform_6, window_bounds = array<i64: 128, 128>}, {pipeline_mode = #tpu.pipeline_mode<synchronous>, transform_indices = @transform_7, window_bounds = array<i64: 1, 128>}, {transform_indices = @transform_8, window_bounds = array<i64: 400, 128>}, {transform_indices = @transform_9, window_bounds = array<i64: 400, 1>}]} {
    %get3A = arith.constant 0 : index
    %get3A_0 = arith.constant 0 : index
    %get3A_1 = vector.load %arg3[%get3A, %get3A_0] : memref<400x128xf32, #tpu.memory_space<vmem>>, vector<400x1xf32>
    %get3A_2 = arith.constant 0 : index
    %get3A_3 = arith.constant 0 : index
    %get3A_4 = vector.load %arg4[%get3A_2, %get3A_3] : memref<400x128xf32, #tpu.memory_space<vmem>>, vector<400x1xf32>
    %add3A = arith.addf %get3A_1, %get3A_4 : vector<400x1xf32>
    %max3A = arith.constant 1.000000e+00 : f32
    %max3A_5 = vector.broadcast %max3A : f32 to vector<400x1xf32>
    %max3A_6 = arith.maximumf %add3A, %max3A_5 : vector<400x1xf32>
    %div3A = arith.constant 1.000000e+00 : f32
    %div3A_7 = vector.broadcast %div3A : f32 to vector<400x1xf32>
    %div3A_8 = arith.divf %div3A_7, %max3A_6 : vector<400x1xf32>
    %get3A_9 = arith.constant 0 : index
    %get3A_10 = arith.constant 0 : index
    %get3A_11 = vector.load %arg1[%get3A_9, %get3A_10] : memref<400x128xf32, #tpu.memory_space<vmem>>, vector<400x128xf32>
    %get3A_12 = arith.constant 0 : index
    %get3A_13 = arith.constant 0 : index
    %get3A_14 = vector.load %arg2[%get3A_12, %get3A_13] : memref<400x128xf32, #tpu.memory_space<vmem>>, vector<400x128xf32>
    %add3A_15 = arith.addf %get3A_11, %get3A_14 : vector<400x128xf32>
    %mul3A = vector.broadcast %div3A_8 : vector<400x1xf32> to vector<400x128xf32>
    %mul3A_16 = arith.mulf %add3A_15, %mul3A : vector<400x128xf32>
    %get3A_17 = arith.constant 0 : index
    %get3A_18 = arith.constant 0 : index
    %get3A_19 = vector.load %arg6[%get3A_17, %get3A_18] : memref<128x128xf32, #tpu.memory_space<vmem>>, vector<128x128xf32>
    %dot_general3A = arith.constant dense<0.000000e+00> : vector<400x128xf32>
    %dot_general3A_20 = tpu.matmul %mul3A_16, %get3A_19, %dot_general3A {dimension_numbers = #tpu.dot_dimension_numbers<[1], [0], [0], [1], [0, 0, 1, 1], [], []>, transpose_lhs_hint = false} : vector<400x128xf32>, vector<128x128xf32>, vector<400x128xf32> -> vector<400x128xf32>
    %get3A_21 = arith.constant 0 : index
    %get3A_22 = arith.constant 0 : index
    %get3A_23 = vector.load %arg5[%get3A_21, %get3A_22] : memref<400x128xf32, #tpu.memory_space<vmem>>, vector<400x128xf32>
    %get3A_24 = arith.constant 0 : index
    %get3A_25 = arith.constant 0 : index
    %get3A_26 = vector.load %arg7[%get3A_24, %get3A_25] : memref<128x128xf32, #tpu.memory_space<vmem>>, vector<128x128xf32>
    %dot_general3A_27 = arith.constant dense<0.000000e+00> : vector<400x128xf32>
    %dot_general3A_28 = tpu.matmul %get3A_23, %get3A_26, %dot_general3A_27 {dimension_numbers = #tpu.dot_dimension_numbers<[1], [0], [0], [1], [0, 0, 1, 1], [], []>, transpose_lhs_hint = false} : vector<400x128xf32>, vector<128x128xf32>, vector<400x128xf32> -> vector<400x128xf32>
    %add3A_29 = arith.addf %dot_general3A_20, %dot_general3A_28 : vector<400x128xf32>
    %get3A_30 = arith.constant 0 : index
    %get3A_31 = arith.constant 0 : index
    %get3A_32 = vector.load %arg8[%get3A_30, %get3A_31] : memref<1x128xf32, #tpu.memory_space<vmem>>, vector<1x128xf32>
    %add3A_33 = vector.broadcast %get3A_32 : vector<1x128xf32> to vector<400x128xf32>
    %add3A_34 = arith.addf %add3A_29, %add3A_33 : vector<400x128xf32>
    %max3A_35 = arith.constant 0.000000e+00 : f32
    %max3A_36 = vector.broadcast %max3A_35 : f32 to vector<400x128xf32>
    %max3A_37 = arith.maximumf %add3A_34, %max3A_36 : vector<400x128xf32>
    %swap3A = arith.constant 0 : index
    %swap3A_38 = arith.constant 0 : index
    %swap3A_39 = vector.load %arg9[%swap3A, %swap3A_38] : memref<400x128xf32, #tpu.memory_space<vmem>>, vector<400x128xf32>
    tpu.vector_store %arg9[%swap3A, %swap3A_38], %max3A_37 {strides = array<i32>} : memref<400x128xf32, #tpu.memory_space<vmem>>, vector<400x128xf32>,
    %swap3A_40 = arith.constant 0 : index
    %swap3A_41 = arith.constant 0 : index
    %swap3A_42 = vector.load %arg10[%swap3A_40, %swap3A_41] : memref<400x1xf32, #tpu.memory_space<vmem>>, vector<400x1xf32>
    tpu.vector_store %arg10[%swap3A_40, %swap3A_41], %div3A_8 {strides = array<i32>} : memref<400x1xf32, #tpu.memory_space<vmem>>, vector<400x1xf32>,
    return
  }
  func.func @transform_0(%arg0: i32) -> (i32, i32) {
    %c0_i32 = arith.constant 0 : i32
    %c0_i32_0 = arith.constant 0 : i32
    return %arg0, %c0_i32 : i32, i32
  }
  func.func @transform_1(%arg0: i32) -> (i32, i32) {
    %add3A = arith.constant 25 : i32
    %add3A_0 = arith.addi %arg0, %add3A : i32
    %c0_i32 = arith.constant 0 : i32
    %c0_i32_1 = arith.constant 0 : i32
    return %add3A_0, %c0_i32 : i32, i32
  }
  func.func @transform_2(%arg0: i32) -> (i32, i32) {
    %c0_i32 = arith.constant 0 : i32
    %c0_i32_0 = arith.constant 0 : i32
    return %arg0, %c0_i32 : i32, i32
  }
  func.func @transform_3(%arg0: i32) -> (i32, i32) {
    %add3A = arith.constant 25 : i32
    %add3A_0 = arith.addi %arg0, %add3A : i32
    %c0_i32 = arith.constant 0 : i32
    %c0_i32_1 = arith.constant 0 : i32
    return %add3A_0, %c0_i32 : i32, i32
  }
  func.func @transform_4(%arg0: i32) -> (i32, i32) {
    %c0_i32 = arith.constant 0 : i32
    %c0_i32_0 = arith.constant 0 : i32
    return %arg0, %c0_i32 : i32, i32
  }
  func.func @transform_5(%arg0: i32) -> (i32, i32) {
    %c0_i32 = arith.constant 0 : i32
    %c0_i32_0 = arith.constant 0 : i32
    %c0_i32_1 = arith.constant 0 : i32
    return %c0_i32, %c0_i32_0 : i32, i32
  }
  func.func @transform_6(%arg0: i32) -> (i32, i32) {
    %c0_i32 = arith.constant 0 : i32
    %c0_i32_0 = arith.constant 0 : i32
    %c0_i32_1 = arith.constant 0 : i32
    return %c0_i32, %c0_i32_0 : i32, i32
  }
  func.func @transform_7(%arg0: i32) -> (i32, i32) {
    %c0_i32 = arith.constant 0 : i32
    %c0_i32_0 = arith.constant 0 : i32
    %c0_i32_1 = arith.constant 0 : i32
    return %c0_i32, %c0_i32_0 : i32, i32
  }
  func.func @transform_8(%arg0: i32) -> (i32, i32) {
    %c0_i32 = arith.constant 0 : i32
    %c0_i32_0 = arith.constant 0 : i32
    return %arg0, %c0_i32 : i32, i32
  }
  func.func @transform_9(%arg0: i32) -> (i32, i32) {
    %c0_i32 = arith.constant 0 : i32
    %c0_i32_0 = arith.constant 0 : i32
    return %arg0, %c0_i32 : i32, i32
  }
}

module attributes {stable_mosaic.version = 14 : i64} {
  func.func @_dense2_body(%arg0: i32, %arg1: memref<400x128xf32, #tpu.memory_space<vmem>>, %arg2: memref<400x128xf32, #tpu.memory_space<vmem>>, %arg3: memref<400x1xf32, #tpu.memory_space<vmem>>, %arg4: memref<400x128xf32, #tpu.memory_space<vmem>>, %arg5: memref<128x128xf32, #tpu.memory_space<vmem>>, %arg6: memref<128x128xf32, #tpu.memory_space<vmem>>, %arg7: memref<1x128xf32, #tpu.memory_space<vmem>>, %arg8: memref<400x1xi32, #tpu.memory_space<vmem>>, %arg9: memref<128x1xf32, #tpu.memory_space<vmem>>, %arg10: memref<1x1xf32, #tpu.memory_space<vmem>>, %arg11: memref<64x1xf32, #tpu.memory_space<vmem>>, %arg12: memref<64x128xf32, #tpu.memory_space<vmem>>, %arg13: memref<64x128xf32, #tpu.memory_space<vmem>>) attributes {dimension_semantics = [#tpu.dimension_semantics<arbitrary>], iteration_bounds = array<i64: 25>, scalar_prefetch = 0 : i64, scratch_operands = 2 : i64, tpu.core_type = #tpu.core_type<tc>, window_params = [{transform_indices = @transform_0, window_bounds = array<i64: 400, 128>}, {transform_indices = @transform_1, window_bounds = array<i64: 400, 128>}, {transform_indices = @transform_2, window_bounds = array<i64: 400, 1>}, {transform_indices = @transform_3, window_bounds = array<i64: 400, 128>}, {pipeline_mode = #tpu.pipeline_mode<synchronous>, transform_indices = @transform_4, window_bounds = array<i64: 128, 128>}, {pipeline_mode = #tpu.pipeline_mode<synchronous>, transform_indices = @transform_5, window_bounds = array<i64: 128, 128>}, {pipeline_mode = #tpu.pipeline_mode<synchronous>, transform_indices = @transform_6, window_bounds = array<i64: 1, 128>}, {transform_indices = @transform_7, window_bounds = array<i64: 400, 1>}, {pipeline_mode = #tpu.pipeline_mode<synchronous>, transform_indices = @transform_8, window_bounds = array<i64: 128, 1>}, {pipeline_mode = #tpu.pipeline_mode<synchronous>, transform_indices = @transform_9, window_bounds = array<i64: 1, 1>}, {pipeline_mode = #tpu.pipeline_mode<synchronous>, transform_indices = @transform_10, window_bounds = array<i64: 64, 1>}]} {
    %get3A = arith.constant 0 : index
    %get3A_0 = arith.constant 0 : index
    %get3A_1 = vector.load %arg1[%get3A, %get3A_0] : memref<400x128xf32, #tpu.memory_space<vmem>>, vector<400x128xf32>
    %get3A_2 = arith.constant 0 : index
    %get3A_3 = arith.constant 0 : index
    %get3A_4 = vector.load %arg2[%get3A_2, %get3A_3] : memref<400x128xf32, #tpu.memory_space<vmem>>, vector<400x128xf32>
    %add3A = arith.addf %get3A_1, %get3A_4 : vector<400x128xf32>
    %get3A_5 = arith.constant 0 : index
    %get3A_6 = arith.constant 0 : index
    %get3A_7 = vector.load %arg3[%get3A_5, %get3A_6] : memref<400x1xf32, #tpu.memory_space<vmem>>, vector<400x1xf32>
    %mul3A = vector.broadcast %get3A_7 : vector<400x1xf32> to vector<400x128xf32>
    %mul3A_8 = arith.mulf %add3A, %mul3A : vector<400x128xf32>
    %get3A_9 = arith.constant 0 : index
    %get3A_10 = arith.constant 0 : index
    %get3A_11 = vector.load %arg5[%get3A_9, %get3A_10] : memref<128x128xf32, #tpu.memory_space<vmem>>, vector<128x128xf32>
    %dot_general3A = arith.constant dense<0.000000e+00> : vector<400x128xf32>
    %dot_general3A_12 = tpu.matmul %mul3A_8, %get3A_11, %dot_general3A {dimension_numbers = #tpu.dot_dimension_numbers<[1], [0], [0], [1], [0, 0, 1, 1], [], []>, transpose_lhs_hint = false} : vector<400x128xf32>, vector<128x128xf32>, vector<400x128xf32> -> vector<400x128xf32>
    %get3A_13 = arith.constant 0 : index
    %get3A_14 = arith.constant 0 : index
    %get3A_15 = vector.load %arg4[%get3A_13, %get3A_14] : memref<400x128xf32, #tpu.memory_space<vmem>>, vector<400x128xf32>
    %get3A_16 = arith.constant 0 : index
    %get3A_17 = arith.constant 0 : index
    %get3A_18 = vector.load %arg6[%get3A_16, %get3A_17] : memref<128x128xf32, #tpu.memory_space<vmem>>, vector<128x128xf32>
    %dot_general3A_19 = arith.constant dense<0.000000e+00> : vector<400x128xf32>
    %dot_general3A_20 = tpu.matmul %get3A_15, %get3A_18, %dot_general3A_19 {dimension_numbers = #tpu.dot_dimension_numbers<[1], [0], [0], [1], [0, 0, 1, 1], [], []>, transpose_lhs_hint = false} : vector<400x128xf32>, vector<128x128xf32>, vector<400x128xf32> -> vector<400x128xf32>
    %add3A_21 = arith.addf %dot_general3A_12, %dot_general3A_20 : vector<400x128xf32>
    %get3A_22 = arith.constant 0 : index
    %get3A_23 = arith.constant 0 : index
    %get3A_24 = vector.load %arg7[%get3A_22, %get3A_23] : memref<1x128xf32, #tpu.memory_space<vmem>>, vector<1x128xf32>
    %add3A_25 = vector.broadcast %get3A_24 : vector<1x128xf32> to vector<400x128xf32>
    %add3A_26 = arith.addf %add3A_21, %add3A_25 : vector<400x128xf32>
    %max3A = arith.constant 0.000000e+00 : f32
    %max3A_27 = vector.broadcast %max3A : f32 to vector<400x128xf32>
    %max3A_28 = arith.maximumf %add3A_26, %max3A_27 : vector<400x128xf32>
    %iota3A = tpu.iota {dimensions = array<i32: 1>} : vector<400x64xi32>
    %get3A_29 = arith.constant 0 : index
    %get3A_30 = arith.constant 0 : index
    %get3A_31 = vector.load %arg8[%get3A_29, %get3A_30] : memref<400x1xi32, #tpu.memory_space<vmem>>, vector<400x1xi32>
    %eq3A = vector.broadcast %get3A_31 : vector<400x1xi32> to vector<400x64xi32>
    %eq3A_32 = arith.cmpi eq, %eq3A, %iota3A : vector<400x64xi32>
    %convert_element_type3A = arith.extui %eq3A_32 : vector<400x64xi1> to vector<400x64xi32>
    %convert_element_type3A_33 = arith.sitofp %convert_element_type3A : vector<400x64xi32> to vector<400x64xf32>
    %dot_general3A_34 = arith.constant dense<0.000000e+00> : vector<64x128xf32>
    %dot_general3A_35 = tpu.matmul %convert_element_type3A_33, %max3A_28, %dot_general3A_34 {dimension_numbers = #tpu.dot_dimension_numbers<[0], [0], [1], [1], [0, 1, 1, 1], [], []>, transpose_lhs_hint = false} : vector<400x64xf32>, vector<400x128xf32>, vector<64x128xf32> -> vector<64x128xf32>
    %broadcast_in_dim3A = arith.constant 1.000000e+00 : f32
    %broadcast_in_dim3A_36 = vector.broadcast %broadcast_in_dim3A : f32 to vector<400x128xf32>
    %dot_general3A_37 = arith.constant dense<0.000000e+00> : vector<64x128xf32>
    %dot_general3A_38 = tpu.matmul %convert_element_type3A_33, %broadcast_in_dim3A_36, %dot_general3A_37 {dimension_numbers = #tpu.dot_dimension_numbers<[0], [0], [1], [1], [0, 1, 1, 1], [], []>, transpose_lhs_hint = false} : vector<400x64xf32>, vector<400x128xf32>, vector<64x128xf32> -> vector<64x128xf32>
    %eq3A_39 = arith.constant 0 : i32
    %eq3A_40 = arith.cmpi eq, %arg0, %eq3A_39 : i32
    %convert_element_type3A_41 = arith.extui %eq3A_40 : i1 to i32
    %cond3A = arith.constant 0 : i32
    %cond3A_42 = arith.cmpi ne, %convert_element_type3A_41, %cond3A : i32
    scf.if %cond3A_42 {
      %broadcast_in_dim3A_61 = arith.constant 0.000000e+00 : f32
      %broadcast_in_dim3A_62 = vector.broadcast %broadcast_in_dim3A_61 : f32 to vector<64x128xf32>
      %swap3A_63 = arith.constant 0 : index
      %swap3A_64 = arith.constant 0 : index
      %swap3A_65 = vector.load %arg12[%swap3A_63, %swap3A_64] : memref<64x128xf32, #tpu.memory_space<vmem>>, vector<64x128xf32>
      tpu.vector_store %arg12[%swap3A_63, %swap3A_64], %broadcast_in_dim3A_62 {strides = array<i32>} : memref<64x128xf32, #tpu.memory_space<vmem>>, vector<64x128xf32>,
      %broadcast_in_dim3A_66 = arith.constant 0.000000e+00 : f32
      %broadcast_in_dim3A_67 = vector.broadcast %broadcast_in_dim3A_66 : f32 to vector<64x128xf32>
      %swap3A_68 = arith.constant 0 : index
      %swap3A_69 = arith.constant 0 : index
      %swap3A_70 = vector.load %arg13[%swap3A_68, %swap3A_69] : memref<64x128xf32, #tpu.memory_space<vmem>>, vector<64x128xf32>
      tpu.vector_store %arg13[%swap3A_68, %swap3A_69], %broadcast_in_dim3A_67 {strides = array<i32>} : memref<64x128xf32, #tpu.memory_space<vmem>>, vector<64x128xf32>,
    } else {
    }
    %get3A_43 = arith.constant 0 : index
    %get3A_44 = arith.constant 0 : index
    %get3A_45 = vector.load %arg12[%get3A_43, %get3A_44] : memref<64x128xf32, #tpu.memory_space<vmem>>, vector<64x128xf32>
    %add3A_46 = arith.addf %get3A_45, %dot_general3A_35 : vector<64x128xf32>
    %swap3A = arith.constant 0 : index
    %swap3A_47 = arith.constant 0 : index
    %swap3A_48 = vector.load %arg12[%swap3A, %swap3A_47] : memref<64x128xf32, #tpu.memory_space<vmem>>, vector<64x128xf32>
    tpu.vector_store %arg12[%swap3A, %swap3A_47], %add3A_46 {strides = array<i32>} : memref<64x128xf32, #tpu.memory_space<vmem>>, vector<64x128xf32>,
    %get3A_49 = arith.constant 0 : index
    %get3A_50 = arith.constant 0 : index
    %get3A_51 = vector.load %arg13[%get3A_49, %get3A_50] : memref<64x128xf32, #tpu.memory_space<vmem>>, vector<64x128xf32>
    %add3A_52 = arith.addf %get3A_51, %dot_general3A_38 : vector<64x128xf32>
    %swap3A_53 = arith.constant 0 : index
    %swap3A_54 = arith.constant 0 : index
    %swap3A_55 = vector.load %arg13[%swap3A_53, %swap3A_54] : memref<64x128xf32, #tpu.memory_space<vmem>>, vector<64x128xf32>
    tpu.vector_store %arg13[%swap3A_53, %swap3A_54], %add3A_52 {strides = array<i32>} : memref<64x128xf32, #tpu.memory_space<vmem>>, vector<64x128xf32>,
    %eq3A_56 = arith.constant 24 : i32
    %eq3A_57 = arith.cmpi eq, %arg0, %eq3A_56 : i32
    %convert_element_type3A_58 = arith.extui %eq3A_57 : i1 to i32
    %cond3A_59 = arith.constant 0 : i32
    %cond3A_60 = arith.cmpi ne, %convert_element_type3A_58, %cond3A_59 : i32
    scf.if %cond3A_60 {
      %get3A_61 = arith.constant 0 : index
      %get3A_62 = arith.constant 0 : index
      %get3A_63 = vector.load %arg12[%get3A_61, %get3A_62] : memref<64x128xf32, #tpu.memory_space<vmem>>, vector<64x128xf32>
      %get3A_64 = arith.constant 0 : index
      %get3A_65 = arith.constant 0 : index
      %get3A_66 = vector.load %arg13[%get3A_64, %get3A_65] : memref<64x128xf32, #tpu.memory_space<vmem>>, vector<64x128xf32>
      %max3A_67 = arith.constant 1.000000e+00 : f32
      %max3A_68 = vector.broadcast %max3A_67 : f32 to vector<64x128xf32>
      %max3A_69 = arith.maximumf %get3A_66, %max3A_68 : vector<64x128xf32>
      %div3A = arith.divf %get3A_63, %max3A_69 : vector<64x128xf32>
      %get3A_70 = arith.constant 0 : index
      %get3A_71 = arith.constant 0 : index
      %get3A_72 = vector.load %arg9[%get3A_70, %get3A_71] : memref<128x1xf32, #tpu.memory_space<vmem>>, vector<128x1xf32>
      %dot_general3A_73 = arith.constant dense<0.000000e+00> : vector<64x1xf32>
      %dot_general3A_74 = tpu.matmul %div3A, %get3A_72, %dot_general3A_73 {dimension_numbers = #tpu.dot_dimension_numbers<[1], [0], [0], [1], [0, 0, 1, 1], [], []>, transpose_lhs_hint = false} : vector<64x128xf32>, vector<128x1xf32>, vector<64x1xf32> -> vector<64x1xf32>
      %get3A_75 = arith.constant 0 : index
      %get3A_76 = arith.constant 0 : index
      %get3A_77 = vector.load %arg10[%get3A_75, %get3A_76] : memref<1x1xf32, #tpu.memory_space<vmem>>, vector<1x1xf32>
      %add3A_78 = vector.broadcast %get3A_77 : vector<1x1xf32> to vector<64x1xf32>
      %add3A_79 = arith.addf %dot_general3A_74, %add3A_78 : vector<64x1xf32>
      %swap3A_80 = arith.constant 0 : index
      %swap3A_81 = arith.constant 0 : index
      %swap3A_82 = vector.load %arg11[%swap3A_80, %swap3A_81] : memref<64x1xf32, #tpu.memory_space<vmem>>, vector<64x1xf32>
      tpu.vector_store %arg11[%swap3A_80, %swap3A_81], %add3A_79 {strides = array<i32>} : memref<64x1xf32, #tpu.memory_space<vmem>>, vector<64x1xf32>,
    } else {
    }
    return
  }
  func.func @transform_0(%arg0: i32) -> (i32, i32) {
    %c0_i32 = arith.constant 0 : i32
    %c0_i32_0 = arith.constant 0 : i32
    return %arg0, %c0_i32 : i32, i32
  }
  func.func @transform_1(%arg0: i32) -> (i32, i32) {
    %add3A = arith.constant 25 : i32
    %add3A_0 = arith.addi %arg0, %add3A : i32
    %c0_i32 = arith.constant 0 : i32
    %c0_i32_1 = arith.constant 0 : i32
    return %add3A_0, %c0_i32 : i32, i32
  }
  func.func @transform_2(%arg0: i32) -> (i32, i32) {
    %c0_i32 = arith.constant 0 : i32
    %c0_i32_0 = arith.constant 0 : i32
    return %arg0, %c0_i32 : i32, i32
  }
  func.func @transform_3(%arg0: i32) -> (i32, i32) {
    %c0_i32 = arith.constant 0 : i32
    %c0_i32_0 = arith.constant 0 : i32
    return %arg0, %c0_i32 : i32, i32
  }
  func.func @transform_4(%arg0: i32) -> (i32, i32) {
    %c0_i32 = arith.constant 0 : i32
    %c0_i32_0 = arith.constant 0 : i32
    %c0_i32_1 = arith.constant 0 : i32
    return %c0_i32, %c0_i32_0 : i32, i32
  }
  func.func @transform_5(%arg0: i32) -> (i32, i32) {
    %c0_i32 = arith.constant 0 : i32
    %c0_i32_0 = arith.constant 0 : i32
    %c0_i32_1 = arith.constant 0 : i32
    return %c0_i32, %c0_i32_0 : i32, i32
  }
  func.func @transform_6(%arg0: i32) -> (i32, i32) {
    %c0_i32 = arith.constant 0 : i32
    %c0_i32_0 = arith.constant 0 : i32
    %c0_i32_1 = arith.constant 0 : i32
    return %c0_i32, %c0_i32_0 : i32, i32
  }
  func.func @transform_7(%arg0: i32) -> (i32, i32) {
    %c0_i32 = arith.constant 0 : i32
    %c0_i32_0 = arith.constant 0 : i32
    return %arg0, %c0_i32 : i32, i32
  }
  func.func @transform_8(%arg0: i32) -> (i32, i32) {
    %c0_i32 = arith.constant 0 : i32
    %c0_i32_0 = arith.constant 0 : i32
    %c0_i32_1 = arith.constant 0 : i32
    return %c0_i32, %c0_i32_0 : i32, i32
  }
  func.func @transform_9(%arg0: i32) -> (i32, i32) {
    %c0_i32 = arith.constant 0 : i32
    %c0_i32_0 = arith.constant 0 : i32
    %c0_i32_1 = arith.constant 0 : i32
    return %c0_i32, %c0_i32_0 : i32, i32
  }
  func.func @transform_10(%arg0: i32) -> (i32, i32) {
    %c0_i32 = arith.constant 0 : i32
    %c0_i32_0 = arith.constant 0 : i32
    %c0_i32_1 = arith.constant 0 : i32
    return %c0_i32, %c0_i32_0 : i32, i32
  }
}

</mosaic_0001>

<sc_bundles>
// kernel: kernel.10.cloned.1.call-start
scs
__scs_entry_jumppad:
0x0: {  	(pc) =	sbr.rel $0x88, $3  }
0x1: {  	(tag) =	ssettag $0x0;
	lr =	simm.s32 $0x1  }
0x2: {  	[smem:$0x3F94] =	sst lr;
	_ =	strace $0xD0000000  }
0x3: {  	_ = 	snop  }
0x4: {  	_ = 	snop  }
0x5: {  	_ = 	snop  }
0x6: {  	_ = 	snop  }
0x7: {  	_ = 	snop  }
__scs_overlays_trampoline_lowered:
0x8: {  	[smem:$0x3FA3] =	sst s0  }
0x9: {  	[smem:$0x3FA4] =	sst s1  }
0xa: {  	[smem:$0x3FA5] =	sst s2  }
0xb: {  	[smem:$0x3FA6] =	sst s3  }
0xc: {  	[smem:$0x3FA7] =	sst s4  }
0xd: {  	[smem:$0x3FA8] =	sst s5  }
0xe: {  	[smem:$0x3FA9] =	sst s6  }
0xf: {  	[smem:$0x3FAA] =	sst s7  }
0x10: {  	[smem:$0x3FAB] =	sst s8  }
0x11: {  	[smem:$0x3FAC] =	sst s9;
	s0 =	simm.s32 @!p0 $0x0  }
0x12: {  	s1 =	sld [smem:$0x3F92];
	s0 =	simm.s32 @p0 $0x1  }
0x13: {  	[smem:$0x3FAD] =	sst s0;
	s0 =	simm.s32 @!p1 $0x0  }
0x14: {  	s2 =	sld [smem:$0x3F91];
	s0 =	simm.s32 @p1 $0x1  }
0x15: {  	[smem:$0x3FAE] =	sst s0;
	s0 =	simm.s32 @!p2 $0x0  }
0x16: {  	s3 =	sld [smem:$0x3FDB];
	s0 =	simm.s32 @p2 $0x1  }
0x17: {  	s4 =	simm.s32 $0x1BF5;
	[smem:$0x3FB0] =	sst s0  }
0x18: {  	s0 =	sld [smem:$0x3F93];
	_ =	swait.ge [sflag:s4], $0x0  }
0x19: {  	s7 =	sld [smem:$0x3F94]  }
0x1a: {  	s8 =	sadd.s32 $0xFFFFE003, lr  }
0x1b: {  	s9 =	sadd.s32 $0xFFFFFEF7, lr;
	s5 =	simm.s32 $0xFFFFFFFF;
	p2 =	slt.u32 s8, $0xFFFFF086  }
0x1c: {  	p1 =	slt.u32 s9, $0xF7A;
	s5 =	simm.s32 @!p2 $0x0  }
0x1d: {  	s5 =	simm.s32 @p1 $0x1;
	p0 =	seq.s32 s7, s2  }
0x1e: {  	s7 =	smul.u32 @!p0 $0xF7A, s2;
	p2 =	seq.s32 @!p0 s5, $0x0  }
0x1f: {  	s9 =	smul.u32 $0xF7A, s1;
	s8 =	simm.s32 @!p0 $0x1BF5;
	p2 =	por !p2, p0  }
0x20: {  	[sflag:s8] =	ssyncset.s32 @!p0 $0xFFFFF086;
	s6 =	sadd.s32 @!p0 s3, s7;
	s7 =	simm.s32 @!p0 $0x108  }
0x21: {  	s3 =	sadd.s32 s3, s9;
	s6 =	sadd.s32 @!p0 $0x88, s6;
	s7 =	simm.s32 @p2 $0x1082  }
0x22: {  	[simem:s7], [sflag:s8] =	dma.local @!p0 [hbm:s6], $0xF7A  }
0x23: {  	s9 =	sor.u32 $0xD0000000, s2;
	s6 =	simm.s32 $0x108;
	_ =	swait.ge @!p0 [sflag:s8], $0x0  }
0x24: {  	s3 =	sadd.s32 $0x88, s3;
	s6 =	simm.s32 @!p1 $0x1082;
	[sflag:s4] =	ssyncset.s32 $0xFFFFF086  }
0x25: {  	[simem:s6], [sflag:s4] =	dma.local [hbm:s3], $0xF7A  }
0x26: {  	[smem:$0x3F94] =	sst s1;
	(tag) =	ssettag s2;
	_ =	strace s9  }
0x27: {  	s1 =	sld [smem:$0x3FA4]  }
0x28: {  	s2 =	sld [smem:$0x3FA5]  }
0x29: {  	s4 =	sld [smem:$0x3FA7]  }
0x2a: {  	p0 =	seq.s32 s5, $0x0;
	s5 =	sld [smem:$0x3FA8]  }
0x2b: {  	s6 =	sld [smem:$0x3FA9]  }
0x2c: {  	s7 =	sld [smem:$0x3FAA]  }
0x2d: {  	s3 =	simm.s32 $0x108;
	s8 =	sld [smem:$0x3FAB]  }
0x2e: {  	s3 =	simm.s32 @!p0 $0x1082;
	s9 =	sld [smem:$0x3FAC]  }
0x2f: {  	lr =	sadd.s32 s0, s3;
	s0 =	sld [smem:$0x3FA3]  }
0x30: {  	s3 =	sld [smem:$0x3FA6]  }
0x31: {  	[smem:$0x3FAF] =	sst s10  }
0x32: {  	s10 =	sld [smem:$0x3FAD];
	_ =	sdelay $0x3  }
0x33: {  	p0 =	seq.s32 s10, $0x1;
	s10 =	sld [smem:$0x3FAF];
	_ =	sdelay $0x3  }
0x34: {  	[smem:$0x3FAF] =	sst s10  }
0x35: {  	s10 =	sld [smem:$0x3FAE];
	_ =	sdelay $0x3  }
0x36: {  	p1 =	seq.s32 s10, $0x1;
	s10 =	sld [smem:$0x3FAF];
	_ =	sdelay $0x3  }
0x37: {  	[smem:$0x3FAF] =	sst s10  }
0x38: {  	s10 =	sld [smem:$0x3FB0]  }
0x39: {  	_ = 	snop;
	(pc) =	sbr.ind lr, $3  }
0x3a: {  	_ = 	snop  }
0x3b: {  	_ = 	snop  }
0x3c: {  	p2 =	seq.s32 s10, $0x1;
	s10 =	sld [smem:$0x3FAF]  }
0x3d: {  	_ =	shalt  }
0x3e: {  	_ =	shalt  }
0x3f: {  	_ =	shalt  }
0x40: {  	_ =	shalt  }
0x41: {  	_ =	shalt  }
0x42: {  	_ =	shalt  }
0x43: {  	_ =	shalt  }
0x44: {  	_ =	shalt  }
0x45: {  	_ =	shalt  }
0x46: {  	_ =	shalt  }
0x47: {  	_ =	shalt  }
0x48: {  	_ =	shalt  }
0x49: {  	_ =	shalt  }
0x4a: {  	_ =	shalt  }
0x4b: {  	_ =	shalt  }
0x4c: {  	_ =	shalt  }
0x4d: {  	_ =	shalt  }
0x4e: {  	_ =	shalt  }
0x4f: {  	_ =	shalt  }
0x50: {  	_ =	shalt  }
0x51: {  	_ =	shalt  }
0x52: {  	_ =	shalt  }
0x53: {  	_ =	shalt  }
0x54: {  	_ =	shalt  }
0x55: {  	_ =	shalt  }
0x56: {  	_ =	shalt  }
0x57: {  	_ =	shalt  }
0x58: {  	_ =	shalt  }
0x59: {  	_ =	shalt  }
0x5a: {  	_ =	shalt  }
0x5b: {  	_ =	shalt  }
0x5c: {  	_ =	shalt  }
0x5d: {  	_ =	shalt  }
0x5e: {  	_ =	shalt  }
0x5f: {  	_ =	shalt  }
0x60: {  	_ =	shalt  }
0x61: {  	_ =	shalt  }
0x62: {  	_ =	shalt  }
0x63: {  	_ =	shalt  }
0x64: {  	_ =	shalt  }
0x65: {  	_ =	shalt  }
0x66: {  	_ =	shalt  }
0x67: {  	_ =	shalt  }
0x68: {  	_ =	shalt  }
0x69: {  	_ =	shalt  }
0x6a: {  	_ =	shalt  }
0x6b: {  	_ =	shalt  }
0x6c: {  	_ =	shalt  }
0x6d: {  	_ =	shalt  }
0x6e: {  	_ =	shalt  }
0x6f: {  	_ =	shalt  }
0x70: {  	_ =	shalt  }
0x71: {  	_ =	shalt  }
0x72: {  	_ =	shalt  }
0x73: {  	_ =	shalt  }
0x74: {  	_ =	shalt  }
0x75: {  	_ =	shalt  }
0x76: {  	_ =	shalt  }
0x77: {  	_ =	shalt  }
0x78: {  	_ =	shalt  }
0x79: {  	_ =	shalt  }
0x7a: {  	_ =	shalt  }
0x7b: {  	_ =	shalt  }
0x7c: {  	_ =	shalt  }
0x7d: {  	_ =	shalt  }
0x7e: {  	_ =	shalt  }
0x7f: {  	_ =	shalt  }
0x80: {  	_ =	shalt  }
0x81: {  	_ =	shalt  }
0x82: {  	_ =	shalt  }
0x83: {  	_ =	shalt  }
0x84: {  	_ =	shalt  }
0x85: {  	_ =	shalt  }
0x86: {  	_ =	shalt  }
0x87: {  	_ =	shalt  }
.Lfunc_end0:
.L_simem_size_0:
called_computation.1_lowered:
.L_overlay_start_0:
0x88: {  	s2 =	sld [smem:$0x3FD9]  }
0x89: {  	s3 =	sld [smem:$0x3FFE];
	_ =	sdelay $0x1  }
0x8a: {  	s1 =	srdreg.scid  }
0x8b: {  	s0 =	sand.u32 $0x1, s1  }
0x8c: {  	s17 =	sshll.u32 s0, $0xA;
	s2 =	sadd.s32 s3, s2  }
0x8d: {  	s2 =	sadd.s32 s2, s17  }
0x8e: {  	[smem:$0x3FBB] =	sst s2  }
0x8f: {  	_ = 	snop  }
0x90: {  	(tm) =	ssettm $0x1  }
0x91: {  	s18 =	sld [smem:$0x3FFB];
	_ =	sdelay $0x3  }
0x92: {  	_ =	strace s18  }
0x93: {  	s2 =	sld [smem:$0x3FFC];
	_ =	sdelay $0x3  }
0x94: {  	_ =	strace s2  }
0x95: {  	s2 =	sld [smem:$0x3FFD];
	_ =	sdelay $0x3  }
0x96: {  	_ =	strace s2  }
0x97: {  	_ =	strace $0x8FFFFFFF  }
0x98: {  	s19 =	sld [smem:$0x3FDB];
	_ =	sdelay $0x1  }
0x99: {  	s20 =	simm.s32 $_scs_section_size  }
0x9a: {  	s4 =	simm.s32 $_size__tile_overlayer_lowered;
	s5 =	simm.s32 $_tile_overlayer_lowered  }
0x9b: {  	s6 =	simm.s32 $0x1BFF;
	s21 =	sshll.u32 s5, $0x1;
	s3 =	sadd.s32 s20, s19  }
0x9c: {  	s22 =	simm.s32 $0x0;
	s4 =	sshll.u32 s4, $0x1;
	s5 =	sadd.s32 s21, s3  }
0x9d: {  	[timem:s22], [sflag:s6] =	dma.local [hbm:s5], s4  }
0x9e: {  	_ =	swait.ge [sflag:s6], s4  }
0x9f: {  	s4 =	ssub.s32 $0x0, s4;
	[sflag:s6] =	ssyncset.done $0x0  }
0xa0: {  	[sflag:s6] =	ssyncadd.s32 s4;
	_ =	sdelay $0x1  }
0xa1: {  	s23 =	simm.s32 $0x1B8B  }
0xa2: {  	_ =	swait.ge [sflag:s23], $0x1  }
0xa3: {  	[sflag:s23] =	ssyncset.done $0x0  }
0xa4: {  	[sflag:s23] =	ssyncadd.s32 $0xFFFFFFFF  }
0xa5: {  	s4 =	sld [smem:$0x0]  }
0xa6: {  	s5 =	sand.u32 $0xFFFFFFFE, s1  }
0xa7: {  	p0 =	sne.s32 s1, s5  }
0xa8: {  	s5 =	sshll.u32 @p0 s5, $0xE  }
0xa9: {  	s5 =	sadd.s32 @p0 $0x11B8D, s5;
	s6 =	sshll.u32 @p0 s4, $0x11  }
0xaa: {  	s5 =	sor.u32 @p0 s6, s5  }
0xab: {  	[sflag:s5] =	ssyncadd.remote.s32 @p0 $0x1;
	_ =	sdelay $0x1  }
0xac: {  	s5 =	simm.s32 @p0 $0x1B8D  }
0xad: {  	_ =	swait.eq @p0 [sflag:s5], $0x1  }
0xae: {  	[sflag:s5] =	ssyncadd.s32 @p0 $0xFFFFFFFF  }
0xaf: {  	s6 =	sshll.u32 @!p0 s1, $0xE  }
0xb0: {  	s6 =	sor.u32 @!p0 $0x4000, s6;
	s5 =	simm.s32 @!p0 $0x1B8D  }
0xb1: {  	s4 =	sshll.u32 @!p0 s4, $0x11;
	s6 =	sadd.s32 @!p0 $0x11B8D, s6;
	_ =	swait.eq @!p0 [sflag:s5], $0x1  }
0xb2: {  	s4 =	sor.u32 @!p0 s4, s6;
	[sflag:s5] =	ssyncadd.s32 @!p0 $0xFFFFFFFF  }
0xb3: {  	s25 =	simm.s32 $0x1B8E;
	s24 =	sld [smem:$0x3FFE];
	[sflag:s4] =	ssyncadd.remote.s32 @!p0 $0x1  }
0xb4: {  	s26 =	simm.s32 $execute0_lowered;
	[smem:$0x3FD2] =	sst s25  }
0xb5: {  	s5 =	sshll.u32 s26, $0x1;
	_ =	strace $0x80000049;
	[dreg:$0x1] =	wrdreg $0xFFFFFFFF  }
0xb6: {  	s28 =	simm.s32 $_size_execute0_lowered;
	s3 =	sadd.s32 s3, s5;
	[dreg:$0x0] =	wrdreg $0x0  }
0xb7: {  	s5 =	sshll.u32 s28, $0x1;
	[dreg:$0x2] =	wrdreg s3  }
0xb8: {  	[dreg:$0x3] =	wrdreg s5  }
0xb9: {  	[dreg:$0x4] =	wrdreg $0xC0  }
0xba: {  	_ =	task [dreg:s22], $0x5FFFF  }
0xbb: {  	[dreg:$0x1] =	wrdreg $0xFFFFFFFF  }
0xbc: {  	[dreg:$0x0] =	wrdreg $0x60  }
0xbd: {  	[dreg:$0x2] =	wrdreg s24  }
0xbe: {  	[dreg:$0x3] =	wrdreg $0x50800  }
0xbf: {  	[dreg:$0x4] =	wrdreg $0xA  }
0xc0: {  	_ =	task.clear_ibuf [dreg:s22], $0x5FFFF;
	_ =	strace $0x90000049  }
0xc1: {  	s29 =	simm.s32 $0xA;
	_ =	strace $0x8000004B  }
0xc2: {  	_ =	swait.ge [sflag:s29], $0x1  }
0xc3: {  	[sflag:s29] =	ssyncadd.s32 $0xFFFFFFFF  }
0xc4: {  	_ =	strace $0x9000004B  }
0xc5: {  	_ =	sfence  }
0xc6: {  	s30 =	sld [smem:$0x0];
	_ =	sdelay $0x2  }
0xc7: {  	s31 =	sshll.u32 s1, $0xD;
	s1 =	sshrl.u32 s1, $0x2  }
0xc8: {  	s4 =	sand.u32 $0x4000, s31;
	s1 =	sadd.s32 s1, s30  }
0xc9: {  	s0 =	sor.u32 s4, s0;
	s1 =	sshll.u32 s1, $0x11  }
0xca: {  	s0 =	sor.u32 s1, s0  }
0xcb: {  	s0 =	sadd.s32 $0x8F2B, s0  }
0xcc: {  	[sflag:s0] =	ssyncadd.remote.s32 $0x1  }
0xcd: {  	_ =	sfence.sel $0xFFFF  }
0xce: {  	[dreg:$0x0] =	wrdreg $0xFFFFFFFF;
	(pc) =	sbr.abs _section_cstart, $3  }
0xcf: {  	[dreg:$0x1] =	wrdreg $0xFFFFFFFF  }
0xd0: {  	_ =	task.clear_ibuf [dreg:s22], $0x2FFFF;
	_ =	strace $0x9FFFFFFF  }
0xd1: {  	(tm) =	ssettm $0x7FFFFFFF  }
tec
execute0_lowered:
.L_overlay_start_1:
0x0: {  	(tag) =	ssettag $0x1  }
0x1: {  	s0 =	srdreg.scid  }
0x2: {  	s17 =	stileid.u32;
	s6 =	rddreg [dreg:$0x0]  }
0x3: {  	s2 =	rddreg [dreg:$0x1];
	s4 =	smul.u32 $0x2710, s17  }
0x4: {  	s3 =	simm.s32 $0x0;
	s0 =	sand.u32 $0x1, s0;
	s7 =	smul.u32 $0x270, s17  }
0x5: {  	[smem:$0x7FF] =	sst s3;
	s5 =	sadd.s32 $0x64A00, s6;
	s10 =	smul.u32 $0x4E000, s17  }
0x6: {  	s16 =	sadd.s32 $0x65000, s6;
	p0 =	seq.s32 s17, $0xF;
	s29 =	sadd.s32 $0x129800, s2  }
0x7: {  	s30 =	sadd.s32 $0x12E800, s2;
	s31 =	sadd.s32 $0x12C000, s2;
	s1 =	smul.u32 $0x27100, s0  }
0x8: {  	s17 =	simm.s32 $0x50;
	s8 =	smul.u32 $0x2710, s0;
	s0 =	ssub.s32 $0x2, s0  }
0x9: {  	_ =	strace $0x8000004A;
	s19 =	sshrl.u32 s0, $0x1;
	s20 =	sshrl.u32 s10, $0x2  }
0xa: {  	s4 =	sadd.s32 s4, s1;
	s18 =	sadd.s32 s8, s7;
	s0 =	ssub.s32 s0, s19  }
0xb: {  	s1 =	sadd.s32 s16, s1;
	s4 =	sshrl.u32 s4, $0x3;
	s21 =	sshll.u32 s18, $0x4  }
0xc: {  	s22 =	sadd.s32 $0x24E00, s1;
	s23 =	sadd.s32 $0x25300, s1;
	s24 =	sadd.s32 $0x25800, s1  }
0xd: {  	s25 =	sadd.s32 $0x25D00, s1;
	s26 =	sadd.s32 $0x26200, s1;
	[dreg:$0x6] =	wrdreg s22  }
0xe: {  	s18 =	sadd.s32 $0x26700, s1;
	s28 =	smax.u32 s0, $0x1;
	[dreg:$0x7] =	wrdreg s23  }
0xf: {  	s0 =	sadd.s32 $0x133800, s2;
	s9 =	sadd.s32 s4, s6;
	[dreg:$0x8] =	wrdreg s24  }
0x10: {  	s4 =	sadd.s32 $0x16200, s6;
	s6 =	sadd.s32 s20, s2;
	[dreg:$0x9] =	wrdreg s25  }
0x11: {  	s7 =	sadd.s32 s16, s21;
	s16 =	sadd.s32 $0x24900, s1;
	[dreg:$0xa] =	wrdreg s26  }
0x12: {  	[dreg:$0xb] =	wrdreg s18;
	s1 =	sadd.s32 $0x26C00, s1;
	s25 =	sadd.s32 $0x124800, s2  }
0x13: {  	s26 =	sadd.s32 $0x127000, s2;
	s18 =	simm.s32 $0x0;
	s8 =	sadd.s32 $0x11800, s6  }
0x14: {  	s10 =	sadd.s32 $0x2300, s7;
	s11 =	sadd.s32 $0x5000, s6;
	[dreg:$0x5] =	wrdreg s16  }
0x15: {  	s12 =	sadd.s32 $0x7800, s6;
	s13 =	sadd.s32 $0xA000, s6;
	[dreg:$0xc] =	wrdreg s1  }
0x16: {  	s14 =	sadd.s32 $0xC800, s6;
	s15 =	sadd.s32 $0xF000, s6;
	[dreg:$0x3] =	wrdreg s7  }
0x17: {  	s24 =	sadd.s32 $0x2600, s9;
	s19 =	sadd.s32 $0x500, s7;
	[dreg:$0x4] =	wrdreg s10  }
0x18: {  	s1 =	sadd.s32 $0x131000, s2;
	s20 =	sadd.s32 $0xA00, s7;
	[dreg:$0xd] =	wrdreg s19  }
.Ltmp0:
0x19: {  	s21 =	sadd.s32 $0xF00, s7;
	[dreg:$0xe] =	wrdreg s20;
	(pc) =	sbr.rel .LBB2_1-.Ltmp0, $4  }
0x1a: {  	s9 =	sadd.s32 $0x136000, s2;
	s22 =	sadd.s32 $0x1400, s7;
	[dreg:$0xf] =	wrdreg s21  }
0x1b: {  	s23 =	sadd.s32 $0x1900, s7;
	s7 =	sadd.s32 $0x1E00, s7;
	[dreg:$0x10] =	wrdreg s22  }
0x1c: {  	s16 =	simm.s32 $0x2880;
	s10 =	sadd.s32 $0x2800, s6;
	[dreg:$0x11] =	wrdreg s23  }
0x1d: {  	[dreg:$0x12] =	wrdreg s7;
	s22 =	simm.s32 $0x80;
	s23 =	simm.s32 $0x1  }
.LBB2_5:
0x1e: {  	[tilespmem:s22], [sflag:$0x1] =	stream.linear.gather [spmem:s25], $0x2800, $0x38;
	[tilespmem:$0x18900] =	vst v63  }
0x1f: {  	_ =	swait.ge [sflag:s23], $0x2800  }
0x20: {  	[sflag:s23] =	ssyncset.done $0x0  }
0x21: {  	s7 =	rddreg [dreg:$0x5];
	[sflag:s23] =	ssyncadd.s32 $0xFFFFD800  }
0x22: {  	[hbm4b:s7+s3] =	stream.linear.scatter [tilespmem:s22], [sflag:$0x1], $0x2800, $0x38;
	[tilespmem:$0x18900] =	vst v63  }
0x23: {  	_ =	swait.ge [sflag:s23], $0x2800  }
0x24: {  	[sflag:s23] =	ssyncset.done $0x0  }
0x25: {  	[sflag:s23] =	ssyncadd.s32 $0xFFFFD800  }
0x26: {  	[tilespmem:s22], [sflag:$0x1] =	stream.linear.gather [spmem:s26], $0x2800, $0x38;
	[tilespmem:$0x18900] =	vst v63  }
0x27: {  	_ =	swait.ge [sflag:s23], $0x2800  }
0x28: {  	[sflag:s23] =	ssyncset.done $0x0  }
0x29: {  	s21 =	rddreg [dreg:$0x6];
	[sflag:s23] =	ssyncadd.s32 $0xFFFFD800  }
0x2a: {  	[hbm4b:s21+s3] =	stream.linear.scatter [tilespmem:s22], [sflag:$0x1], $0x2800, $0x38;
	[tilespmem:$0x18900] =	vst v63  }
0x2b: {  	_ =	swait.ge [sflag:s23], $0x2800  }
0x2c: {  	[sflag:s23] =	ssyncset.done $0x0  }
0x2d: {  	[sflag:s23] =	ssyncadd.s32 $0xFFFFD800  }
0x2e: {  	[tilespmem:s22], [sflag:$0x1] =	stream.linear.gather [spmem:s29], $0x2800, $0x38;
	[tilespmem:$0x18900] =	vst v63  }
0x2f: {  	_ =	swait.ge [sflag:s23], $0x2800  }
0x30: {  	[sflag:s23] =	ssyncset.done $0x0  }
0x31: {  	s19 =	rddreg [dreg:$0x7];
	[sflag:s23] =	ssyncadd.s32 $0xFFFFD800  }
0x32: {  	[hbm4b:s19+s3] =	stream.linear.scatter [tilespmem:s22], [sflag:$0x1], $0x2800, $0x38;
	[tilespmem:$0x18900] =	vst v63  }
0x33: {  	_ =	swait.ge [sflag:s23], $0x2800  }
0x34: {  	[sflag:s23] =	ssyncset.done $0x0  }
0x35: {  	[sflag:s23] =	ssyncadd.s32 $0xFFFFD800  }
0x36: {  	[tilespmem:s22], [sflag:$0x1] =	stream.linear.gather [spmem:s31], $0x2800, $0x38;
	[tilespmem:$0x18900] =	vst v63  }
0x37: {  	_ =	swait.ge [sflag:s23], $0x2800  }
0x38: {  	[sflag:s23] =	ssyncset.done $0x0  }
0x39: {  	s20 =	rddreg [dreg:$0x8];
	[sflag:s23] =	ssyncadd.s32 $0xFFFFD800  }
0x3a: {  	[hbm4b:s20+s3] =	stream.linear.scatter [tilespmem:s22], [sflag:$0x1], $0x2800, $0x38;
	[tilespmem:$0x18900] =	vst v63  }
0x3b: {  	_ =	swait.ge [sflag:s23], $0x2800  }
0x3c: {  	[sflag:s23] =	ssyncset.done $0x0  }
0x3d: {  	[sflag:s23] =	ssyncadd.s32 $0xFFFFD800  }
0x3e: {  	[tilespmem:s22], [sflag:$0x1] =	stream.linear.gather [spmem:s30], $0x2800, $0x38;
	[tilespmem:$0x18900] =	vst v63  }
0x3f: {  	_ =	swait.ge [sflag:s23], $0x2800  }
0x40: {  	[sflag:s23] =	ssyncset.done $0x0  }
0x41: {  	s21 =	rddreg [dreg:$0x9];
	[sflag:s23] =	ssyncadd.s32 $0xFFFFD800  }
0x42: {  	[hbm4b:s21+s3] =	stream.linear.scatter [tilespmem:s22], [sflag:$0x1], $0x2800, $0x38;
	[tilespmem:$0x18900] =	vst v63  }
0x43: {  	_ =	swait.ge [sflag:s23], $0x2800  }
0x44: {  	[sflag:s23] =	ssyncset.done $0x0  }
0x45: {  	[sflag:s23] =	ssyncadd.s32 $0xFFFFD800  }
0x46: {  	[tilespmem:s22], [sflag:$0x1] =	stream.linear.gather [spmem:s1], $0x2800, $0x38;
	[tilespmem:$0x18900] =	vst v63  }
0x47: {  	_ =	swait.ge [sflag:s23], $0x2800  }
0x48: {  	[sflag:s23] =	ssyncset.done $0x0  }
0x49: {  	s19 =	rddreg [dreg:$0xa];
	[sflag:s23] =	ssyncadd.s32 $0xFFFFD800  }
0x4a: {  	[hbm4b:s19+s3] =	stream.linear.scatter [tilespmem:s22], [sflag:$0x1], $0x2800, $0x38;
	[tilespmem:$0x18900] =	vst v63  }
0x4b: {  	_ =	swait.ge [sflag:s23], $0x2800  }
0x4c: {  	[sflag:s23] =	ssyncset.done $0x0  }
0x4d: {  	[sflag:s23] =	ssyncadd.s32 $0xFFFFD800  }
0x4e: {  	[tilespmem:s22], [sflag:$0x1] =	stream.linear.gather [spmem:s0], $0x2800, $0x38;
	[tilespmem:$0x18900] =	vst v63  }
0x4f: {  	_ =	swait.ge [sflag:s23], $0x2800  }
0x50: {  	[sflag:s23] =	ssyncset.done $0x0  }
0x51: {  	s20 =	rddreg [dreg:$0xb];
	[sflag:s23] =	ssyncadd.s32 $0xFFFFD800  }
0x52: {  	[hbm4b:s20+s3] =	stream.linear.scatter [tilespmem:s22], [sflag:$0x1], $0x2800, $0x38;
	[tilespmem:$0x18900] =	vst v63  }
0x53: {  	_ =	swait.ge [sflag:s23], $0x2800  }
0x54: {  	[sflag:s23] =	ssyncset.done $0x0  }
0x55: {  	[sflag:s23] =	ssyncadd.s32 $0xFFFFD800  }
0x56: {  	[tilespmem:s22], [sflag:$0x1] =	stream.linear.gather [spmem:s9], $0x2800, $0x38;
	[tilespmem:$0x18900] =	vst v63  }
0x57: {  	_ =	swait.ge [sflag:s23], $0x2800  }
0x58: {  	[sflag:s23] =	ssyncset.done $0x0  }
0x59: {  	s21 =	rddreg [dreg:$0xc];
	[sflag:s23] =	ssyncadd.s32 $0xFFFFD800  }
0x5a: {  	[hbm4b:s21+s3] =	stream.linear.scatter [tilespmem:s22], [sflag:$0x1], $0x2800, $0x38;
	[tilespmem:$0x18900] =	vst v63  }
0x5b: {  	_ =	swait.ge [sflag:s23], $0x2800  }
0x5c: {  	[sflag:s23] =	ssyncset.done $0x0  }
0x5d: {  	[sflag:s23] =	ssyncadd.s32 $0xFFFFD800  }
.LBB2_6:
0x5e: {  	s18 =	sadd.s32 $0x1, s18  }
0x5f: {  	p1 =	sne.s32 s18, s28  }
.Ltmp1:
0x60: {  	_ = 	snop;
	(pc) =	sbr.rel @!p1 .LBB2_7-.Ltmp1, $1  }
0x61: {  	_ =	sdelay $0x3  }
.LBB2_1:
0x62: {  	[tilespmem:s22], [sflag:$0x1] =	stream.linear.gather [hbm4b:s4+s3], $0x2800, $0x38;
	[tilespmem:$0x18900] =	vst v63  }
0x63: {  	_ =	swait.ge [sflag:s23], $0x2800  }
0x64: {  	[sflag:s23] =	ssyncset.done $0x0  }
0x65: {  	[sflag:s23] =	ssyncadd.s32 $0xFFFFD800  }
0x66: {  	[tilespmem:s16], [sflag:$0x1] =	stream.linear.gather [hbm4b:s5+s3], $0x2800, $0x38;
	[tilespmem:$0x18900] =	vst v63  }
0x67: {  	_ =	swait.ge [sflag:s23], $0x2800  }
0x68: {  	[sflag:s23] =	ssyncset.done $0x0  }
0x69: {  	s19 =	simm.s32 @p0 $0x80;
	s20 =	simm.s32 @p0 $0x1;
	[sflag:s23] =	ssyncadd.s32 $0xFFFFD800  }
0x6a: {  	[spmem:s25] =	stream.linear.scatter @p0 [tilespmem:s19], [sflag:$0x1], $0x2800, $0x38;
	[tilespmem:$0x18900] =	vst v63  }
0x6b: {  	_ =	swait.ge @p0 [sflag:s20], $0x2800  }
0x6c: {  	[sflag:s20] =	ssyncset.done @p0 $0x0  }
0x6d: {  	[sflag:s20] =	ssyncadd.s32 @p0 $0xFFFFD800  }
0x6e: {  	[spmem:s26] =	stream.linear.scatter @p0 [tilespmem:s19], [sflag:$0x1], $0x2800, $0x38;
	[tilespmem:$0x18900] =	vst v63  }
0x6f: {  	_ =	swait.ge @p0 [sflag:s20], $0x2800  }
0x70: {  	[sflag:s20] =	ssyncset.done @p0 $0x0  }
0x71: {  	[sflag:s20] =	ssyncadd.s32 @p0 $0xFFFFD800  }
0x72: {  	[spmem:s29] =	stream.linear.scatter @p0 [tilespmem:s19], [sflag:$0x1], $0x2800, $0x38;
	[tilespmem:$0x18900] =	vst v63  }
0x73: {  	_ =	swait.ge @p0 [sflag:s20], $0x2800  }
0x74: {  	[sflag:s20] =	ssyncset.done @p0 $0x0  }
0x75: {  	[sflag:s20] =	ssyncadd.s32 @p0 $0xFFFFD800  }
0x76: {  	[spmem:s31] =	stream.linear.scatter @p0 [tilespmem:s19], [sflag:$0x1], $0x2800, $0x38;
	[tilespmem:$0x18900] =	vst v63  }
0x77: {  	_ =	swait.ge @p0 [sflag:s20], $0x2800  }
0x78: {  	[sflag:s20] =	ssyncset.done @p0 $0x0  }
0x79: {  	[sflag:s20] =	ssyncadd.s32 @p0 $0xFFFFD800  }
0x7a: {  	[spmem:s30] =	stream.linear.scatter @p0 [tilespmem:s19], [sflag:$0x1], $0x2800, $0x38;
	[tilespmem:$0x18900] =	vst v63  }
0x7b: {  	_ =	swait.ge @p0 [sflag:s20], $0x2800  }
0x7c: {  	[sflag:s20] =	ssyncset.done @p0 $0x0  }
0x7d: {  	[sflag:s20] =	ssyncadd.s32 @p0 $0xFFFFD800  }
0x7e: {  	[spmem:s1] =	stream.linear.scatter @p0 [tilespmem:s19], [sflag:$0x1], $0x2800, $0x38;
	[tilespmem:$0x18900] =	vst v63  }
0x7f: {  	_ =	swait.ge @p0 [sflag:s20], $0x2800  }
0x80: {  	[sflag:s20] =	ssyncset.done @p0 $0x0  }
0x81: {  	[sflag:s20] =	ssyncadd.s32 @p0 $0xFFFFD800  }
0x82: {  	[spmem:s0] =	stream.linear.scatter @p0 [tilespmem:s19], [sflag:$0x1], $0x2800, $0x38;
	[tilespmem:$0x18900] =	vst v63  }
0x83: {  	_ =	swait.ge @p0 [sflag:s20], $0x2800  }
0x84: {  	[sflag:s20] =	ssyncset.done @p0 $0x0  }
0x85: {  	[sflag:s20] =	ssyncadd.s32 @p0 $0xFFFFD800  }
0x86: {  	[spmem:s9] =	stream.linear.scatter @p0 [tilespmem:s19], [sflag:$0x1], $0x2800, $0x38;
	[tilespmem:$0x18900] =	vst v63  }
0x87: {  	_ =	swait.ge @p0 [sflag:s20], $0x2800  }
0x88: {  	[sflag:s20] =	ssyncset.done @p0 $0x0  }
0x89: {  	s19 =	simm.s32 @!p0 $0x80;
	[sflag:s20] =	ssyncadd.s32 @p0 $0xFFFFD800;
	s20 =	simm.s32 @!p0 $0x1  }
0x8a: {  	[spmem:s6] =	stream.linear.scatter @!p0 [tilespmem:s19], [sflag:$0x1], $0x2800, $0x38;
	[tilespmem:$0x18900] =	vst v63  }
0x8b: {  	_ =	swait.ge @!p0 [sflag:s20], $0x2800  }
0x8c: {  	[sflag:s20] =	ssyncset.done @!p0 $0x0  }
0x8d: {  	[sflag:s20] =	ssyncadd.s32 @!p0 $0xFFFFD800  }
0x8e: {  	[spmem:s10] =	stream.linear.scatter @!p0 [tilespmem:s19], [sflag:$0x1], $0x2800, $0x38;
	[tilespmem:$0x18900] =	vst v63  }
0x8f: {  	_ =	swait.ge @!p0 [sflag:s20], $0x2800  }
0x90: {  	[sflag:s20] =	ssyncset.done @!p0 $0x0  }
0x91: {  	[sflag:s20] =	ssyncadd.s32 @!p0 $0xFFFFD800  }
0x92: {  	[spmem:s11] =	stream.linear.scatter @!p0 [tilespmem:s19], [sflag:$0x1], $0x2800, $0x38;
	[tilespmem:$0x18900] =	vst v63  }
0x93: {  	_ =	swait.ge @!p0 [sflag:s20], $0x2800  }
0x94: {  	[sflag:s20] =	ssyncset.done @!p0 $0x0  }
0x95: {  	[sflag:s20] =	ssyncadd.s32 @!p0 $0xFFFFD800  }
0x96: {  	[spmem:s12] =	stream.linear.scatter @!p0 [tilespmem:s19], [sflag:$0x1], $0x2800, $0x38;
	[tilespmem:$0x18900] =	vst v63  }
0x97: {  	_ =	swait.ge @!p0 [sflag:s20], $0x2800  }
0x98: {  	[sflag:s20] =	ssyncset.done @!p0 $0x0  }
0x99: {  	[sflag:s20] =	ssyncadd.s32 @!p0 $0xFFFFD800  }
0x9a: {  	[spmem:s13] =	stream.linear.scatter @!p0 [tilespmem:s19], [sflag:$0x1], $0x2800, $0x38;
	[tilespmem:$0x18900] =	vst v63  }
0x9b: {  	_ =	swait.ge @!p0 [sflag:s20], $0x2800  }
0x9c: {  	[sflag:s20] =	ssyncset.done @!p0 $0x0  }
0x9d: {  	[sflag:s20] =	ssyncadd.s32 @!p0 $0xFFFFD800  }
0x9e: {  	[spmem:s14] =	stream.linear.scatter @!p0 [tilespmem:s19], [sflag:$0x1], $0x2800, $0x38;
	[tilespmem:$0x18900] =	vst v63  }
0x9f: {  	_ =	swait.ge @!p0 [sflag:s20], $0x2800  }
0xa0: {  	[sflag:s20] =	ssyncset.done @!p0 $0x0  }
0xa1: {  	[sflag:s20] =	ssyncadd.s32 @!p0 $0xFFFFD800  }
0xa2: {  	[spmem:s15] =	stream.linear.scatter @!p0 [tilespmem:s19], [sflag:$0x1], $0x2800, $0x38;
	[tilespmem:$0x18900] =	vst v63  }
0xa3: {  	_ =	swait.ge @!p0 [sflag:s20], $0x2800  }
0xa4: {  	[sflag:s20] =	ssyncset.done @!p0 $0x0  }
0xa5: {  	[sflag:s20] =	ssyncadd.s32 @!p0 $0xFFFFD800  }
0xa6: {  	[spmem:s8] =	stream.linear.scatter @!p0 [tilespmem:s19], [sflag:$0x1], $0x2000, $0x38;
	[tilespmem:$0x18900] =	vst v63  }
0xa7: {  	_ =	swait.ge @!p0 [sflag:s20], $0x2000  }
0xa8: {  	[sflag:s20] =	ssyncset.done @!p0 $0x0  }
0xa9: {  	[sflag:s20] =	ssyncadd.s32 @!p0 $0xFFFFE000  }
0xaa: {  	s21 =	sadd.s32 $0x0, s24;
	[bflag:$0x0] =	sbarrier.arrive $0xFFFF  }
0xab: {  	[tilespmem:s3], [sflag:$0x1] =	stream.linear.gather [hbm4b:s21+s3], $0x50, $0x38;
	[tilespmem:$0x18900] =	vst v63  }
0xac: {  	_ =	swait.ge [sflag:s23], $0x50  }
0xad: {  	[sflag:s23] =	ssyncset.done $0x0  }
0xae: {  	[sflag:s23] =	ssyncadd.s32 $0xFFFFFFB0  }
0xaf: {  	[spmem:s2] =	stream.indirect.scatter.add.f32 [tilespmem:s16], [sflag:$0x1], $0x80, s3, s17, $0xb8;
	[tilespmem:$0x18900] =	vst v63  }
0xb0: {  	_ =	swait.ge [sflag:s23], $0x2800  }
0xb1: {  	s19 =	simm.s32 $0xA;
	s20 =	simm.s32 $0x14;
	[sflag:s23] =	ssyncset.done $0x0  }
.LBB2_2:
0xb2: {  	s21 =	sadd.s32 s19, s24  }
0xb3: {  	[sflag:s23] =	ssyncadd.s32 $0xFFFFD800;
	s19 =	smov.u32 s20;
	s7 =	sadd.s32 $0xA, s20  }
0xb4: {  	[tilespmem:s3], [sflag:$0x1] =	stream.linear.gather [hbm4b:s21+s3], $0x50, $0x38;
	[tilespmem:$0x18900] =	vst v63  }
0xb5: {  	p1 =	sne.s32 s20, $0x4D8;
	_ =	swait.ge [sflag:s23], $0x50  }
.Ltmp2:
0xb6: {  	[sflag:s23] =	ssyncset.done $0x0;
	(pc) =	sbr.rel @p1 .LBB2_2-.Ltmp2, $4  }
0xb7: {  	[sflag:s23] =	ssyncadd.s32 $0xFFFFFFB0  }
0xb8: {  	[spmem:s2] =	stream.indirect.scatter.add.f32 [tilespmem:s16], [sflag:$0x1], $0x80, s3, s17, $0xb8;
	[tilespmem:$0x18900] =	vst v63  }
0xb9: {  	_ =	swait.ge [sflag:s23], $0x2800  }
0xba: {  	s20 =	smov.u32 s7;
	[sflag:s23] =	ssyncset.done $0x0  }
0xbb: {  	s7 =	sadd.s32 s19, s24;
	[sflag:s23] =	ssyncadd.s32 $0xFFFFD800  }
0xbc: {  	[tilespmem:s3], [sflag:$0x1] =	stream.linear.gather [hbm4b:s7+s3], $0x50, $0x38;
	[tilespmem:$0x18900] =	vst v63  }
0xbd: {  	_ =	swait.ge [sflag:s23], $0x50  }
0xbe: {  	[sflag:s23] =	ssyncset.done $0x0  }
0xbf: {  	[sflag:s23] =	ssyncadd.s32 $0xFFFFFFB0  }
0xc0: {  	[spmem:s2] =	stream.indirect.scatter.add.f32 [tilespmem:s16], [sflag:$0x1], $0x80, s3, s17, $0xb8;
	[tilespmem:$0x18900] =	vst v63  }
.Ltmp3:
0xc1: {  	_ =	swait.ge [sflag:s23], $0x2800;
	(pc) =	sbr.rel @p0 .LBB2_5-.Ltmp3, $3  }
0xc2: {  	[sflag:s23] =	ssyncset.done $0x0  }
0xc3: {  	[sflag:s23] =	ssyncadd.s32 $0xFFFFD800  }
0xc4: {  	[bflag:$0x0] =	sbarrier.arrive $0xFFFF;
	_ =	sdelay $0x1  }
0xc5: {  	[tilespmem:s22], [sflag:$0x1] =	stream.linear.gather [spmem:s6], $0x2800, $0x38;
	[tilespmem:$0x18900] =	vst v63  }
0xc6: {  	_ =	swait.ge [sflag:s23], $0x2800  }
0xc7: {  	[sflag:s23] =	ssyncset.done $0x0  }
0xc8: {  	s7 =	rddreg [dreg:$0x3];
	[sflag:s23] =	ssyncadd.s32 $0xFFFFD800  }
0xc9: {  	[hbm4b:s7+s3] =	stream.linear.scatter [tilespmem:s22], [sflag:$0x1], $0x2800, $0x38;
	[tilespmem:$0x18900] =	vst v63  }
0xca: {  	_ =	swait.ge [sflag:s23], $0x2800  }
0xcb: {  	[sflag:s23] =	ssyncset.done $0x0  }
0xcc: {  	[sflag:s23] =	ssyncadd.s32 $0xFFFFD800  }
0xcd: {  	[tilespmem:s22], [sflag:$0x1] =	stream.linear.gather [spmem:s10], $0x2800, $0x38;
	[tilespmem:$0x18900] =	vst v63  }
0xce: {  	_ =	swait.ge [sflag:s23], $0x2800  }
0xcf: {  	[sflag:s23] =	ssyncset.done $0x0  }
0xd0: {  	s21 =	rddreg [dreg:$0xd];
	[sflag:s23] =	ssyncadd.s32 $0xFFFFD800  }
0xd1: {  	[hbm4b:s21+s3] =	stream.linear.scatter [tilespmem:s22], [sflag:$0x1], $0x2800, $0x38;
	[tilespmem:$0x18900] =	vst v63  }
0xd2: {  	_ =	swait.ge [sflag:s23], $0x2800  }
0xd3: {  	[sflag:s23] =	ssyncset.done $0x0  }
0xd4: {  	[sflag:s23] =	ssyncadd.s32 $0xFFFFD800  }
0xd5: {  	[tilespmem:s22], [sflag:$0x1] =	stream.linear.gather [spmem:s11], $0x2800, $0x38;
	[tilespmem:$0x18900] =	vst v63  }
0xd6: {  	_ =	swait.ge [sflag:s23], $0x2800  }
0xd7: {  	[sflag:s23] =	ssyncset.done $0x0  }
0xd8: {  	s19 =	rddreg [dreg:$0xe];
	[sflag:s23] =	ssyncadd.s32 $0xFFFFD800  }
0xd9: {  	[hbm4b:s19+s3] =	stream.linear.scatter [tilespmem:s22], [sflag:$0x1], $0x2800, $0x38;
	[tilespmem:$0x18900] =	vst v63  }
0xda: {  	_ =	swait.ge [sflag:s23], $0x2800  }
0xdb: {  	[sflag:s23] =	ssyncset.done $0x0  }
0xdc: {  	[sflag:s23] =	ssyncadd.s32 $0xFFFFD800  }
0xdd: {  	[tilespmem:s22], [sflag:$0x1] =	stream.linear.gather [spmem:s12], $0x2800, $0x38;
	[tilespmem:$0x18900] =	vst v63  }
0xde: {  	_ =	swait.ge [sflag:s23], $0x2800  }
0xdf: {  	[sflag:s23] =	ssyncset.done $0x0  }
0xe0: {  	s20 =	rddreg [dreg:$0xf];
	[sflag:s23] =	ssyncadd.s32 $0xFFFFD800  }
0xe1: {  	[hbm4b:s20+s3] =	stream.linear.scatter [tilespmem:s22], [sflag:$0x1], $0x2800, $0x38;
	[tilespmem:$0x18900] =	vst v63  }
0xe2: {  	_ =	swait.ge [sflag:s23], $0x2800  }
0xe3: {  	[sflag:s23] =	ssyncset.done $0x0  }
0xe4: {  	[sflag:s23] =	ssyncadd.s32 $0xFFFFD800  }
0xe5: {  	[tilespmem:s22], [sflag:$0x1] =	stream.linear.gather [spmem:s13], $0x2800, $0x38;
	[tilespmem:$0x18900] =	vst v63  }
0xe6: {  	_ =	swait.ge [sflag:s23], $0x2800  }
0xe7: {  	[sflag:s23] =	ssyncset.done $0x0  }
0xe8: {  	s21 =	rddreg [dreg:$0x10];
	[sflag:s23] =	ssyncadd.s32 $0xFFFFD800  }
0xe9: {  	[hbm4b:s21+s3] =	stream.linear.scatter [tilespmem:s22], [sflag:$0x1], $0x2800, $0x38;
	[tilespmem:$0x18900] =	vst v63  }
0xea: {  	_ =	swait.ge [sflag:s23], $0x2800  }
0xeb: {  	[sflag:s23] =	ssyncset.done $0x0  }
0xec: {  	[sflag:s23] =	ssyncadd.s32 $0xFFFFD800  }
0xed: {  	[tilespmem:s22], [sflag:$0x1] =	stream.linear.gather [spmem:s14], $0x2800, $0x38;
	[tilespmem:$0x18900] =	vst v63  }
0xee: {  	_ =	swait.ge [sflag:s23], $0x2800  }
0xef: {  	[sflag:s23] =	ssyncset.done $0x0  }
0xf0: {  	s19 =	rddreg [dreg:$0x11];
	[sflag:s23] =	ssyncadd.s32 $0xFFFFD800  }
0xf1: {  	[hbm4b:s19+s3] =	stream.linear.scatter [tilespmem:s22], [sflag:$0x1], $0x2800, $0x38;
	[tilespmem:$0x18900] =	vst v63  }
0xf2: {  	_ =	swait.ge [sflag:s23], $0x2800  }
0xf3: {  	[sflag:s23] =	ssyncset.done $0x0  }
0xf4: {  	[sflag:s23] =	ssyncadd.s32 $0xFFFFD800  }
0xf5: {  	[tilespmem:s22], [sflag:$0x1] =	stream.linear.gather [spmem:s15], $0x2800, $0x38;
	[tilespmem:$0x18900] =	vst v63  }
0xf6: {  	_ =	swait.ge [sflag:s23], $0x2800  }
0xf7: {  	[sflag:s23] =	ssyncset.done $0x0  }
0xf8: {  	s20 =	rddreg [dreg:$0x12];
	[sflag:s23] =	ssyncadd.s32 $0xFFFFD800  }
0xf9: {  	[hbm4b:s20+s3] =	stream.linear.scatter [tilespmem:s22], [sflag:$0x1], $0x2800, $0x38;
	[tilespmem:$0x18900] =	vst v63  }
0xfa: {  	_ =	swait.ge [sflag:s23], $0x2800  }
0xfb: {  	[sflag:s23] =	ssyncset.done $0x0  }
0xfc: {  	[sflag:s23] =	ssyncadd.s32 $0xFFFFD800  }
0xfd: {  	[tilespmem:s22], [sflag:$0x1] =	stream.linear.gather [spmem:s8], $0x2000, $0x38;
	[tilespmem:$0x18900] =	vst v63  }
0xfe: {  	_ =	swait.ge [sflag:s23], $0x2000  }
0xff: {  	[sflag:s23] =	ssyncset.done $0x0  }
.Ltmp4:
0x100: {  	s21 =	rddreg [dreg:$0x4];
	[sflag:s23] =	ssyncadd.s32 $0xFFFFE000;
	(pc) =	sbr.rel .LBB2_6-.Ltmp4, $4  }
0x101: {  	[hbm4b:s21+s3] =	stream.linear.scatter [tilespmem:s22], [sflag:$0x1], $0x2000, $0x38;
	[tilespmem:$0x18900] =	vst v63  }
0x102: {  	_ =	swait.ge [sflag:s23], $0x2000  }
0x103: {  	[sflag:s23] =	ssyncset.done $0x0  }
0x104: {  	[sflag:s23] =	ssyncadd.s32 $0xFFFFE000  }
.LBB2_7:
0x105: {  	_ =	sfence.sel $0x180000  }
0x106: {  	[bflag:$0x0] =	sbarrier.arrive $0xFFFF  }
0x107: {  	_ =	strace $0x9000004A  }
0x108: {  	s0 =	stileid.u32;
	[bflag:$0x2] =	sbarrier.arrive $0xFFFF  }
0x109: {  	p0 =	sne.s32 s0, $0x0;
	s0 =	rddreg [dreg:$0x2]  }
0x10a: {  	s0 =	sadd.s32 @!p0 $0x100000, s0  }
0x10b: {  	[sflag:s0] =	ssyncadd.tile.s32 @!p0 $0x1;
	_ =	shalt  }
.Lfunc_end2:
_tile_overlayer_lowered:
.L_overlay_start_2:
0x10c: {  	(tag) =	ssettag $0x2  }
0x10d: {  	s0 =	rddreg [dreg:$0x0];
	s2 =	stileid.u32  }
0x10e: {  	s1 =	rddreg [dreg:$0x1];
	p0 =	sne.s32 s2, $0x0  }
0x10f: {  	s3 =	rddreg [dreg:$0x2];
	[bflag:$0x3] =	sbarrier.arrive $0xFFFF;
	s2 =	simm.s32 @!p0 $0x1C01  }
0x110: {  	[timem:s3], [sflag:s2] =	dma.local @!p0 [hbm:s0], s1  }
0x111: {  	s0 =	simm.s32 @!p0 $0x1  }
0x112: {  	_ =	swait.ge @!p0 [sflag:s0], s1  }
0x113: {  	s1 =	ssub.s32 @!p0 $0x0, s1;
	[sflag:s0] =	ssyncset.done @!p0 $0x0  }
0x114: {  	[sflag:s0] =	ssyncadd.s32 @!p0 s1  }
0x115: {  	[bflag:$0x3] =	sbarrier.arrive $0xFFFF  }
0x116: {  	_ =	shalt  }

// kernel: kernel.13.cloned.1.call-start
scs
__scs_entry_jumppad:
0x0: {  	(pc) =	sbr.rel $0x88, $3  }
0x1: {  	(tag) =	ssettag $0x0;
	lr =	simm.s32 $0x1  }
0x2: {  	[smem:$0x3F94] =	sst lr;
	_ =	strace $0xD0000000  }
0x3: {  	_ = 	snop  }
0x4: {  	_ = 	snop  }
0x5: {  	_ = 	snop  }
0x6: {  	_ = 	snop  }
0x7: {  	_ = 	snop  }
__scs_overlays_trampoline_lowered:
0x8: {  	[smem:$0x3FA3] =	sst s0  }
0x9: {  	[smem:$0x3FA4] =	sst s1  }
0xa: {  	[smem:$0x3FA5] =	sst s2  }
0xb: {  	[smem:$0x3FA6] =	sst s3  }
0xc: {  	[smem:$0x3FA7] =	sst s4  }
0xd: {  	[smem:$0x3FA8] =	sst s5  }
0xe: {  	[smem:$0x3FA9] =	sst s6  }
0xf: {  	[smem:$0x3FAA] =	sst s7  }
0x10: {  	[smem:$0x3FAB] =	sst s8  }
0x11: {  	[smem:$0x3FAC] =	sst s9;
	s0 =	simm.s32 @!p0 $0x0  }
0x12: {  	s1 =	sld [smem:$0x3F92];
	s0 =	simm.s32 @p0 $0x1  }
0x13: {  	[smem:$0x3FAD] =	sst s0;
	s0 =	simm.s32 @!p1 $0x0  }
0x14: {  	s2 =	sld [smem:$0x3F91];
	s0 =	simm.s32 @p1 $0x1  }
0x15: {  	[smem:$0x3FAE] =	sst s0;
	s0 =	simm.s32 @!p2 $0x0  }
0x16: {  	s3 =	sld [smem:$0x3FDB];
	s0 =	simm.s32 @p2 $0x1  }
0x17: {  	s4 =	simm.s32 $0x1BF5;
	[smem:$0x3FB0] =	sst s0  }
0x18: {  	s0 =	sld [smem:$0x3F93];
	_ =	swait.ge [sflag:s4], $0x0  }
0x19: {  	s7 =	sld [smem:$0x3F94]  }
0x1a: {  	s8 =	sadd.s32 $0xFFFFE003, lr  }
0x1b: {  	s9 =	sadd.s32 $0xFFFFFEF7, lr;
	s5 =	simm.s32 $0xFFFFFFFF;
	p2 =	slt.u32 s8, $0xFFFFF086  }
0x1c: {  	p1 =	slt.u32 s9, $0xF7A;
	s5 =	simm.s32 @!p2 $0x0  }
0x1d: {  	s5 =	simm.s32 @p1 $0x1;
	p0 =	seq.s32 s7, s2  }
0x1e: {  	s7 =	smul.u32 @!p0 $0xF7A, s2;
	p2 =	seq.s32 @!p0 s5, $0x0  }
0x1f: {  	s9 =	smul.u32 $0xF7A, s1;
	s8 =	simm.s32 @!p0 $0x1BF5;
	p2 =	por !p2, p0  }
0x20: {  	[sflag:s8] =	ssyncset.s32 @!p0 $0xFFFFF086;
	s6 =	sadd.s32 @!p0 s3, s7;
	s7 =	simm.s32 @!p0 $0x108  }
0x21: {  	s3 =	sadd.s32 s3, s9;
	s6 =	sadd.s32 @!p0 $0x88, s6;
	s7 =	simm.s32 @p2 $0x1082  }
0x22: {  	[simem:s7], [sflag:s8] =	dma.local @!p0 [hbm:s6], $0xF7A  }
0x23: {  	s9 =	sor.u32 $0xD0000000, s2;
	s6 =	simm.s32 $0x108;
	_ =	swait.ge @!p0 [sflag:s8], $0x0  }
0x24: {  	s3 =	sadd.s32 $0x88, s3;
	s6 =	simm.s32 @!p1 $0x1082;
	[sflag:s4] =	ssyncset.s32 $0xFFFFF086  }
0x25: {  	[simem:s6], [sflag:s4] =	dma.local [hbm:s3], $0xF7A  }
0x26: {  	[smem:$0x3F94] =	sst s1;
	(tag) =	ssettag s2;
	_ =	strace s9  }
0x27: {  	s1 =	sld [smem:$0x3FA4]  }
0x28: {  	s2 =	sld [smem:$0x3FA5]  }
0x29: {  	s4 =	sld [smem:$0x3FA7]  }
0x2a: {  	p0 =	seq.s32 s5, $0x0;
	s5 =	sld [smem:$0x3FA8]  }
0x2b: {  	s6 =	sld [smem:$0x3FA9]  }
0x2c: {  	s7 =	sld [smem:$0x3FAA]  }
0x2d: {  	s3 =	simm.s32 $0x108;
	s8 =	sld [smem:$0x3FAB]  }
0x2e: {  	s3 =	simm.s32 @!p0 $0x1082;
	s9 =	sld [smem:$0x3FAC]  }
0x2f: {  	lr =	sadd.s32 s0, s3;
	s0 =	sld [smem:$0x3FA3]  }
0x30: {  	s3 =	sld [smem:$0x3FA6]  }
0x31: {  	[smem:$0x3FAF] =	sst s10  }
0x32: {  	s10 =	sld [smem:$0x3FAD];
	_ =	sdelay $0x3  }
0x33: {  	p0 =	seq.s32 s10, $0x1;
	s10 =	sld [smem:$0x3FAF];
	_ =	sdelay $0x3  }
0x34: {  	[smem:$0x3FAF] =	sst s10  }
0x35: {  	s10 =	sld [smem:$0x3FAE];
	_ =	sdelay $0x3  }
0x36: {  	p1 =	seq.s32 s10, $0x1;
	s10 =	sld [smem:$0x3FAF];
	_ =	sdelay $0x3  }
0x37: {  	[smem:$0x3FAF] =	sst s10  }
0x38: {  	s10 =	sld [smem:$0x3FB0]  }
0x39: {  	_ = 	snop;
	(pc) =	sbr.ind lr, $3  }
0x3a: {  	_ = 	snop  }
0x3b: {  	_ = 	snop  }
0x3c: {  	p2 =	seq.s32 s10, $0x1;
	s10 =	sld [smem:$0x3FAF]  }
0x3d: {  	_ =	shalt  }
0x3e: {  	_ =	shalt  }
0x3f: {  	_ =	shalt  }
0x40: {  	_ =	shalt  }
0x41: {  	_ =	shalt  }
0x42: {  	_ =	shalt  }
0x43: {  	_ =	shalt  }
0x44: {  	_ =	shalt  }
0x45: {  	_ =	shalt  }
0x46: {  	_ =	shalt  }
0x47: {  	_ =	shalt  }
0x48: {  	_ =	shalt  }
0x49: {  	_ =	shalt  }
0x4a: {  	_ =	shalt  }
0x4b: {  	_ =	shalt  }
0x4c: {  	_ =	shalt  }
0x4d: {  	_ =	shalt  }
0x4e: {  	_ =	shalt  }
0x4f: {  	_ =	shalt  }
0x50: {  	_ =	shalt  }
0x51: {  	_ =	shalt  }
0x52: {  	_ =	shalt  }
0x53: {  	_ =	shalt  }
0x54: {  	_ =	shalt  }
0x55: {  	_ =	shalt  }
0x56: {  	_ =	shalt  }
0x57: {  	_ =	shalt  }
0x58: {  	_ =	shalt  }
0x59: {  	_ =	shalt  }
0x5a: {  	_ =	shalt  }
0x5b: {  	_ =	shalt  }
0x5c: {  	_ =	shalt  }
0x5d: {  	_ =	shalt  }
0x5e: {  	_ =	shalt  }
0x5f: {  	_ =	shalt  }
0x60: {  	_ =	shalt  }
0x61: {  	_ =	shalt  }
0x62: {  	_ =	shalt  }
0x63: {  	_ =	shalt  }
0x64: {  	_ =	shalt  }
0x65: {  	_ =	shalt  }
0x66: {  	_ =	shalt  }
0x67: {  	_ =	shalt  }
0x68: {  	_ =	shalt  }
0x69: {  	_ =	shalt  }
0x6a: {  	_ =	shalt  }
0x6b: {  	_ =	shalt  }
0x6c: {  	_ =	shalt  }
0x6d: {  	_ =	shalt  }
0x6e: {  	_ =	shalt  }
0x6f: {  	_ =	shalt  }
0x70: {  	_ =	shalt  }
0x71: {  	_ =	shalt  }
0x72: {  	_ =	shalt  }
0x73: {  	_ =	shalt  }
0x74: {  	_ =	shalt  }
0x75: {  	_ =	shalt  }
0x76: {  	_ =	shalt  }
0x77: {  	_ =	shalt  }
0x78: {  	_ =	shalt  }
0x79: {  	_ =	shalt  }
0x7a: {  	_ =	shalt  }
0x7b: {  	_ =	shalt  }
0x7c: {  	_ =	shalt  }
0x7d: {  	_ =	shalt  }
0x7e: {  	_ =	shalt  }
0x7f: {  	_ =	shalt  }
0x80: {  	_ =	shalt  }
0x81: {  	_ =	shalt  }
0x82: {  	_ =	shalt  }
0x83: {  	_ =	shalt  }
0x84: {  	_ =	shalt  }
0x85: {  	_ =	shalt  }
0x86: {  	_ =	shalt  }
0x87: {  	_ =	shalt  }
.Lfunc_end0:
.L_simem_size_0:
called_computation.2_lowered:
.L_overlay_start_0:
0x88: {  	s2 =	sld [smem:$0x3FD9]  }
0x89: {  	s3 =	sld [smem:$0x3FFE];
	_ =	sdelay $0x1  }
0x8a: {  	s1 =	srdreg.scid  }
0x8b: {  	s0 =	sand.u32 $0x1, s1  }
0x8c: {  	s16 =	sshll.u32 s0, $0xA;
	s2 =	sadd.s32 s3, s2  }
0x8d: {  	s2 =	sadd.s32 s2, s16  }
0x8e: {  	[smem:$0x3FBB] =	sst s2  }
0x8f: {  	_ = 	snop  }
0x90: {  	(tm) =	ssettm $0x1  }
0x91: {  	s17 =	sld [smem:$0x3FFB];
	_ =	sdelay $0x3  }
0x92: {  	_ =	strace s17  }
0x93: {  	s2 =	sld [smem:$0x3FFC];
	_ =	sdelay $0x3  }
0x94: {  	_ =	strace s2  }
0x95: {  	s2 =	sld [smem:$0x3FFD];
	_ =	sdelay $0x3  }
0x96: {  	_ =	strace s2  }
0x97: {  	_ =	strace $0x8FFFFFFF  }
0x98: {  	s18 =	sld [smem:$0x3FDB];
	_ =	sdelay $0x1  }
0x99: {  	s19 =	simm.s32 $_scs_section_size  }
0x9a: {  	s4 =	simm.s32 $_size__tile_overlayer_lowered;
	s5 =	simm.s32 $_tile_overlayer_lowered  }
0x9b: {  	s22 =	simm.s32 $0x1BFF;
	s21 =	sshll.u32 s5, $0x1;
	s2 =	sadd.s32 s19, s18  }
0x9c: {  	s6 =	simm.s32 $0x0;
	s20 =	sshll.u32 s4, $0x1;
	s4 =	sadd.s32 s21, s2  }
0x9d: {  	[timem:s6], [sflag:s22] =	dma.local [hbm:s4], s20  }
0x9e: {  	_ =	swait.ge [sflag:s22], s20  }
0x9f: {  	s3 =	ssub.s32 $0x0, s20;
	[sflag:s22] =	ssyncset.done $0x0  }
0xa0: {  	[sflag:s22] =	ssyncadd.s32 s3;
	_ =	sdelay $0x1  }
0xa1: {  	s23 =	simm.s32 $0x1B8B  }
0xa2: {  	_ =	swait.ge [sflag:s23], $0x1  }
0xa3: {  	[sflag:s23] =	ssyncset.done $0x0  }
0xa4: {  	s25 =	simm.s32 $0x1B8E;
	s24 =	sld [smem:$0x3FFE];
	[sflag:s23] =	ssyncadd.s32 $0xFFFFFFFF  }
0xa5: {  	s26 =	simm.s32 $execute0_lowered;
	[smem:$0x3FD2] =	sst s25  }
0xa6: {  	s4 =	sshll.u32 s26, $0x1;
	_ =	strace $0x8000004C;
	[dreg:$0x1] =	wrdreg $0xFFFFFFFF  }
0xa7: {  	s28 =	simm.s32 $_size_execute0_lowered;
	s2 =	sadd.s32 s2, s4;
	[dreg:$0x0] =	wrdreg $0x0  }
0xa8: {  	s4 =	sshll.u32 s28, $0x1;
	[dreg:$0x2] =	wrdreg s2  }
0xa9: {  	[dreg:$0x3] =	wrdreg s4  }
0xaa: {  	[dreg:$0x4] =	wrdreg $0xC0  }
0xab: {  	_ =	task [dreg:s6], $0x5FFFF  }
0xac: {  	[dreg:$0x1] =	wrdreg $0xFFFFFFFF  }
0xad: {  	[dreg:$0x0] =	wrdreg $0x60  }
0xae: {  	[dreg:$0x2] =	wrdreg s24  }
0xaf: {  	[dreg:$0x3] =	wrdreg $0x52000  }
0xb0: {  	[dreg:$0x4] =	wrdreg $0x9  }
0xb1: {  	_ =	task.clear_ibuf [dreg:s6], $0x5FFFF;
	_ =	strace $0x9000004C  }
0xb2: {  	s29 =	simm.s32 $0x9;
	_ =	strace $0x8000004E  }
0xb3: {  	_ =	swait.ge [sflag:s29], $0x1  }
0xb4: {  	[sflag:s29] =	ssyncadd.s32 $0xFFFFFFFF  }
0xb5: {  	_ =	strace $0x9000004E  }
0xb6: {  	_ =	sfence  }
0xb7: {  	s30 =	sld [smem:$0x0];
	_ =	sdelay $0x2  }
0xb8: {  	s31 =	sshll.u32 s1, $0xD;
	s1 =	sshrl.u32 s1, $0x2  }
0xb9: {  	s3 =	sand.u32 $0x4000, s31;
	s1 =	sadd.s32 s1, s30  }
0xba: {  	s0 =	sor.u32 s3, s0;
	s1 =	sshll.u32 s1, $0x11  }
0xbb: {  	s0 =	sor.u32 s1, s0  }
0xbc: {  	s0 =	sadd.s32 $0x8F2B, s0  }
0xbd: {  	[sflag:s0] =	ssyncadd.remote.s32 $0x1  }
0xbe: {  	_ =	sfence.sel $0xFFFF  }
0xbf: {  	[dreg:$0x0] =	wrdreg $0xFFFFFFFF;
	(pc) =	sbr.abs _section_cstart, $3  }
0xc0: {  	[dreg:$0x1] =	wrdreg $0xFFFFFFFF  }
0xc1: {  	_ =	task.clear_ibuf [dreg:s6], $0x2FFFF;
	_ =	strace $0x9FFFFFFF  }
0xc2: {  	(tm) =	ssettm $0x7FFFFFFF  }
0xc3: {  	_ =	shalt  }
tec
execute0_lowered:
.L_overlay_start_1:
0x0: {  	(tag) =	ssettag $0x1  }
0x1: {  	s0 =	rddreg [dreg:$0x0]  }
0x2: {  	s1 =	rddreg [dreg:$0x1];
	s2 =	simm.s32 $0x0;
	s3 =	srdreg.scid  }
0x3: {  	s13 =	stileid.u32;
	[smem:$0x7FF] =	sst s2  }
0x4: {  	s3 =	sand.u32 $0x1, s3;
	s4 =	sadd.s32 $0x16800, s0;
	s10 =	smul.u32 $0x4E000, s13  }
0x5: {  	s5 =	sadd.s32 $0xC400, s0;
	s9 =	sadd.s32 $0x16200, s0;
	s11 =	smul.u32 $0x270, s13  }
0x6: {  	_ =	strace $0x8000004D;
	s6 =	sshll.u32 s3, $0x4;
	s23 =	smul.u32 $0x2710, s3  }
0x7: {  	s8 =	ssub.s32 $0x2, s3;
	[dreg:$0x3] =	wrdreg s9;
	s3 =	smul.u32 $0x27100, s3  }
0x8: {  	s7 =	sor.u32 s13, s6;
	s6 =	sadd.s32 $0x2600, s0;
	s21 =	sshrl.u32 s8, $0x1  }
0x9: {  	s0 =	sadd.s32 $0x3DA00, s0;
	s22 =	sshrl.u32 s10, $0x2;
	s9 =	ssub.s32 s8, s21  }
0xa: {  	s7 =	smul.u32 $0x2710, s7;
	s8 =	sadd.s32 s22, s1;
	s9 =	smax.u32 s9, $0x1  }
0xb: {  	s10 =	sadd.s32 s23, s11;
	s23 =	sadd.s32 $0x11800, s8;
	[dreg:$0x9] =	wrdreg s9  }
0xc: {  	s10 =	sshll.u32 s10, $0x4;
	[dreg:$0x14] =	wrdreg s23;
	s9 =	sadd.s32 $0x7800, s8  }
0xd: {  	s7 =	sshrl.u32 s7, $0x3;
	s10 =	sadd.s32 s0, s10;
	[dreg:$0x18] =	wrdreg s9  }
0xe: {  	s12 =	sadd.s32 s5, s7;
	[dreg:$0x8] =	wrdreg s10  }
0xf: {  	s0 =	sadd.s32 s0, s3;
	s14 =	sadd.s32 s6, s7;
	[dreg:$0x4] =	wrdreg s12  }
0x10: {  	s15 =	sadd.s32 $0x24E00, s0;
	[dreg:$0x5] =	wrdreg s14  }
0x11: {  	s16 =	sadd.s32 $0x25300, s0;
	[dreg:$0xd] =	wrdreg s15  }
0x12: {  	s17 =	sadd.s32 $0x25800, s0;
	[dreg:$0xe] =	wrdreg s16  }
0x13: {  	s18 =	sadd.s32 $0x25D00, s0;
	[dreg:$0xf] =	wrdreg s17  }
0x14: {  	s19 =	sadd.s32 $0x26200, s0;
	[dreg:$0x10] =	wrdreg s18  }
0x15: {  	s24 =	sadd.s32 $0xA, s7;
	s21 =	sadd.s32 $0x26700, s0;
	[dreg:$0x11] =	wrdreg s19  }
0x16: {  	s29 =	simm.s32 $0x1;
	s25 =	sadd.s32 s5, s24;
	[dreg:$0x12] =	wrdreg s21  }
0x17: {  	s7 =	sadd.s32 $0x4D8, s7;
	s26 =	sadd.s32 s6, s24;
	[dreg:$0x6] =	wrdreg s25  }
0x18: {  	s31 =	simm.s32 $0x2;
	s11 =	sadd.s32 s5, s7;
	[dreg:$0x7] =	wrdreg s26  }
0x19: {  	p0 =	seq.s32 s13, $0xF;
	s7 =	sadd.s32 s6, s7;
	[dreg:$0xa] =	wrdreg s11  }
0x1a: {  	s30 =	sadd.s32 $0x131000, s1;
	s14 =	sadd.s32 $0x24900, s0;
	[dreg:$0xb] =	wrdreg s7  }
0x1b: {  	s23 =	sadd.s32 $0x12C000, s1;
	s0 =	sadd.s32 $0x26C00, s0;
	[dreg:$0xc] =	wrdreg s14  }
0x1c: {  	s9 =	simm.s32 $0x200;
	s24 =	sadd.s32 $0x2300, s10;
	[dreg:$0x13] =	wrdreg s0  }
0x1d: {  	s12 =	smul.u32 $0x2710, s13;
	s13 =	sadd.s32 $0x124800, s1;
	[dreg:$0x15] =	wrdreg s24  }
0x1e: {  	s21 =	sadd.s32 $0x127000, s1;
	s15 =	sadd.s32 $0x500, s10;
	[dreg:$0x1b] =	wrdreg s13  }
0x1f: {  	s16 =	sadd.s32 $0xA00, s10;
	s17 =	sadd.s32 $0xF00, s10;
	[dreg:$0x1d] =	wrdreg s15  }
0x20: {  	s18 =	sadd.s32 $0x1400, s10;
	s19 =	sadd.s32 $0x1900, s10;
	[dreg:$0x1e] =	wrdreg s16  }
0x21: {  	s7 =	sadd.s32 $0x5000, s8;
	s11 =	sadd.s32 $0xA000, s8;
	[dreg:$0x1f] =	wrdreg s17  }
0x22: {  	s14 =	sadd.s32 $0xF000, s8;
	s24 =	sadd.s32 $0x12E800, s1;
	[smem:$0x7FB] =	sst s18  }
0x23: {  	s13 =	sadd.s32 $0x133800, s1;
	[smem:$0x7FC] =	sst s19;
	s15 =	simm.s32 $0x180  }
0x24: {  	s16 =	simm.s32 $0x2A00;
	s0 =	simm.s32 $0x0;
	[dreg:$0x17] =	wrdreg s7  }
0x25: {  	s3 =	sadd.s32 s12, s3;
	[dreg:$0x19] =	wrdreg s11;
	s12 =	sadd.s32 $0xC800, s8  }
0x26: {  	[dreg:$0x1c] =	wrdreg s14;
	s7 =	sadd.s32 $0x136000, s1;
	s11 =	simm.s32 $0x100  }
.Ltmp0:
0x27: {  	s14 =	simm.s32 $0x80;
	s20 =	sadd.s32 $0xF0, s3;
	(pc) =	sbr.rel .LBB2_1-.Ltmp0, $4  }
0x28: {  	s28 =	sadd.s32 $0xA0, s3;
	s3 =	sadd.s32 $0x2800, s8;
	[dreg:$0x1a] =	wrdreg s12  }
0x29: {  	s12 =	simm.s32 $0x50;
	s22 =	sshrl.u32 s20, $0x3;
	[dreg:$0x16] =	wrdreg s3  }
0x2a: {  	s20 =	sadd.s32 $0x1E00, s10;
	s10 =	simm.s32 $0x3;
	s25 =	sadd.s32 s22, s6  }
0x2b: {  	s26 =	sadd.s32 s22, s5;
	s22 =	sadd.s32 $0x129800, s1;
	[smem:$0x7FD] =	sst s20  }
.LBB2_5:
0x2c: {  	s3 =	rddreg [dreg:$0x1b]  }
0x2d: {  	[tilespmem:s9], [sflag:$0x3] =	stream.linear.gather [spmem:s3], $0x2800, $0x38;
	[tilespmem:$0x18A80] =	vst v63  }
0x2e: {  	_ =	swait.ge [sflag:s10], $0x2800  }
0x2f: {  	[sflag:s10] =	ssyncset.done $0x0  }
0x30: {  	s17 =	rddreg [dreg:$0xc];
	[sflag:s10] =	ssyncadd.s32 $0xFFFFD800  }
0x31: {  	[hbm4b:s17+s2] =	stream.linear.scatter [tilespmem:s9], [sflag:$0x3], $0x2800, $0x38;
	[tilespmem:$0x18A80] =	vst v63  }
0x32: {  	_ =	swait.ge [sflag:s10], $0x2800  }
0x33: {  	[sflag:s10] =	ssyncset.done $0x0  }
0x34: {  	[sflag:s10] =	ssyncadd.s32 $0xFFFFD800  }
0x35: {  	[tilespmem:s9], [sflag:$0x3] =	stream.linear.gather [spmem:s21], $0x2800, $0x38;
	[tilespmem:$0x18A80] =	vst v63  }
0x36: {  	_ =	swait.ge [sflag:s10], $0x2800  }
0x37: {  	[sflag:s10] =	ssyncset.done $0x0  }
0x38: {  	s18 =	rddreg [dreg:$0xd];
	[sflag:s10] =	ssyncadd.s32 $0xFFFFD800  }
0x39: {  	[hbm4b:s18+s2] =	stream.linear.scatter [tilespmem:s9], [sflag:$0x3], $0x2800, $0x38;
	[tilespmem:$0x18A80] =	vst v63  }
0x3a: {  	_ =	swait.ge [sflag:s10], $0x2800  }
0x3b: {  	[sflag:s10] =	ssyncset.done $0x0  }
0x3c: {  	[sflag:s10] =	ssyncadd.s32 $0xFFFFD800  }
0x3d: {  	[tilespmem:s9], [sflag:$0x3] =	stream.linear.gather [spmem:s22], $0x2800, $0x38;
	[tilespmem:$0x18A80] =	vst v63  }
0x3e: {  	_ =	swait.ge [sflag:s10], $0x2800  }
0x3f: {  	[sflag:s10] =	ssyncset.done $0x0  }
0x40: {  	s19 =	rddreg [dreg:$0xe];
	[sflag:s10] =	ssyncadd.s32 $0xFFFFD800  }
0x41: {  	[hbm4b:s19+s2] =	stream.linear.scatter [tilespmem:s9], [sflag:$0x3], $0x2800, $0x38;
	[tilespmem:$0x18A80] =	vst v63  }
0x42: {  	_ =	swait.ge [sflag:s10], $0x2800  }
0x43: {  	[sflag:s10] =	ssyncset.done $0x0  }
0x44: {  	[sflag:s10] =	ssyncadd.s32 $0xFFFFD800  }
0x45: {  	[tilespmem:s9], [sflag:$0x3] =	stream.linear.gather [spmem:s23], $0x2800, $0x38;
	[tilespmem:$0x18A80] =	vst v63  }
0x46: {  	_ =	swait.ge [sflag:s10], $0x2800  }
0x47: {  	[sflag:s10] =	ssyncset.done $0x0  }
0x48: {  	s20 =	rddreg [dreg:$0xf];
	[sflag:s10] =	ssyncadd.s32 $0xFFFFD800  }
0x49: {  	[hbm4b:s20+s2] =	stream.linear.scatter [tilespmem:s9], [sflag:$0x3], $0x2800, $0x38;
	[tilespmem:$0x18A80] =	vst v63  }
0x4a: {  	_ =	swait.ge [sflag:s10], $0x2800  }
0x4b: {  	[sflag:s10] =	ssyncset.done $0x0  }
0x4c: {  	[sflag:s10] =	ssyncadd.s32 $0xFFFFD800  }
0x4d: {  	[tilespmem:s9], [sflag:$0x3] =	stream.linear.gather [spmem:s24], $0x2800, $0x38;
	[tilespmem:$0x18A80] =	vst v63  }
0x4e: {  	_ =	swait.ge [sflag:s10], $0x2800  }
0x4f: {  	[sflag:s10] =	ssyncset.done $0x0  }
0x50: {  	s17 =	rddreg [dreg:$0x10];
	[sflag:s10] =	ssyncadd.s32 $0xFFFFD800  }
0x51: {  	[hbm4b:s17+s2] =	stream.linear.scatter [tilespmem:s9], [sflag:$0x3], $0x2800, $0x38;
	[tilespmem:$0x18A80] =	vst v63  }
0x52: {  	_ =	swait.ge [sflag:s10], $0x2800  }
0x53: {  	[sflag:s10] =	ssyncset.done $0x0  }
0x54: {  	[sflag:s10] =	ssyncadd.s32 $0xFFFFD800  }
0x55: {  	[tilespmem:s9], [sflag:$0x3] =	stream.linear.gather [spmem:s30], $0x2800, $0x38;
	[tilespmem:$0x18A80] =	vst v63  }
0x56: {  	_ =	swait.ge [sflag:s10], $0x2800  }
0x57: {  	[sflag:s10] =	ssyncset.done $0x0  }
0x58: {  	s18 =	rddreg [dreg:$0x11];
	[sflag:s10] =	ssyncadd.s32 $0xFFFFD800  }
0x59: {  	[hbm4b:s18+s2] =	stream.linear.scatter [tilespmem:s9], [sflag:$0x3], $0x2800, $0x38;
	[tilespmem:$0x18A80] =	vst v63  }
0x5a: {  	_ =	swait.ge [sflag:s10], $0x2800  }
0x5b: {  	[sflag:s10] =	ssyncset.done $0x0  }
0x5c: {  	[sflag:s10] =	ssyncadd.s32 $0xFFFFD800  }
0x5d: {  	[tilespmem:s9], [sflag:$0x3] =	stream.linear.gather [spmem:s13], $0x2800, $0x38;
	[tilespmem:$0x18A80] =	vst v63  }
0x5e: {  	_ =	swait.ge [sflag:s10], $0x2800  }
0x5f: {  	[sflag:s10] =	ssyncset.done $0x0  }
0x60: {  	s19 =	rddreg [dreg:$0x12];
	[sflag:s10] =	ssyncadd.s32 $0xFFFFD800  }
0x61: {  	[hbm4b:s19+s2] =	stream.linear.scatter [tilespmem:s9], [sflag:$0x3], $0x2800, $0x38;
	[tilespmem:$0x18A80] =	vst v63  }
0x62: {  	_ =	swait.ge [sflag:s10], $0x2800  }
0x63: {  	[sflag:s10] =	ssyncset.done $0x0  }
0x64: {  	[sflag:s10] =	ssyncadd.s32 $0xFFFFD800  }
0x65: {  	[tilespmem:s9], [sflag:$0x3] =	stream.linear.gather [spmem:s7], $0x2800, $0x38;
	[tilespmem:$0x18A80] =	vst v63  }
0x66: {  	_ =	swait.ge [sflag:s10], $0x2800  }
0x67: {  	[sflag:s10] =	ssyncset.done $0x0  }
0x68: {  	s20 =	rddreg [dreg:$0x13];
	[sflag:s10] =	ssyncadd.s32 $0xFFFFD800  }
0x69: {  	[hbm4b:s20+s2] =	stream.linear.scatter [tilespmem:s9], [sflag:$0x3], $0x2800, $0x38;
	[tilespmem:$0x18A80] =	vst v63  }
0x6a: {  	_ =	swait.ge [sflag:s10], $0x2800  }
0x6b: {  	[sflag:s10] =	ssyncset.done $0x0  }
0x6c: {  	[sflag:s10] =	ssyncadd.s32 $0xFFFFD800  }
.LBB2_6:
0x6d: {  	s0 =	sadd.s32 $0x1, s0;
	s3 =	rddreg [dreg:$0x9]  }
0x6e: {  	p1 =	sne.s32 s0, s3  }
.Ltmp1:
0x6f: {  	_ = 	snop;
	(pc) =	sbr.rel @!p1 .LBB2_7-.Ltmp1, $1  }
0x70: {  	_ =	sdelay $0x3  }
.LBB2_1:
0x71: {  	s3 =	rddreg [dreg:$0x3]  }
0x72: {  	[tilespmem:s9], [sflag:$0x3] =	stream.linear.gather [hbm4b:s3+s2], $0x2800, $0x38;
	[tilespmem:$0x18A80] =	vst v63  }
0x73: {  	_ =	swait.ge [sflag:s10], $0x2800  }
0x74: {  	[sflag:s10] =	ssyncset.done $0x0  }
0x75: {  	s3 =	simm.s32 @p0 $0x200;
	s17 =	rddreg [dreg:$0x1b];
	[sflag:s10] =	ssyncadd.s32 $0xFFFFD800  }
0x76: {  	[spmem:s17] =	stream.linear.scatter @p0 [tilespmem:s3], [sflag:$0x3], $0x2800, $0x38;
	[tilespmem:$0x18A80] =	vst v63  }
0x77: {  	s17 =	simm.s32 @p0 $0x3  }
0x78: {  	_ =	swait.ge @p0 [sflag:s17], $0x2800  }
0x79: {  	[sflag:s17] =	ssyncset.done @p0 $0x0  }
0x7a: {  	[sflag:s17] =	ssyncadd.s32 @p0 $0xFFFFD800  }
0x7b: {  	[spmem:s21] =	stream.linear.scatter @p0 [tilespmem:s3], [sflag:$0x3], $0x2800, $0x38;
	[tilespmem:$0x18A80] =	vst v63  }
0x7c: {  	_ =	swait.ge @p0 [sflag:s17], $0x2800  }
0x7d: {  	[sflag:s17] =	ssyncset.done @p0 $0x0  }
0x7e: {  	[sflag:s17] =	ssyncadd.s32 @p0 $0xFFFFD800  }
0x7f: {  	[spmem:s22] =	stream.linear.scatter @p0 [tilespmem:s3], [sflag:$0x3], $0x2800, $0x38;
	[tilespmem:$0x18A80] =	vst v63  }
0x80: {  	_ =	swait.ge @p0 [sflag:s17], $0x2800  }
0x81: {  	[sflag:s17] =	ssyncset.done @p0 $0x0  }
0x82: {  	[sflag:s17] =	ssyncadd.s32 @p0 $0xFFFFD800  }
0x83: {  	[spmem:s23] =	stream.linear.scatter @p0 [tilespmem:s3], [sflag:$0x3], $0x2800, $0x38;
	[tilespmem:$0x18A80] =	vst v63  }
0x84: {  	_ =	swait.ge @p0 [sflag:s17], $0x2800  }
0x85: {  	[sflag:s17] =	ssyncset.done @p0 $0x0  }
0x86: {  	[sflag:s17] =	ssyncadd.s32 @p0 $0xFFFFD800  }
0x87: {  	[spmem:s24] =	stream.linear.scatter @p0 [tilespmem:s3], [sflag:$0x3], $0x2800, $0x38;
	[tilespmem:$0x18A80] =	vst v63  }
0x88: {  	_ =	swait.ge @p0 [sflag:s17], $0x2800  }
0x89: {  	[sflag:s17] =	ssyncset.done @p0 $0x0  }
0x8a: {  	[sflag:s17] =	ssyncadd.s32 @p0 $0xFFFFD800  }
0x8b: {  	[spmem:s30] =	stream.linear.scatter @p0 [tilespmem:s3], [sflag:$0x3], $0x2800, $0x38;
	[tilespmem:$0x18A80] =	vst v63  }
0x8c: {  	_ =	swait.ge @p0 [sflag:s17], $0x2800  }
0x8d: {  	[sflag:s17] =	ssyncset.done @p0 $0x0  }
0x8e: {  	[sflag:s17] =	ssyncadd.s32 @p0 $0xFFFFD800  }
0x8f: {  	[spmem:s13] =	stream.linear.scatter @p0 [tilespmem:s3], [sflag:$0x3], $0x2800, $0x38;
	[tilespmem:$0x18A80] =	vst v63  }
0x90: {  	_ =	swait.ge @p0 [sflag:s17], $0x2800  }
0x91: {  	[sflag:s17] =	ssyncset.done @p0 $0x0  }
0x92: {  	[sflag:s17] =	ssyncadd.s32 @p0 $0xFFFFD800  }
0x93: {  	[spmem:s7] =	stream.linear.scatter @p0 [tilespmem:s3], [sflag:$0x3], $0x2800, $0x38;
	[tilespmem:$0x18A80] =	vst v63  }
0x94: {  	_ =	swait.ge @p0 [sflag:s17], $0x2800  }
0x95: {  	[sflag:s17] =	ssyncset.done @p0 $0x0  }
0x96: {  	s3 =	simm.s32 @!p0 $0x200;
	[sflag:s17] =	ssyncadd.s32 @p0 $0xFFFFD800;
	s17 =	simm.s32 @!p0 $0x3  }
0x97: {  	[spmem:s8] =	stream.linear.scatter @!p0 [tilespmem:s3], [sflag:$0x3], $0x2800, $0x38;
	[tilespmem:$0x18A80] =	vst v63  }
0x98: {  	_ =	swait.ge @!p0 [sflag:s17], $0x2800  }
0x99: {  	[sflag:s17] =	ssyncset.done @!p0 $0x0  }
0x9a: {  	s18 =	rddreg [dreg:$0x16];
	[sflag:s17] =	ssyncadd.s32 @!p0 $0xFFFFD800  }
0x9b: {  	[spmem:s18] =	stream.linear.scatter @!p0 [tilespmem:s3], [sflag:$0x3], $0x2800, $0x38;
	[tilespmem:$0x18A80] =	vst v63  }
0x9c: {  	_ =	swait.ge @!p0 [sflag:s17], $0x2800  }
0x9d: {  	[sflag:s17] =	ssyncset.done @!p0 $0x0  }
0x9e: {  	s18 =	rddreg [dreg:$0x17];
	[sflag:s17] =	ssyncadd.s32 @!p0 $0xFFFFD800  }
0x9f: {  	[spmem:s18] =	stream.linear.scatter @!p0 [tilespmem:s3], [sflag:$0x3], $0x2800, $0x38;
	[tilespmem:$0x18A80] =	vst v63  }
0xa0: {  	_ =	swait.ge @!p0 [sflag:s17], $0x2800  }
0xa1: {  	[sflag:s17] =	ssyncset.done @!p0 $0x0  }
0xa2: {  	s18 =	rddreg [dreg:$0x18];
	[sflag:s17] =	ssyncadd.s32 @!p0 $0xFFFFD800  }
0xa3: {  	[spmem:s18] =	stream.linear.scatter @!p0 [tilespmem:s3], [sflag:$0x3], $0x2800, $0x38;
	[tilespmem:$0x18A80] =	vst v63  }
0xa4: {  	_ =	swait.ge @!p0 [sflag:s17], $0x2800  }
0xa5: {  	[sflag:s17] =	ssyncset.done @!p0 $0x0  }
0xa6: {  	s18 =	rddreg [dreg:$0x19];
	[sflag:s17] =	ssyncadd.s32 @!p0 $0xFFFFD800  }
0xa7: {  	[spmem:s18] =	stream.linear.scatter @!p0 [tilespmem:s3], [sflag:$0x3], $0x2800, $0x38;
	[tilespmem:$0x18A80] =	vst v63  }
0xa8: {  	_ =	swait.ge @!p0 [sflag:s17], $0x2800  }
0xa9: {  	[sflag:s17] =	ssyncset.done @!p0 $0x0  }
0xaa: {  	s18 =	rddreg [dreg:$0x1a];
	[sflag:s17] =	ssyncadd.s32 @!p0 $0xFFFFD800  }
0xab: {  	[spmem:s18] =	stream.linear.scatter @!p0 [tilespmem:s3], [sflag:$0x3], $0x2800, $0x38;
	[tilespmem:$0x18A80] =	vst v63  }
0xac: {  	_ =	swait.ge @!p0 [sflag:s17], $0x2800  }
0xad: {  	[sflag:s17] =	ssyncset.done @!p0 $0x0  }
0xae: {  	s18 =	rddreg [dreg:$0x1c];
	[sflag:s17] =	ssyncadd.s32 @!p0 $0xFFFFD800  }
0xaf: {  	[spmem:s18] =	stream.linear.scatter @!p0 [tilespmem:s3], [sflag:$0x3], $0x2800, $0x38;
	[tilespmem:$0x18A80] =	vst v63  }
0xb0: {  	_ =	swait.ge @!p0 [sflag:s17], $0x2800  }
0xb1: {  	[sflag:s17] =	ssyncset.done @!p0 $0x0  }
0xb2: {  	s18 =	rddreg [dreg:$0x14];
	[sflag:s17] =	ssyncadd.s32 @!p0 $0xFFFFD800  }
0xb3: {  	[spmem:s18] =	stream.linear.scatter @!p0 [tilespmem:s3], [sflag:$0x3], $0x2000, $0x38;
	[tilespmem:$0x18A80] =	vst v63  }
0xb4: {  	_ =	swait.ge @!p0 [sflag:s17], $0x2000  }
0xb5: {  	[sflag:s17] =	ssyncset.done @!p0 $0x0  }
0xb6: {  	[sflag:s17] =	ssyncadd.s32 @!p0 $0xFFFFE000  }
0xb7: {  	[bflag:$0x0] =	sbarrier.arrive $0xFFFF  }
0xb8: {  	s20 =	rddreg [dreg:$0x4]  }
0xb9: {  	[tilespmem:s2], [sflag:$0x3] =	stream.linear.gather [hbm4b:s20+s2], $0x50, $0x38;
	[tilespmem:$0x18A80] =	vst v63  }
0xba: {  	_ =	swait.ge [sflag:s10], $0x50  }
0xbb: {  	[sflag:s10] =	ssyncset.done $0x0  }
0xbc: {  	s17 =	rddreg [dreg:$0x5];
	[sflag:s10] =	ssyncadd.s32 $0xFFFFFFB0  }
0xbd: {  	[tilespmem:s11], [sflag:$0x3] =	stream.linear.gather [hbm4b:s17+s2], $0x50, $0x38;
	[tilespmem:$0x18A80] =	vst v63  }
0xbe: {  	_ =	swait.ge [sflag:s10], $0x50  }
0xbf: {  	[sflag:s10] =	ssyncset.done $0x0  }
0xc0: {  	[sflag:s10] =	ssyncadd.s32 $0xFFFFFFB0  }
0xc1: {  	[tilespmem:s9], [sflag:$0x1] =	stream.indirect.gather [hbm4b:s4+s12], $0x80, s2, s12, $0xb8;
	[tilespmem:$0x18A80] =	vst v63  }
0xc2: {  	s18 =	rddreg [dreg:$0x6]  }
0xc3: {  	[tilespmem:s14], [sflag:$0x3] =	stream.linear.gather [hbm4b:s18+s2], $0x50, $0x38;
	[tilespmem:$0x18A80] =	vst v63  }
0xc4: {  	_ =	swait.ge [sflag:s10], $0x50  }
0xc5: {  	[sflag:s10] =	ssyncset.done $0x0  }
0xc6: {  	s19 =	rddreg [dreg:$0x7];
	[sflag:s10] =	ssyncadd.s32 $0xFFFFFFB0  }
0xc7: {  	[tilespmem:s15], [sflag:$0x3] =	stream.linear.gather [hbm4b:s19+s2], $0x50, $0x38;
	[tilespmem:$0x18A80] =	vst v63  }
0xc8: {  	_ =	swait.ge [sflag:s10], $0x50  }
0xc9: {  	[sflag:s10] =	ssyncset.done $0x0  }
0xca: {  	[sflag:s10] =	ssyncadd.s32 $0xFFFFFFB0  }
0xcb: {  	[tilespmem:s16], [sflag:$0x2] =	stream.indirect.gather [hbm4b:s4+s12], $0x80, s14, s12, $0xb8;
	[tilespmem:$0x18A80] =	vst v63  }
0xcc: {  	_ =	swait.ge [sflag:s29], $0x2800  }
0xcd: {  	[sflag:s29] =	ssyncset.done $0x0  }
0xce: {  	[sflag:s29] =	ssyncadd.s32 $0xFFFFD800  }
0xcf: {  	[spmem:s1] =	stream.indirect.scatter.add.f32 [tilespmem:s9], [sflag:$0x3], $0x80, s11, s12, $0xb8;
	[tilespmem:$0x18A80] =	vst v63  }
0xd0: {  	_ =	swait.ge [sflag:s10], $0x2800  }
0xd1: {  	[sflag:s10] =	ssyncset.done $0x0  }
0xd2: {  	[sflag:s10] =	ssyncadd.s32 $0xFFFFD800  }
0xd3: {  	_ =	swait.ge [sflag:s31], $0x2800  }
0xd4: {  	[sflag:s31] =	ssyncset.done $0x0  }
0xd5: {  	[sflag:s31] =	ssyncadd.s32 $0xFFFFD800  }
0xd6: {  	[spmem:s1] =	stream.indirect.scatter.add.f32 [tilespmem:s16], [sflag:$0x3], $0x80, s15, s12, $0xb8;
	[tilespmem:$0x18A80] =	vst v63  }
0xd7: {  	_ =	swait.ge [sflag:s10], $0x2800  }
0xd8: {  	s20 =	sshrl.u32 s28, $0x3;
	[sflag:s10] =	ssyncset.done $0x0  }
0xd9: {  	s18 =	sadd.s32 s5, s20;
	[sflag:s10] =	ssyncadd.s32 $0xFFFFD800  }
0xda: {  	[tilespmem:s2], [sflag:$0x3] =	stream.linear.gather [hbm4b:s18+s2], $0x50, $0x38;
	[tilespmem:$0x18A80] =	vst v63  }
0xdb: {  	_ =	swait.ge [sflag:s10], $0x50  }
0xdc: {  	[sflag:s10] =	ssyncset.done $0x0  }
0xdd: {  	s3 =	sadd.s32 s6, s20;
	[sflag:s10] =	ssyncadd.s32 $0xFFFFFFB0  }
0xde: {  	[tilespmem:s11], [sflag:$0x3] =	stream.linear.gather [hbm4b:s3+s2], $0x50, $0x38;
	[tilespmem:$0x18A80] =	vst v63  }
0xdf: {  	_ =	swait.ge [sflag:s10], $0x50  }
0xe0: {  	[sflag:s10] =	ssyncset.done $0x0  }
0xe1: {  	[sflag:s10] =	ssyncadd.s32 $0xFFFFFFB0  }
0xe2: {  	[tilespmem:s9], [sflag:$0x1] =	stream.indirect.gather [hbm4b:s4+s12], $0x80, s2, s12, $0xb8;
	[tilespmem:$0x18A80] =	vst v63  }
0xe3: {  	s19 =	sadd.s32 $0x0, s26  }
0xe4: {  	[tilespmem:s14], [sflag:$0x3] =	stream.linear.gather [hbm4b:s19+s2], $0x50, $0x38;
	[tilespmem:$0x18A80] =	vst v63  }
0xe5: {  	_ =	swait.ge [sflag:s10], $0x50  }
0xe6: {  	[sflag:s10] =	ssyncset.done $0x0  }
0xe7: {  	s20 =	sadd.s32 $0x0, s25;
	[sflag:s10] =	ssyncadd.s32 $0xFFFFFFB0  }
0xe8: {  	[tilespmem:s15], [sflag:$0x3] =	stream.linear.gather [hbm4b:s20+s2], $0x50, $0x38;
	[tilespmem:$0x18A80] =	vst v63  }
0xe9: {  	_ =	swait.ge [sflag:s10], $0x50  }
0xea: {  	[sflag:s10] =	ssyncset.done $0x0  }
0xeb: {  	s17 =	sadd.s32 $0xA0, s28;
	s3 =	simm.s32 $0x14;
	[sflag:s10] =	ssyncadd.s32 $0xFFFFFFB0  }
.LBB2_2:
0xec: {  	[tilespmem:s16], [sflag:$0x2] =	stream.indirect.gather [hbm4b:s4+s12], $0x80, s14, s12, $0xb8;
	[tilespmem:$0x18A80] =	vst v63  }
0xed: {  	s18 =	smov.u32 s3  }
0xee: {  	p1 =	sne.s32 s3, $0x4B0;
	s3 =	sadd.s32 $0x14, s3;
	_ =	swait.ge [sflag:s29], $0x2800  }
0xef: {  	[sflag:s29] =	ssyncset.done $0x0  }
0xf0: {  	[sflag:s29] =	ssyncadd.s32 $0xFFFFD800  }
0xf1: {  	[spmem:s1] =	stream.indirect.scatter.add.f32 [tilespmem:s9], [sflag:$0x3], $0x80, s11, s12, $0xb8;
	[tilespmem:$0x18A80] =	vst v63  }
0xf2: {  	_ =	swait.ge [sflag:s10], $0x2800  }
0xf3: {  	[sflag:s10] =	ssyncset.done $0x0  }
0xf4: {  	[sflag:s10] =	ssyncadd.s32 $0xFFFFD800  }
0xf5: {  	_ =	swait.ge [sflag:s31], $0x2800  }
0xf6: {  	[sflag:s31] =	ssyncset.done $0x0  }
0xf7: {  	[sflag:s31] =	ssyncadd.s32 $0xFFFFD800  }
0xf8: {  	[spmem:s1] =	stream.indirect.scatter.add.f32 [tilespmem:s16], [sflag:$0x3], $0x80, s15, s12, $0xb8;
	[tilespmem:$0x18A80] =	vst v63  }
0xf9: {  	_ =	swait.ge [sflag:s10], $0x2800  }
0xfa: {  	s19 =	sshrl.u32 s17, $0x3;
	[sflag:s10] =	ssyncset.done $0x0  }
0xfb: {  	s20 =	sadd.s32 s5, s19;
	[sflag:s10] =	ssyncadd.s32 $0xFFFFD800  }
0xfc: {  	[tilespmem:s2], [sflag:$0x3] =	stream.linear.gather [hbm4b:s20+s2], $0x50, $0x38;
	[tilespmem:$0x18A80] =	vst v63  }
0xfd: {  	_ =	swait.ge [sflag:s10], $0x50  }
0xfe: {  	[sflag:s10] =	ssyncset.done $0x0  }
0xff: {  	s19 =	sadd.s32 s6, s19;
	[sflag:s10] =	ssyncadd.s32 $0xFFFFFFB0  }
0x100: {  	[tilespmem:s11], [sflag:$0x3] =	stream.linear.gather [hbm4b:s19+s2], $0x50, $0x38;
	[tilespmem:$0x18A80] =	vst v63  }
0x101: {  	_ =	swait.ge [sflag:s10], $0x50  }
0x102: {  	[sflag:s10] =	ssyncset.done $0x0  }
0x103: {  	[sflag:s10] =	ssyncadd.s32 $0xFFFFFFB0  }
0x104: {  	[tilespmem:s9], [sflag:$0x1] =	stream.indirect.gather [hbm4b:s4+s12], $0x80, s2, s12, $0xb8;
	[tilespmem:$0x18A80] =	vst v63  }
0x105: {  	s19 =	sadd.s32 s18, s26  }
0x106: {  	[tilespmem:s14], [sflag:$0x3] =	stream.linear.gather [hbm4b:s19+s2], $0x50, $0x38;
	[tilespmem:$0x18A80] =	vst v63  }
0x107: {  	_ =	swait.ge [sflag:s10], $0x50  }
0x108: {  	[sflag:s10] =	ssyncset.done $0x0  }
.Ltmp2:
0x109: {  	s18 =	sadd.s32 s18, s25;
	[sflag:s10] =	ssyncadd.s32 $0xFFFFFFB0;
	(pc) =	sbr.rel @p1 .LBB2_2-.Ltmp2, $4  }
0x10a: {  	[tilespmem:s15], [sflag:$0x3] =	stream.linear.gather [hbm4b:s18+s2], $0x50, $0x38;
	[tilespmem:$0x18A80] =	vst v63  }
0x10b: {  	_ =	swait.ge [sflag:s10], $0x50  }
0x10c: {  	[sflag:s10] =	ssyncset.done $0x0  }
0x10d: {  	s17 =	sadd.s32 $0xA0, s17;
	[sflag:s10] =	ssyncadd.s32 $0xFFFFFFB0  }
0x10e: {  	[tilespmem:s16], [sflag:$0x2] =	stream.indirect.gather [hbm4b:s4+s12], $0x80, s14, s12, $0xb8;
	[tilespmem:$0x18A80] =	vst v63  }
0x10f: {  	_ =	swait.ge [sflag:s29], $0x2800  }
0x110: {  	[sflag:s29] =	ssyncset.done $0x0  }
0x111: {  	[sflag:s29] =	ssyncadd.s32 $0xFFFFD800  }
0x112: {  	[spmem:s1] =	stream.indirect.scatter.add.f32 [tilespmem:s9], [sflag:$0x3], $0x80, s11, s12, $0xb8;
	[tilespmem:$0x18A80] =	vst v63  }
0x113: {  	_ =	swait.ge [sflag:s10], $0x2800  }
0x114: {  	[sflag:s10] =	ssyncset.done $0x0  }
0x115: {  	[sflag:s10] =	ssyncadd.s32 $0xFFFFD800  }
0x116: {  	_ =	swait.ge [sflag:s31], $0x2800  }
0x117: {  	[sflag:s31] =	ssyncset.done $0x0  }
0x118: {  	[sflag:s31] =	ssyncadd.s32 $0xFFFFD800  }
0x119: {  	[spmem:s1] =	stream.indirect.scatter.add.f32 [tilespmem:s16], [sflag:$0x3], $0x80, s15, s12, $0xb8;
	[tilespmem:$0x18A80] =	vst v63  }
0x11a: {  	_ =	swait.ge [sflag:s10], $0x2800  }
0x11b: {  	[sflag:s10] =	ssyncset.done $0x0  }
0x11c: {  	s3 =	rddreg [dreg:$0xa];
	[sflag:s10] =	ssyncadd.s32 $0xFFFFD800  }
0x11d: {  	[tilespmem:s2], [sflag:$0x3] =	stream.linear.gather [hbm4b:s3+s2], $0x50, $0x38;
	[tilespmem:$0x18A80] =	vst v63  }
0x11e: {  	_ =	swait.ge [sflag:s10], $0x50  }
0x11f: {  	[sflag:s10] =	ssyncset.done $0x0  }
0x120: {  	s20 =	rddreg [dreg:$0xb];
	[sflag:s10] =	ssyncadd.s32 $0xFFFFFFB0  }
0x121: {  	[tilespmem:s11], [sflag:$0x3] =	stream.linear.gather [hbm4b:s20+s2], $0x50, $0x38;
	[tilespmem:$0x18A80] =	vst v63  }
0x122: {  	_ =	swait.ge [sflag:s10], $0x50  }
0x123: {  	[sflag:s10] =	ssyncset.done $0x0  }
0x124: {  	[sflag:s10] =	ssyncadd.s32 $0xFFFFFFB0  }
0x125: {  	[tilespmem:s9], [sflag:$0x1] =	stream.indirect.gather [hbm4b:s4+s12], $0x80, s2, s12, $0xb8;
	[tilespmem:$0x18A80] =	vst v63  }
0x126: {  	_ =	swait.ge [sflag:s29], $0x2800  }
0x127: {  	[sflag:s29] =	ssyncset.done $0x0  }
0x128: {  	[sflag:s29] =	ssyncadd.s32 $0xFFFFD800  }
0x129: {  	[spmem:s1] =	stream.indirect.scatter.add.f32 [tilespmem:s9], [sflag:$0x3], $0x80, s11, s12, $0xb8;
	[tilespmem:$0x18A80] =	vst v63  }
.Ltmp3:
0x12a: {  	_ =	swait.ge [sflag:s10], $0x2800;
	(pc) =	sbr.rel @p0 .LBB2_5-.Ltmp3, $3  }
0x12b: {  	[sflag:s10] =	ssyncset.done $0x0  }
0x12c: {  	[sflag:s10] =	ssyncadd.s32 $0xFFFFD800  }
0x12d: {  	[bflag:$0x0] =	sbarrier.arrive $0xFFFF;
	_ =	sdelay $0x1  }
0x12e: {  	[tilespmem:s9], [sflag:$0x3] =	stream.linear.gather [spmem:s8], $0x2800, $0x38;
	[tilespmem:$0x18A80] =	vst v63  }
0x12f: {  	_ =	swait.ge [sflag:s10], $0x2800  }
0x130: {  	[sflag:s10] =	ssyncset.done $0x0  }
0x131: {  	s3 =	rddreg [dreg:$0x8];
	[sflag:s10] =	ssyncadd.s32 $0xFFFFD800  }
0x132: {  	[hbm4b:s3+s2] =	stream.linear.scatter [tilespmem:s9], [sflag:$0x3], $0x2800, $0x38;
	[tilespmem:$0x18A80] =	vst v63  }
0x133: {  	_ =	swait.ge [sflag:s10], $0x2800  }
0x134: {  	[sflag:s10] =	ssyncset.done $0x0  }
0x135: {  	s19 =	rddreg [dreg:$0x16];
	[sflag:s10] =	ssyncadd.s32 $0xFFFFD800  }
0x136: {  	[tilespmem:s9], [sflag:$0x3] =	stream.linear.gather [spmem:s19], $0x2800, $0x38;
	[tilespmem:$0x18A80] =	vst v63  }
0x137: {  	_ =	swait.ge [sflag:s10], $0x2800  }
0x138: {  	[sflag:s10] =	ssyncset.done $0x0  }
0x139: {  	s20 =	rddreg [dreg:$0x1d];
	[sflag:s10] =	ssyncadd.s32 $0xFFFFD800  }
0x13a: {  	[hbm4b:s20+s2] =	stream.linear.scatter [tilespmem:s9], [sflag:$0x3], $0x2800, $0x38;
	[tilespmem:$0x18A80] =	vst v63  }
0x13b: {  	_ =	swait.ge [sflag:s10], $0x2800  }
0x13c: {  	[sflag:s10] =	ssyncset.done $0x0  }
0x13d: {  	s17 =	rddreg [dreg:$0x17];
	[sflag:s10] =	ssyncadd.s32 $0xFFFFD800  }
0x13e: {  	[tilespmem:s9], [sflag:$0x3] =	stream.linear.gather [spmem:s17], $0x2800, $0x38;
	[tilespmem:$0x18A80] =	vst v63  }
0x13f: {  	_ =	swait.ge [sflag:s10], $0x2800  }
0x140: {  	[sflag:s10] =	ssyncset.done $0x0  }
0x141: {  	s18 =	rddreg [dreg:$0x1e];
	[sflag:s10] =	ssyncadd.s32 $0xFFFFD800  }
0x142: {  	[hbm4b:s18+s2] =	stream.linear.scatter [tilespmem:s9], [sflag:$0x3], $0x2800, $0x38;
	[tilespmem:$0x18A80] =	vst v63  }
0x143: {  	_ =	swait.ge [sflag:s10], $0x2800  }
0x144: {  	[sflag:s10] =	ssyncset.done $0x0  }
0x145: {  	s19 =	rddreg [dreg:$0x18];
	[sflag:s10] =	ssyncadd.s32 $0xFFFFD800  }
0x146: {  	[tilespmem:s9], [sflag:$0x3] =	stream.linear.gather [spmem:s19], $0x2800, $0x38;
	[tilespmem:$0x18A80] =	vst v63  }
0x147: {  	_ =	swait.ge [sflag:s10], $0x2800  }
0x148: {  	[sflag:s10] =	ssyncset.done $0x0  }
0x149: {  	s20 =	rddreg [dreg:$0x1f];
	[sflag:s10] =	ssyncadd.s32 $0xFFFFD800  }
0x14a: {  	[hbm4b:s20+s2] =	stream.linear.scatter [tilespmem:s9], [sflag:$0x3], $0x2800, $0x38;
	[tilespmem:$0x18A80] =	vst v63  }
0x14b: {  	_ =	swait.ge [sflag:s10], $0x2800  }
0x14c: {  	[sflag:s10] =	ssyncset.done $0x0  }
0x14d: {  	s17 =	rddreg [dreg:$0x19];
	[sflag:s10] =	ssyncadd.s32 $0xFFFFD800  }
0x14e: {  	[tilespmem:s9], [sflag:$0x3] =	stream.linear.gather [spmem:s17], $0x2800, $0x38;
	[tilespmem:$0x18A80] =	vst v63  }
0x14f: {  	_ =	swait.ge [sflag:s10], $0x2800  }
0x150: {  	s18 =	sld [smem:$0x7FB]  }
0x151: {  	[sflag:s10] =	ssyncset.done $0x0  }
0x152: {  	[sflag:s10] =	ssyncadd.s32 $0xFFFFD800  }
0x153: {  	[hbm4b:s18+s2] =	stream.linear.scatter [tilespmem:s9], [sflag:$0x3], $0x2800, $0x38;
	[tilespmem:$0x18A80] =	vst v63  }
0x154: {  	_ =	swait.ge [sflag:s10], $0x2800  }
0x155: {  	[sflag:s10] =	ssyncset.done $0x0  }
0x156: {  	s19 =	rddreg [dreg:$0x1a];
	[sflag:s10] =	ssyncadd.s32 $0xFFFFD800  }
0x157: {  	[tilespmem:s9], [sflag:$0x3] =	stream.linear.gather [spmem:s19], $0x2800, $0x38;
	[tilespmem:$0x18A80] =	vst v63  }
0x158: {  	_ =	swait.ge [sflag:s10], $0x2800  }
0x159: {  	s20 =	sld [smem:$0x7FC]  }
0x15a: {  	[sflag:s10] =	ssyncset.done $0x0  }
0x15b: {  	[sflag:s10] =	ssyncadd.s32 $0xFFFFD800  }
0x15c: {  	[hbm4b:s20+s2] =	stream.linear.scatter [tilespmem:s9], [sflag:$0x3], $0x2800, $0x38;
	[tilespmem:$0x18A80] =	vst v63  }
0x15d: {  	_ =	swait.ge [sflag:s10], $0x2800  }
0x15e: {  	[sflag:s10] =	ssyncset.done $0x0  }
0x15f: {  	s17 =	rddreg [dreg:$0x1c];
	[sflag:s10] =	ssyncadd.s32 $0xFFFFD800  }
0x160: {  	[tilespmem:s9], [sflag:$0x3] =	stream.linear.gather [spmem:s17], $0x2800, $0x38;
	[tilespmem:$0x18A80] =	vst v63  }
0x161: {  	_ =	swait.ge [sflag:s10], $0x2800  }
0x162: {  	s18 =	sld [smem:$0x7FD]  }
0x163: {  	[sflag:s10] =	ssyncset.done $0x0  }
0x164: {  	[sflag:s10] =	ssyncadd.s32 $0xFFFFD800  }
0x165: {  	[hbm4b:s18+s2] =	stream.linear.scatter [tilespmem:s9], [sflag:$0x3], $0x2800, $0x38;
	[tilespmem:$0x18A80] =	vst v63  }
0x166: {  	_ =	swait.ge [sflag:s10], $0x2800  }
0x167: {  	[sflag:s10] =	ssyncset.done $0x0  }
0x168: {  	s19 =	rddreg [dreg:$0x14];
	[sflag:s10] =	ssyncadd.s32 $0xFFFFD800  }
0x169: {  	[tilespmem:s9], [sflag:$0x3] =	stream.linear.gather [spmem:s19], $0x2000, $0x38;
	[tilespmem:$0x18A80] =	vst v63  }
0x16a: {  	_ =	swait.ge [sflag:s10], $0x2000  }
0x16b: {  	[sflag:s10] =	ssyncset.done $0x0  }
.Ltmp4:
0x16c: {  	s20 =	rddreg [dreg:$0x15];
	[sflag:s10] =	ssyncadd.s32 $0xFFFFE000;
	(pc) =	sbr.rel .LBB2_6-.Ltmp4, $4  }
0x16d: {  	[hbm4b:s20+s2] =	stream.linear.scatter [tilespmem:s9], [sflag:$0x3], $0x2000, $0x38;
	[tilespmem:$0x18A80] =	vst v63  }
0x16e: {  	_ =	swait.ge [sflag:s10], $0x2000  }
0x16f: {  	[sflag:s10] =	ssyncset.done $0x0  }
0x170: {  	[sflag:s10] =	ssyncadd.s32 $0xFFFFE000  }
.LBB2_7:
0x171: {  	_ =	sfence.sel $0x180000  }
0x172: {  	[bflag:$0x0] =	sbarrier.arrive $0xFFFF  }
0x173: {  	_ =	strace $0x9000004D  }
0x174: {  	s0 =	stileid.u32;
	[bflag:$0x2] =	sbarrier.arrive $0xFFFF  }
0x175: {  	p0 =	sne.s32 s0, $0x0;
	s0 =	rddreg [dreg:$0x2]  }
0x176: {  	s0 =	sadd.s32 @!p0 $0x100000, s0  }
0x177: {  	[sflag:s0] =	ssyncadd.tile.s32 @!p0 $0x1;
	_ =	shalt  }
.Lfunc_end2:
_tile_overlayer_lowered:
.L_overlay_start_2:
0x178: {  	(tag) =	ssettag $0x2  }
0x179: {  	s0 =	rddreg [dreg:$0x0];
	s2 =	stileid.u32  }
0x17a: {  	s1 =	rddreg [dreg:$0x1];
	p0 =	sne.s32 s2, $0x0  }
0x17b: {  	s3 =	rddreg [dreg:$0x2];
	[bflag:$0x3] =	sbarrier.arrive $0xFFFF;
	s2 =	simm.s32 @!p0 $0x1C03  }
0x17c: {  	[timem:s3], [sflag:s2] =	dma.local @!p0 [hbm:s0], s1  }
0x17d: {  	s0 =	simm.s32 @!p0 $0x3  }
0x17e: {  	_ =	swait.ge @!p0 [sflag:s0], s1  }
0x17f: {  	s1 =	ssub.s32 @!p0 $0x0, s1;
	[sflag:s0] =	ssyncset.done @!p0 $0x0  }
0x180: {  	[sflag:s0] =	ssyncadd.s32 @!p0 s1  }
0x181: {  	[bflag:$0x3] =	sbarrier.arrive $0xFFFF  }
0x182: {  	_ =	shalt  }

// kernel: kernel.7.cloned.1.call-start
scs
__scs_entry_jumppad:
0x0: {  	(pc) =	sbr.rel $0x88, $3  }
0x1: {  	(tag) =	ssettag $0x0;
	lr =	simm.s32 $0x1  }
0x2: {  	[smem:$0x3F94] =	sst lr;
	_ =	strace $0xD0000000  }
0x3: {  	_ = 	snop  }
0x4: {  	_ = 	snop  }
0x5: {  	_ = 	snop  }
0x6: {  	_ = 	snop  }
0x7: {  	_ = 	snop  }
__scs_overlays_trampoline_lowered:
0x8: {  	[smem:$0x3FA3] =	sst s0  }
0x9: {  	[smem:$0x3FA4] =	sst s1  }
0xa: {  	[smem:$0x3FA5] =	sst s2  }
0xb: {  	[smem:$0x3FA6] =	sst s3  }
0xc: {  	[smem:$0x3FA7] =	sst s4  }
0xd: {  	[smem:$0x3FA8] =	sst s5  }
0xe: {  	[smem:$0x3FA9] =	sst s6  }
0xf: {  	[smem:$0x3FAA] =	sst s7  }
0x10: {  	[smem:$0x3FAB] =	sst s8  }
0x11: {  	[smem:$0x3FAC] =	sst s9;
	s0 =	simm.s32 @!p0 $0x0  }
0x12: {  	s1 =	sld [smem:$0x3F92];
	s0 =	simm.s32 @p0 $0x1  }
0x13: {  	[smem:$0x3FAD] =	sst s0;
	s0 =	simm.s32 @!p1 $0x0  }
0x14: {  	s2 =	sld [smem:$0x3F91];
	s0 =	simm.s32 @p1 $0x1  }
0x15: {  	[smem:$0x3FAE] =	sst s0;
	s0 =	simm.s32 @!p2 $0x0  }
0x16: {  	s3 =	sld [smem:$0x3FDB];
	s0 =	simm.s32 @p2 $0x1  }
0x17: {  	s4 =	simm.s32 $0x1BF5;
	[smem:$0x3FB0] =	sst s0  }
0x18: {  	s0 =	sld [smem:$0x3F93];
	_ =	swait.ge [sflag:s4], $0x0  }
0x19: {  	s7 =	sld [smem:$0x3F94]  }
0x1a: {  	s8 =	sadd.s32 $0xFFFFE003, lr  }
0x1b: {  	s9 =	sadd.s32 $0xFFFFFEF7, lr;
	s5 =	simm.s32 $0xFFFFFFFF;
	p2 =	slt.u32 s8, $0xFFFFF086  }
0x1c: {  	p1 =	slt.u32 s9, $0xF7A;
	s5 =	simm.s32 @!p2 $0x0  }
0x1d: {  	s5 =	simm.s32 @p1 $0x1;
	p0 =	seq.s32 s7, s2  }
0x1e: {  	s7 =	smul.u32 @!p0 $0xF7A, s2;
	p2 =	seq.s32 @!p0 s5, $0x0  }
0x1f: {  	s9 =	smul.u32 $0xF7A, s1;
	s8 =	simm.s32 @!p0 $0x1BF5;
	p2 =	por !p2, p0  }
0x20: {  	[sflag:s8] =	ssyncset.s32 @!p0 $0xFFFFF086;
	s6 =	sadd.s32 @!p0 s3, s7;
	s7 =	simm.s32 @!p0 $0x108  }
0x21: {  	s3 =	sadd.s32 s3, s9;
	s6 =	sadd.s32 @!p0 $0x88, s6;
	s7 =	simm.s32 @p2 $0x1082  }
0x22: {  	[simem:s7], [sflag:s8] =	dma.local @!p0 [hbm:s6], $0xF7A  }
0x23: {  	s9 =	sor.u32 $0xD0000000, s2;
	s6 =	simm.s32 $0x108;
	_ =	swait.ge @!p0 [sflag:s8], $0x0  }
0x24: {  	s3 =	sadd.s32 $0x88, s3;
	s6 =	simm.s32 @!p1 $0x1082;
	[sflag:s4] =	ssyncset.s32 $0xFFFFF086  }
0x25: {  	[simem:s6], [sflag:s4] =	dma.local [hbm:s3], $0xF7A  }
0x26: {  	[smem:$0x3F94] =	sst s1;
	(tag) =	ssettag s2;
	_ =	strace s9  }
0x27: {  	s1 =	sld [smem:$0x3FA4]  }
0x28: {  	s2 =	sld [smem:$0x3FA5]  }
0x29: {  	s4 =	sld [smem:$0x3FA7]  }
0x2a: {  	p0 =	seq.s32 s5, $0x0;
	s5 =	sld [smem:$0x3FA8]  }
0x2b: {  	s6 =	sld [smem:$0x3FA9]  }
0x2c: {  	s7 =	sld [smem:$0x3FAA]  }
0x2d: {  	s3 =	simm.s32 $0x108;
	s8 =	sld [smem:$0x3FAB]  }
0x2e: {  	s3 =	simm.s32 @!p0 $0x1082;
	s9 =	sld [smem:$0x3FAC]  }
0x2f: {  	lr =	sadd.s32 s0, s3;
	s0 =	sld [smem:$0x3FA3]  }
0x30: {  	s3 =	sld [smem:$0x3FA6]  }
0x31: {  	[smem:$0x3FAF] =	sst s10  }
0x32: {  	s10 =	sld [smem:$0x3FAD];
	_ =	sdelay $0x3  }
0x33: {  	p0 =	seq.s32 s10, $0x1;
	s10 =	sld [smem:$0x3FAF];
	_ =	sdelay $0x3  }
0x34: {  	[smem:$0x3FAF] =	sst s10  }
0x35: {  	s10 =	sld [smem:$0x3FAE];
	_ =	sdelay $0x3  }
0x36: {  	p1 =	seq.s32 s10, $0x1;
	s10 =	sld [smem:$0x3FAF];
	_ =	sdelay $0x3  }
0x37: {  	[smem:$0x3FAF] =	sst s10  }
0x38: {  	s10 =	sld [smem:$0x3FB0]  }
0x39: {  	_ = 	snop;
	(pc) =	sbr.ind lr, $3  }
0x3a: {  	_ = 	snop  }
0x3b: {  	_ = 	snop  }
0x3c: {  	p2 =	seq.s32 s10, $0x1;
	s10 =	sld [smem:$0x3FAF]  }
0x3d: {  	_ =	shalt  }
0x3e: {  	_ =	shalt  }
0x3f: {  	_ =	shalt  }
0x40: {  	_ =	shalt  }
0x41: {  	_ =	shalt  }
0x42: {  	_ =	shalt  }
0x43: {  	_ =	shalt  }
0x44: {  	_ =	shalt  }
0x45: {  	_ =	shalt  }
0x46: {  	_ =	shalt  }
0x47: {  	_ =	shalt  }
0x48: {  	_ =	shalt  }
0x49: {  	_ =	shalt  }
0x4a: {  	_ =	shalt  }
0x4b: {  	_ =	shalt  }
0x4c: {  	_ =	shalt  }
0x4d: {  	_ =	shalt  }
0x4e: {  	_ =	shalt  }
0x4f: {  	_ =	shalt  }
0x50: {  	_ =	shalt  }
0x51: {  	_ =	shalt  }
0x52: {  	_ =	shalt  }
0x53: {  	_ =	shalt  }
0x54: {  	_ =	shalt  }
0x55: {  	_ =	shalt  }
0x56: {  	_ =	shalt  }
0x57: {  	_ =	shalt  }
0x58: {  	_ =	shalt  }
0x59: {  	_ =	shalt  }
0x5a: {  	_ =	shalt  }
0x5b: {  	_ =	shalt  }
0x5c: {  	_ =	shalt  }
0x5d: {  	_ =	shalt  }
0x5e: {  	_ =	shalt  }
0x5f: {  	_ =	shalt  }
0x60: {  	_ =	shalt  }
0x61: {  	_ =	shalt  }
0x62: {  	_ =	shalt  }
0x63: {  	_ =	shalt  }
0x64: {  	_ =	shalt  }
0x65: {  	_ =	shalt  }
0x66: {  	_ =	shalt  }
0x67: {  	_ =	shalt  }
0x68: {  	_ =	shalt  }
0x69: {  	_ =	shalt  }
0x6a: {  	_ =	shalt  }
0x6b: {  	_ =	shalt  }
0x6c: {  	_ =	shalt  }
0x6d: {  	_ =	shalt  }
0x6e: {  	_ =	shalt  }
0x6f: {  	_ =	shalt  }
0x70: {  	_ =	shalt  }
0x71: {  	_ =	shalt  }
0x72: {  	_ =	shalt  }
0x73: {  	_ =	shalt  }
0x74: {  	_ =	shalt  }
0x75: {  	_ =	shalt  }
0x76: {  	_ =	shalt  }
0x77: {  	_ =	shalt  }
0x78: {  	_ =	shalt  }
0x79: {  	_ =	shalt  }
0x7a: {  	_ =	shalt  }
0x7b: {  	_ =	shalt  }
0x7c: {  	_ =	shalt  }
0x7d: {  	_ =	shalt  }
0x7e: {  	_ =	shalt  }
0x7f: {  	_ =	shalt  }
0x80: {  	_ =	shalt  }
0x81: {  	_ =	shalt  }
0x82: {  	_ =	shalt  }
0x83: {  	_ =	shalt  }
0x84: {  	_ =	shalt  }
0x85: {  	_ =	shalt  }
0x86: {  	_ =	shalt  }
0x87: {  	_ =	shalt  }
.Lfunc_end0:
.L_simem_size_0:
called_computation_lowered:
.L_overlay_start_0:
0x88: {  	s2 =	sld [smem:$0x3FD9]  }
0x89: {  	s3 =	sld [smem:$0x3FFE];
	_ =	sdelay $0x1  }
0x8a: {  	s1 =	srdreg.scid  }
0x8b: {  	s0 =	sand.u32 $0x1, s1  }
0x8c: {  	s17 =	sshll.u32 s0, $0xA;
	s2 =	sadd.s32 s3, s2  }
0x8d: {  	s2 =	sadd.s32 s2, s17  }
0x8e: {  	[smem:$0x3FBB] =	sst s2  }
0x8f: {  	_ = 	snop  }
0x90: {  	s2 =	sld [smem:$0x3FC9];
	(tm) =	ssettm $0x1  }
0x91: {  	s18 =	sld [smem:$0x3FFB];
	_ =	sdelay $0x3  }
0x92: {  	_ =	strace s18  }
0x93: {  	s3 =	sld [smem:$0x3FFC];
	_ =	sdelay $0x3  }
0x94: {  	_ =	strace s3  }
0x95: {  	s3 =	sld [smem:$0x3FFD];
	_ =	sdelay $0x3  }
0x96: {  	_ =	strace s3  }
0x97: {  	_ =	strace $0x8FFFFFFF  }
0x98: {  	s19 =	sld [smem:$0x3FDB];
	_ =	sdelay $0x1  }
0x99: {  	s4 =	simm.s32 $_scs_section_size  }
0x9a: {  	s5 =	simm.s32 $_size__tile_overlayer_lowered;
	s6 =	simm.s32 $_tile_overlayer_lowered  }
0x9b: {  	s22 =	simm.s32 $0x1BFF;
	s21 =	sshll.u32 s6, $0x1;
	s3 =	sadd.s32 s4, s19  }
0x9c: {  	s7 =	simm.s32 $0x0;
	s20 =	sshll.u32 s5, $0x1;
	s5 =	sadd.s32 s21, s3  }
0x9d: {  	[timem:s7], [sflag:s22] =	dma.local [hbm:s5], s20  }
0x9e: {  	_ =	swait.ge [sflag:s22], s20  }
0x9f: {  	s4 =	ssub.s32 $0x0, s20;
	[sflag:s22] =	ssyncset.done $0x0  }
0xa0: {  	[sflag:s22] =	ssyncadd.s32 s4;
	_ =	sdelay $0x1  }
0xa1: {  	s23 =	simm.s32 $0x1B8B  }
0xa2: {  	_ =	swait.ge [sflag:s23], $0x1  }
0xa3: {  	[sflag:s23] =	ssyncset.done $0x0  }
0xa4: {  	s25 =	simm.s32 $0x1B8E;
	s24 =	sld [smem:$0x3FFE];
	[sflag:s23] =	ssyncadd.s32 $0xFFFFFFFF  }
0xa5: {  	s26 =	simm.s32 $execute0_lowered;
	[smem:$0x3FD2] =	sst s25  }
0xa6: {  	s5 =	sshll.u32 s26, $0x1;
	_ =	strace $0x80000046;
	[dreg:$0x1] =	wrdreg $0xFFFFFFFF  }
0xa7: {  	s28 =	simm.s32 $_size_execute0_lowered;
	s3 =	sadd.s32 s3, s5;
	[dreg:$0x0] =	wrdreg $0x0  }
0xa8: {  	s5 =	sshll.u32 s28, $0x1;
	[dreg:$0x2] =	wrdreg s3  }
0xa9: {  	[dreg:$0x3] =	wrdreg s5  }
0xaa: {  	[dreg:$0x4] =	wrdreg $0xC0  }
0xab: {  	_ =	task [dreg:s7], $0x5FFFF  }
0xac: {  	[dreg:$0x1] =	wrdreg $0xFFFFFFFF  }
0xad: {  	[dreg:$0x0] =	wrdreg $0x60  }
0xae: {  	[dreg:$0x2] =	wrdreg s2  }
0xaf: {  	[dreg:$0x3] =	wrdreg s24  }
0xb0: {  	[dreg:$0x4] =	wrdreg $0x52000  }
0xb1: {  	[dreg:$0x5] =	wrdreg $0x9  }
0xb2: {  	_ =	task.clear_ibuf [dreg:s7], $0x6FFFF;
	_ =	strace $0x90000046  }
0xb3: {  	s29 =	simm.s32 $0x9;
	_ =	strace $0x80000048  }
0xb4: {  	_ =	swait.ge [sflag:s29], $0x1  }
0xb5: {  	[sflag:s29] =	ssyncadd.s32 $0xFFFFFFFF  }
0xb6: {  	_ =	strace $0x90000048  }
0xb7: {  	_ =	sfence  }
0xb8: {  	s30 =	sld [smem:$0x0];
	_ =	sdelay $0x2  }
0xb9: {  	s31 =	sshll.u32 s1, $0xD;
	s1 =	sshrl.u32 s1, $0x2  }
0xba: {  	s3 =	sand.u32 $0x4000, s31;
	s1 =	sadd.s32 s1, s30  }
0xbb: {  	s0 =	sor.u32 s3, s0;
	s1 =	sshll.u32 s1, $0x11  }
0xbc: {  	s0 =	sor.u32 s1, s0  }
0xbd: {  	s0 =	sadd.s32 $0x8F2B, s0  }
0xbe: {  	[sflag:s0] =	ssyncadd.remote.s32 $0x1  }
0xbf: {  	_ =	sfence.sel $0xFFFF  }
0xc0: {  	[dreg:$0x0] =	wrdreg $0xFFFFFFFF;
	(pc) =	sbr.abs _section_cstart, $3  }
0xc1: {  	[dreg:$0x1] =	wrdreg $0xFFFFFFFF  }
0xc2: {  	_ =	task.clear_ibuf [dreg:s7], $0x2FFFF;
	_ =	strace $0x9FFFFFFF  }
0xc3: {  	(tm) =	ssettm $0x7FFFFFFF  }
tec
execute0_lowered:
.L_overlay_start_1:
0x0: {  	(tag) =	ssettag $0x1  }
0x1: {  	s1 =	rddreg [dreg:$0x0]  }
0x2: {  	s0 =	rddreg [dreg:$0x1]  }
0x3: {  	s2 =	rddreg [dreg:$0x2]  }
0x4: {  	s3 =	srdreg.scid;
	s4 =	simm.s32 $0x0;
	s13 =	stileid.u32  }
0x5: {  	s3 =	sand.u32 $0x1, s3;
	[smem:$0x7FF] =	sst s4;
	s10 =	smul.u32 $0x4E000, s13  }
0x6: {  	s5 =	sadd.s32 $0xC400, s0;
	s9 =	sadd.s32 $0x16200, s0;
	s11 =	smul.u32 $0x270, s13  }
0x7: {  	s6 =	sshll.u32 s3, $0x4;
	_ =	strace $0x80000047;
	s23 =	smul.u32 $0x2710, s3  }
0x8: {  	s8 =	ssub.s32 $0x2, s3;
	[dreg:$0x4] =	wrdreg s9;
	s3 =	smul.u32 $0x27100, s3  }
0x9: {  	s7 =	sor.u32 s13, s6;
	s6 =	sadd.s32 $0x2600, s0;
	s21 =	sshrl.u32 s8, $0x1  }
0xa: {  	s0 =	sadd.s32 $0x16800, s0;
	s22 =	sshrl.u32 s10, $0x2;
	s9 =	ssub.s32 s8, s21  }
0xb: {  	s7 =	smul.u32 $0x2710, s7;
	s8 =	sadd.s32 s22, s2;
	s9 =	smax.u32 s9, $0x1  }
0xc: {  	s10 =	sadd.s32 s23, s11;
	s23 =	sadd.s32 $0x11800, s8;
	[dreg:$0xa] =	wrdreg s9  }
0xd: {  	s10 =	sshll.u32 s10, $0x4;
	[dreg:$0x15] =	wrdreg s23;
	s9 =	sadd.s32 $0x7800, s8  }
0xe: {  	s7 =	sshrl.u32 s7, $0x3;
	s10 =	sadd.s32 s0, s10;
	[dreg:$0x19] =	wrdreg s9  }
0xf: {  	s12 =	sadd.s32 s5, s7;
	[dreg:$0x9] =	wrdreg s10  }
0x10: {  	s0 =	sadd.s32 s0, s3;
	s14 =	sadd.s32 s6, s7;
	[dreg:$0x5] =	wrdreg s12  }
0x11: {  	s15 =	sadd.s32 $0x24E00, s0;
	[dreg:$0x6] =	wrdreg s14  }
0x12: {  	s16 =	sadd.s32 $0x25300, s0;
	[dreg:$0xe] =	wrdreg s15  }
0x13: {  	s17 =	sadd.s32 $0x25800, s0;
	[dreg:$0xf] =	wrdreg s16  }
0x14: {  	s18 =	sadd.s32 $0x25D00, s0;
	[dreg:$0x10] =	wrdreg s17  }
0x15: {  	s19 =	sadd.s32 $0x26200, s0;
	[dreg:$0x11] =	wrdreg s18  }
0x16: {  	s24 =	sadd.s32 $0xA, s7;
	s21 =	sadd.s32 $0x26700, s0;
	[dreg:$0x12] =	wrdreg s19  }
0x17: {  	s29 =	simm.s32 $0x1;
	s25 =	sadd.s32 s5, s24;
	[dreg:$0x13] =	wrdreg s21  }
0x18: {  	s7 =	sadd.s32 $0x4D8, s7;
	s26 =	sadd.s32 s6, s24;
	[dreg:$0x7] =	wrdreg s25  }
0x19: {  	s31 =	simm.s32 $0x2;
	s11 =	sadd.s32 s5, s7;
	[dreg:$0x8] =	wrdreg s26  }
0x1a: {  	p0 =	seq.s32 s13, $0xF;
	s7 =	sadd.s32 s6, s7;
	[dreg:$0xb] =	wrdreg s11  }
0x1b: {  	s30 =	sadd.s32 $0x131000, s2;
	s14 =	sadd.s32 $0x24900, s0;
	[dreg:$0xc] =	wrdreg s7  }
0x1c: {  	s23 =	sadd.s32 $0x12C000, s2;
	s0 =	sadd.s32 $0x26C00, s0;
	[dreg:$0xd] =	wrdreg s14  }
0x1d: {  	s9 =	simm.s32 $0x200;
	s24 =	sadd.s32 $0x2300, s10;
	[dreg:$0x14] =	wrdreg s0  }
0x1e: {  	s12 =	smul.u32 $0x2710, s13;
	s13 =	sadd.s32 $0x124800, s2;
	[dreg:$0x16] =	wrdreg s24  }
0x1f: {  	s21 =	sadd.s32 $0x127000, s2;
	s15 =	sadd.s32 $0x500, s10;
	[dreg:$0x1c] =	wrdreg s13  }
0x20: {  	s16 =	sadd.s32 $0xA00, s10;
	s17 =	sadd.s32 $0xF00, s10;
	[dreg:$0x1e] =	wrdreg s15  }
0x21: {  	s18 =	sadd.s32 $0x1400, s10;
	s19 =	sadd.s32 $0x1900, s10;
	[dreg:$0x1f] =	wrdreg s16  }
0x22: {  	s7 =	sadd.s32 $0x5000, s8;
	s11 =	sadd.s32 $0xA000, s8;
	[smem:$0x7FA] =	sst s17  }
0x23: {  	s14 =	sadd.s32 $0xF000, s8;
	s24 =	sadd.s32 $0x12E800, s2;
	[smem:$0x7FB] =	sst s18  }
0x24: {  	s13 =	sadd.s32 $0x133800, s2;
	[smem:$0x7FC] =	sst s19;
	s15 =	simm.s32 $0x180  }
0x25: {  	s16 =	simm.s32 $0x2A00;
	s0 =	simm.s32 $0x0;
	[dreg:$0x18] =	wrdreg s7  }
0x26: {  	s3 =	sadd.s32 s12, s3;
	[dreg:$0x1a] =	wrdreg s11;
	s12 =	sadd.s32 $0xC800, s8  }
0x27: {  	[dreg:$0x1d] =	wrdreg s14;
	s7 =	sadd.s32 $0x136000, s2;
	s11 =	simm.s32 $0x100  }
.Ltmp0:
0x28: {  	s14 =	simm.s32 $0x80;
	s20 =	sadd.s32 $0xF0, s3;
	(pc) =	sbr.rel .LBB2_1-.Ltmp0, $4  }
0x29: {  	s28 =	sadd.s32 $0xA0, s3;
	s3 =	sadd.s32 $0x2800, s8;
	[dreg:$0x1b] =	wrdreg s12  }
0x2a: {  	s12 =	simm.s32 $0x50;
	s22 =	sshrl.u32 s20, $0x3;
	[dreg:$0x17] =	wrdreg s3  }
0x2b: {  	s20 =	sadd.s32 $0x1E00, s10;
	s10 =	simm.s32 $0x3;
	s25 =	sadd.s32 s22, s6  }
0x2c: {  	s26 =	sadd.s32 s22, s5;
	s22 =	sadd.s32 $0x129800, s2;
	[smem:$0x7FD] =	sst s20  }
.LBB2_5:
0x2d: {  	s3 =	rddreg [dreg:$0x1c]  }
0x2e: {  	[tilespmem:s9], [sflag:$0x3] =	stream.linear.gather [spmem:s3], $0x2800, $0x38;
	[tilespmem:$0x18A80] =	vst v63  }
0x2f: {  	_ =	swait.ge [sflag:s10], $0x2800  }
0x30: {  	[sflag:s10] =	ssyncset.done $0x0  }
0x31: {  	s17 =	rddreg [dreg:$0xd];
	[sflag:s10] =	ssyncadd.s32 $0xFFFFD800  }
0x32: {  	[hbm4b:s17+s4] =	stream.linear.scatter [tilespmem:s9], [sflag:$0x3], $0x2800, $0x38;
	[tilespmem:$0x18A80] =	vst v63  }
0x33: {  	_ =	swait.ge [sflag:s10], $0x2800  }
0x34: {  	[sflag:s10] =	ssyncset.done $0x0  }
0x35: {  	[sflag:s10] =	ssyncadd.s32 $0xFFFFD800  }
0x36: {  	[tilespmem:s9], [sflag:$0x3] =	stream.linear.gather [spmem:s21], $0x2800, $0x38;
	[tilespmem:$0x18A80] =	vst v63  }
0x37: {  	_ =	swait.ge [sflag:s10], $0x2800  }
0x38: {  	[sflag:s10] =	ssyncset.done $0x0  }
0x39: {  	s18 =	rddreg [dreg:$0xe];
	[sflag:s10] =	ssyncadd.s32 $0xFFFFD800  }
0x3a: {  	[hbm4b:s18+s4] =	stream.linear.scatter [tilespmem:s9], [sflag:$0x3], $0x2800, $0x38;
	[tilespmem:$0x18A80] =	vst v63  }
0x3b: {  	_ =	swait.ge [sflag:s10], $0x2800  }
0x3c: {  	[sflag:s10] =	ssyncset.done $0x0  }
0x3d: {  	[sflag:s10] =	ssyncadd.s32 $0xFFFFD800  }
0x3e: {  	[tilespmem:s9], [sflag:$0x3] =	stream.linear.gather [spmem:s22], $0x2800, $0x38;
	[tilespmem:$0x18A80] =	vst v63  }
0x3f: {  	_ =	swait.ge [sflag:s10], $0x2800  }
0x40: {  	[sflag:s10] =	ssyncset.done $0x0  }
0x41: {  	s19 =	rddreg [dreg:$0xf];
	[sflag:s10] =	ssyncadd.s32 $0xFFFFD800  }
0x42: {  	[hbm4b:s19+s4] =	stream.linear.scatter [tilespmem:s9], [sflag:$0x3], $0x2800, $0x38;
	[tilespmem:$0x18A80] =	vst v63  }
0x43: {  	_ =	swait.ge [sflag:s10], $0x2800  }
0x44: {  	[sflag:s10] =	ssyncset.done $0x0  }
0x45: {  	[sflag:s10] =	ssyncadd.s32 $0xFFFFD800  }
0x46: {  	[tilespmem:s9], [sflag:$0x3] =	stream.linear.gather [spmem:s23], $0x2800, $0x38;
	[tilespmem:$0x18A80] =	vst v63  }
0x47: {  	_ =	swait.ge [sflag:s10], $0x2800  }
0x48: {  	[sflag:s10] =	ssyncset.done $0x0  }
0x49: {  	s20 =	rddreg [dreg:$0x10];
	[sflag:s10] =	ssyncadd.s32 $0xFFFFD800  }
0x4a: {  	[hbm4b:s20+s4] =	stream.linear.scatter [tilespmem:s9], [sflag:$0x3], $0x2800, $0x38;
	[tilespmem:$0x18A80] =	vst v63  }
0x4b: {  	_ =	swait.ge [sflag:s10], $0x2800  }
0x4c: {  	[sflag:s10] =	ssyncset.done $0x0  }
0x4d: {  	[sflag:s10] =	ssyncadd.s32 $0xFFFFD800  }
0x4e: {  	[tilespmem:s9], [sflag:$0x3] =	stream.linear.gather [spmem:s24], $0x2800, $0x38;
	[tilespmem:$0x18A80] =	vst v63  }
0x4f: {  	_ =	swait.ge [sflag:s10], $0x2800  }
0x50: {  	[sflag:s10] =	ssyncset.done $0x0  }
0x51: {  	s17 =	rddreg [dreg:$0x11];
	[sflag:s10] =	ssyncadd.s32 $0xFFFFD800  }
0x52: {  	[hbm4b:s17+s4] =	stream.linear.scatter [tilespmem:s9], [sflag:$0x3], $0x2800, $0x38;
	[tilespmem:$0x18A80] =	vst v63  }
0x53: {  	_ =	swait.ge [sflag:s10], $0x2800  }
0x54: {  	[sflag:s10] =	ssyncset.done $0x0  }
0x55: {  	[sflag:s10] =	ssyncadd.s32 $0xFFFFD800  }
0x56: {  	[tilespmem:s9], [sflag:$0x3] =	stream.linear.gather [spmem:s30], $0x2800, $0x38;
	[tilespmem:$0x18A80] =	vst v63  }
0x57: {  	_ =	swait.ge [sflag:s10], $0x2800  }
0x58: {  	[sflag:s10] =	ssyncset.done $0x0  }
0x59: {  	s18 =	rddreg [dreg:$0x12];
	[sflag:s10] =	ssyncadd.s32 $0xFFFFD800  }
0x5a: {  	[hbm4b:s18+s4] =	stream.linear.scatter [tilespmem:s9], [sflag:$0x3], $0x2800, $0x38;
	[tilespmem:$0x18A80] =	vst v63  }
0x5b: {  	_ =	swait.ge [sflag:s10], $0x2800  }
0x5c: {  	[sflag:s10] =	ssyncset.done $0x0  }
0x5d: {  	[sflag:s10] =	ssyncadd.s32 $0xFFFFD800  }
0x5e: {  	[tilespmem:s9], [sflag:$0x3] =	stream.linear.gather [spmem:s13], $0x2800, $0x38;
	[tilespmem:$0x18A80] =	vst v63  }
0x5f: {  	_ =	swait.ge [sflag:s10], $0x2800  }
0x60: {  	[sflag:s10] =	ssyncset.done $0x0  }
0x61: {  	s19 =	rddreg [dreg:$0x13];
	[sflag:s10] =	ssyncadd.s32 $0xFFFFD800  }
0x62: {  	[hbm4b:s19+s4] =	stream.linear.scatter [tilespmem:s9], [sflag:$0x3], $0x2800, $0x38;
	[tilespmem:$0x18A80] =	vst v63  }
0x63: {  	_ =	swait.ge [sflag:s10], $0x2800  }
0x64: {  	[sflag:s10] =	ssyncset.done $0x0  }
0x65: {  	[sflag:s10] =	ssyncadd.s32 $0xFFFFD800  }
0x66: {  	[tilespmem:s9], [sflag:$0x3] =	stream.linear.gather [spmem:s7], $0x2800, $0x38;
	[tilespmem:$0x18A80] =	vst v63  }
0x67: {  	_ =	swait.ge [sflag:s10], $0x2800  }
0x68: {  	[sflag:s10] =	ssyncset.done $0x0  }
0x69: {  	s20 =	rddreg [dreg:$0x14];
	[sflag:s10] =	ssyncadd.s32 $0xFFFFD800  }
0x6a: {  	[hbm4b:s20+s4] =	stream.linear.scatter [tilespmem:s9], [sflag:$0x3], $0x2800, $0x38;
	[tilespmem:$0x18A80] =	vst v63  }
0x6b: {  	_ =	swait.ge [sflag:s10], $0x2800  }
0x6c: {  	[sflag:s10] =	ssyncset.done $0x0  }
0x6d: {  	[sflag:s10] =	ssyncadd.s32 $0xFFFFD800  }
.LBB2_6:
0x6e: {  	s0 =	sadd.s32 $0x1, s0;
	s3 =	rddreg [dreg:$0xa]  }
0x6f: {  	p1 =	sne.s32 s0, s3  }
.Ltmp1:
0x70: {  	_ = 	snop;
	(pc) =	sbr.rel @!p1 .LBB2_7-.Ltmp1, $1  }
0x71: {  	_ =	sdelay $0x3  }
.LBB2_1:
0x72: {  	s3 =	rddreg [dreg:$0x4]  }
0x73: {  	[tilespmem:s9], [sflag:$0x3] =	stream.linear.gather [hbm4b:s3+s4], $0x2800, $0x38;
	[tilespmem:$0x18A80] =	vst v63  }
0x74: {  	_ =	swait.ge [sflag:s10], $0x2800  }
0x75: {  	[sflag:s10] =	ssyncset.done $0x0  }
0x76: {  	s3 =	simm.s32 @p0 $0x200;
	s17 =	rddreg [dreg:$0x1c];
	[sflag:s10] =	ssyncadd.s32 $0xFFFFD800  }
0x77: {  	[spmem:s17] =	stream.linear.scatter @p0 [tilespmem:s3], [sflag:$0x3], $0x2800, $0x38;
	[tilespmem:$0x18A80] =	vst v63  }
0x78: {  	s17 =	simm.s32 @p0 $0x3  }
0x79: {  	_ =	swait.ge @p0 [sflag:s17], $0x2800  }
0x7a: {  	[sflag:s17] =	ssyncset.done @p0 $0x0  }
0x7b: {  	[sflag:s17] =	ssyncadd.s32 @p0 $0xFFFFD800  }
0x7c: {  	[spmem:s21] =	stream.linear.scatter @p0 [tilespmem:s3], [sflag:$0x3], $0x2800, $0x38;
	[tilespmem:$0x18A80] =	vst v63  }
0x7d: {  	_ =	swait.ge @p0 [sflag:s17], $0x2800  }
0x7e: {  	[sflag:s17] =	ssyncset.done @p0 $0x0  }
0x7f: {  	[sflag:s17] =	ssyncadd.s32 @p0 $0xFFFFD800  }
0x80: {  	[spmem:s22] =	stream.linear.scatter @p0 [tilespmem:s3], [sflag:$0x3], $0x2800, $0x38;
	[tilespmem:$0x18A80] =	vst v63  }
0x81: {  	_ =	swait.ge @p0 [sflag:s17], $0x2800  }
0x82: {  	[sflag:s17] =	ssyncset.done @p0 $0x0  }
0x83: {  	[sflag:s17] =	ssyncadd.s32 @p0 $0xFFFFD800  }
0x84: {  	[spmem:s23] =	stream.linear.scatter @p0 [tilespmem:s3], [sflag:$0x3], $0x2800, $0x38;
	[tilespmem:$0x18A80] =	vst v63  }
0x85: {  	_ =	swait.ge @p0 [sflag:s17], $0x2800  }
0x86: {  	[sflag:s17] =	ssyncset.done @p0 $0x0  }
0x87: {  	[sflag:s17] =	ssyncadd.s32 @p0 $0xFFFFD800  }
0x88: {  	[spmem:s24] =	stream.linear.scatter @p0 [tilespmem:s3], [sflag:$0x3], $0x2800, $0x38;
	[tilespmem:$0x18A80] =	vst v63  }
0x89: {  	_ =	swait.ge @p0 [sflag:s17], $0x2800  }
0x8a: {  	[sflag:s17] =	ssyncset.done @p0 $0x0  }
0x8b: {  	[sflag:s17] =	ssyncadd.s32 @p0 $0xFFFFD800  }
0x8c: {  	[spmem:s30] =	stream.linear.scatter @p0 [tilespmem:s3], [sflag:$0x3], $0x2800, $0x38;
	[tilespmem:$0x18A80] =	vst v63  }
0x8d: {  	_ =	swait.ge @p0 [sflag:s17], $0x2800  }
0x8e: {  	[sflag:s17] =	ssyncset.done @p0 $0x0  }
0x8f: {  	[sflag:s17] =	ssyncadd.s32 @p0 $0xFFFFD800  }
0x90: {  	[spmem:s13] =	stream.linear.scatter @p0 [tilespmem:s3], [sflag:$0x3], $0x2800, $0x38;
	[tilespmem:$0x18A80] =	vst v63  }
0x91: {  	_ =	swait.ge @p0 [sflag:s17], $0x2800  }
0x92: {  	[sflag:s17] =	ssyncset.done @p0 $0x0  }
0x93: {  	[sflag:s17] =	ssyncadd.s32 @p0 $0xFFFFD800  }
0x94: {  	[spmem:s7] =	stream.linear.scatter @p0 [tilespmem:s3], [sflag:$0x3], $0x2800, $0x38;
	[tilespmem:$0x18A80] =	vst v63  }
0x95: {  	_ =	swait.ge @p0 [sflag:s17], $0x2800  }
0x96: {  	[sflag:s17] =	ssyncset.done @p0 $0x0  }
0x97: {  	s3 =	simm.s32 @!p0 $0x200;
	[sflag:s17] =	ssyncadd.s32 @p0 $0xFFFFD800;
	s17 =	simm.s32 @!p0 $0x3  }
0x98: {  	[spmem:s8] =	stream.linear.scatter @!p0 [tilespmem:s3], [sflag:$0x3], $0x2800, $0x38;
	[tilespmem:$0x18A80] =	vst v63  }
0x99: {  	_ =	swait.ge @!p0 [sflag:s17], $0x2800  }
0x9a: {  	[sflag:s17] =	ssyncset.done @!p0 $0x0  }
0x9b: {  	s18 =	rddreg [dreg:$0x17];
	[sflag:s17] =	ssyncadd.s32 @!p0 $0xFFFFD800  }
0x9c: {  	[spmem:s18] =	stream.linear.scatter @!p0 [tilespmem:s3], [sflag:$0x3], $0x2800, $0x38;
	[tilespmem:$0x18A80] =	vst v63  }
0x9d: {  	_ =	swait.ge @!p0 [sflag:s17], $0x2800  }
0x9e: {  	[sflag:s17] =	ssyncset.done @!p0 $0x0  }
0x9f: {  	s18 =	rddreg [dreg:$0x18];
	[sflag:s17] =	ssyncadd.s32 @!p0 $0xFFFFD800  }
0xa0: {  	[spmem:s18] =	stream.linear.scatter @!p0 [tilespmem:s3], [sflag:$0x3], $0x2800, $0x38;
	[tilespmem:$0x18A80] =	vst v63  }
0xa1: {  	_ =	swait.ge @!p0 [sflag:s17], $0x2800  }
0xa2: {  	[sflag:s17] =	ssyncset.done @!p0 $0x0  }
0xa3: {  	s18 =	rddreg [dreg:$0x19];
	[sflag:s17] =	ssyncadd.s32 @!p0 $0xFFFFD800  }
0xa4: {  	[spmem:s18] =	stream.linear.scatter @!p0 [tilespmem:s3], [sflag:$0x3], $0x2800, $0x38;
	[tilespmem:$0x18A80] =	vst v63  }
0xa5: {  	_ =	swait.ge @!p0 [sflag:s17], $0x2800  }
0xa6: {  	[sflag:s17] =	ssyncset.done @!p0 $0x0  }
0xa7: {  	s18 =	rddreg [dreg:$0x1a];
	[sflag:s17] =	ssyncadd.s32 @!p0 $0xFFFFD800  }
0xa8: {  	[spmem:s18] =	stream.linear.scatter @!p0 [tilespmem:s3], [sflag:$0x3], $0x2800, $0x38;
	[tilespmem:$0x18A80] =	vst v63  }
0xa9: {  	_ =	swait.ge @!p0 [sflag:s17], $0x2800  }
0xaa: {  	[sflag:s17] =	ssyncset.done @!p0 $0x0  }
0xab: {  	s18 =	rddreg [dreg:$0x1b];
	[sflag:s17] =	ssyncadd.s32 @!p0 $0xFFFFD800  }
0xac: {  	[spmem:s18] =	stream.linear.scatter @!p0 [tilespmem:s3], [sflag:$0x3], $0x2800, $0x38;
	[tilespmem:$0x18A80] =	vst v63  }
0xad: {  	_ =	swait.ge @!p0 [sflag:s17], $0x2800  }
0xae: {  	[sflag:s17] =	ssyncset.done @!p0 $0x0  }
0xaf: {  	s18 =	rddreg [dreg:$0x1d];
	[sflag:s17] =	ssyncadd.s32 @!p0 $0xFFFFD800  }
0xb0: {  	[spmem:s18] =	stream.linear.scatter @!p0 [tilespmem:s3], [sflag:$0x3], $0x2800, $0x38;
	[tilespmem:$0x18A80] =	vst v63  }
0xb1: {  	_ =	swait.ge @!p0 [sflag:s17], $0x2800  }
0xb2: {  	[sflag:s17] =	ssyncset.done @!p0 $0x0  }
0xb3: {  	s18 =	rddreg [dreg:$0x15];
	[sflag:s17] =	ssyncadd.s32 @!p0 $0xFFFFD800  }
0xb4: {  	[spmem:s18] =	stream.linear.scatter @!p0 [tilespmem:s3], [sflag:$0x3], $0x2000, $0x38;
	[tilespmem:$0x18A80] =	vst v63  }
0xb5: {  	_ =	swait.ge @!p0 [sflag:s17], $0x2000  }
0xb6: {  	[sflag:s17] =	ssyncset.done @!p0 $0x0  }
0xb7: {  	[sflag:s17] =	ssyncadd.s32 @!p0 $0xFFFFE000  }
0xb8: {  	[bflag:$0x0] =	sbarrier.arrive $0xFFFF  }
0xb9: {  	s20 =	rddreg [dreg:$0x5]  }
0xba: {  	[tilespmem:s4], [sflag:$0x3] =	stream.linear.gather [hbm4b:s20+s4], $0x50, $0x38;
	[tilespmem:$0x18A80] =	vst v63  }
0xbb: {  	_ =	swait.ge [sflag:s10], $0x50  }
0xbc: {  	[sflag:s10] =	ssyncset.done $0x0  }
0xbd: {  	s17 =	rddreg [dreg:$0x6];
	[sflag:s10] =	ssyncadd.s32 $0xFFFFFFB0  }
0xbe: {  	[tilespmem:s11], [sflag:$0x3] =	stream.linear.gather [hbm4b:s17+s4], $0x50, $0x38;
	[tilespmem:$0x18A80] =	vst v63  }
0xbf: {  	_ =	swait.ge [sflag:s10], $0x50  }
0xc0: {  	[sflag:s10] =	ssyncset.done $0x0  }
0xc1: {  	[sflag:s10] =	ssyncadd.s32 $0xFFFFFFB0  }
0xc2: {  	[tilespmem:s9], [sflag:$0x1] =	stream.indirect.gather [hbm4b:s1+s12], $0x80, s4, s12, $0xb8;
	[tilespmem:$0x18A80] =	vst v63  }
0xc3: {  	s18 =	rddreg [dreg:$0x7]  }
0xc4: {  	[tilespmem:s14], [sflag:$0x3] =	stream.linear.gather [hbm4b:s18+s4], $0x50, $0x38;
	[tilespmem:$0x18A80] =	vst v63  }
0xc5: {  	_ =	swait.ge [sflag:s10], $0x50  }
0xc6: {  	[sflag:s10] =	ssyncset.done $0x0  }
0xc7: {  	s19 =	rddreg [dreg:$0x8];
	[sflag:s10] =	ssyncadd.s32 $0xFFFFFFB0  }
0xc8: {  	[tilespmem:s15], [sflag:$0x3] =	stream.linear.gather [hbm4b:s19+s4], $0x50, $0x38;
	[tilespmem:$0x18A80] =	vst v63  }
0xc9: {  	_ =	swait.ge [sflag:s10], $0x50  }
0xca: {  	[sflag:s10] =	ssyncset.done $0x0  }
0xcb: {  	[sflag:s10] =	ssyncadd.s32 $0xFFFFFFB0  }
0xcc: {  	[tilespmem:s16], [sflag:$0x2] =	stream.indirect.gather [hbm4b:s1+s12], $0x80, s14, s12, $0xb8;
	[tilespmem:$0x18A80] =	vst v63  }
0xcd: {  	_ =	swait.ge [sflag:s29], $0x2800  }
0xce: {  	[sflag:s29] =	ssyncset.done $0x0  }
0xcf: {  	[sflag:s29] =	ssyncadd.s32 $0xFFFFD800  }
0xd0: {  	[spmem:s2] =	stream.indirect.scatter.add.f32 [tilespmem:s9], [sflag:$0x3], $0x80, s11, s12, $0xb8;
	[tilespmem:$0x18A80] =	vst v63  }
0xd1: {  	_ =	swait.ge [sflag:s10], $0x2800  }
0xd2: {  	[sflag:s10] =	ssyncset.done $0x0  }
0xd3: {  	[sflag:s10] =	ssyncadd.s32 $0xFFFFD800  }
0xd4: {  	_ =	swait.ge [sflag:s31], $0x2800  }
0xd5: {  	[sflag:s31] =	ssyncset.done $0x0  }
0xd6: {  	[sflag:s31] =	ssyncadd.s32 $0xFFFFD800  }
0xd7: {  	[spmem:s2] =	stream.indirect.scatter.add.f32 [tilespmem:s16], [sflag:$0x3], $0x80, s15, s12, $0xb8;
	[tilespmem:$0x18A80] =	vst v63  }
0xd8: {  	_ =	swait.ge [sflag:s10], $0x2800  }
0xd9: {  	s20 =	sshrl.u32 s28, $0x3;
	[sflag:s10] =	ssyncset.done $0x0  }
0xda: {  	s18 =	sadd.s32 s5, s20;
	[sflag:s10] =	ssyncadd.s32 $0xFFFFD800  }
0xdb: {  	[tilespmem:s4], [sflag:$0x3] =	stream.linear.gather [hbm4b:s18+s4], $0x50, $0x38;
	[tilespmem:$0x18A80] =	vst v63  }
0xdc: {  	_ =	swait.ge [sflag:s10], $0x50  }
0xdd: {  	[sflag:s10] =	ssyncset.done $0x0  }
0xde: {  	s3 =	sadd.s32 s6, s20;
	[sflag:s10] =	ssyncadd.s32 $0xFFFFFFB0  }
0xdf: {  	[tilespmem:s11], [sflag:$0x3] =	stream.linear.gather [hbm4b:s3+s4], $0x50, $0x38;
	[tilespmem:$0x18A80] =	vst v63  }
0xe0: {  	_ =	swait.ge [sflag:s10], $0x50  }
0xe1: {  	[sflag:s10] =	ssyncset.done $0x0  }
0xe2: {  	[sflag:s10] =	ssyncadd.s32 $0xFFFFFFB0  }
0xe3: {  	[tilespmem:s9], [sflag:$0x1] =	stream.indirect.gather [hbm4b:s1+s12], $0x80, s4, s12, $0xb8;
	[tilespmem:$0x18A80] =	vst v63  }
0xe4: {  	s19 =	sadd.s32 $0x0, s26  }
0xe5: {  	[tilespmem:s14], [sflag:$0x3] =	stream.linear.gather [hbm4b:s19+s4], $0x50, $0x38;
	[tilespmem:$0x18A80] =	vst v63  }
0xe6: {  	_ =	swait.ge [sflag:s10], $0x50  }
0xe7: {  	[sflag:s10] =	ssyncset.done $0x0  }
0xe8: {  	s20 =	sadd.s32 $0x0, s25;
	[sflag:s10] =	ssyncadd.s32 $0xFFFFFFB0  }
0xe9: {  	[tilespmem:s15], [sflag:$0x3] =	stream.linear.gather [hbm4b:s20+s4], $0x50, $0x38;
	[tilespmem:$0x18A80] =	vst v63  }
0xea: {  	_ =	swait.ge [sflag:s10], $0x50  }
0xeb: {  	[sflag:s10] =	ssyncset.done $0x0  }
0xec: {  	s17 =	sadd.s32 $0xA0, s28;
	s3 =	simm.s32 $0x14;
	[sflag:s10] =	ssyncadd.s32 $0xFFFFFFB0  }
.LBB2_2:
0xed: {  	[tilespmem:s16], [sflag:$0x2] =	stream.indirect.gather [hbm4b:s1+s12], $0x80, s14, s12, $0xb8;
	[tilespmem:$0x18A80] =	vst v63  }
0xee: {  	s18 =	smov.u32 s3  }
0xef: {  	p1 =	sne.s32 s3, $0x4B0;
	s3 =	sadd.s32 $0x14, s3;
	_ =	swait.ge [sflag:s29], $0x2800  }
0xf0: {  	[sflag:s29] =	ssyncset.done $0x0  }
0xf1: {  	[sflag:s29] =	ssyncadd.s32 $0xFFFFD800  }
0xf2: {  	[spmem:s2] =	stream.indirect.scatter.add.f32 [tilespmem:s9], [sflag:$0x3], $0x80, s11, s12, $0xb8;
	[tilespmem:$0x18A80] =	vst v63  }
0xf3: {  	_ =	swait.ge [sflag:s10], $0x2800  }
0xf4: {  	[sflag:s10] =	ssyncset.done $0x0  }
0xf5: {  	[sflag:s10] =	ssyncadd.s32 $0xFFFFD800  }
0xf6: {  	_ =	swait.ge [sflag:s31], $0x2800  }
0xf7: {  	[sflag:s31] =	ssyncset.done $0x0  }
0xf8: {  	[sflag:s31] =	ssyncadd.s32 $0xFFFFD800  }
0xf9: {  	[spmem:s2] =	stream.indirect.scatter.add.f32 [tilespmem:s16], [sflag:$0x3], $0x80, s15, s12, $0xb8;
	[tilespmem:$0x18A80] =	vst v63  }
0xfa: {  	_ =	swait.ge [sflag:s10], $0x2800  }
0xfb: {  	s19 =	sshrl.u32 s17, $0x3;
	[sflag:s10] =	ssyncset.done $0x0  }
0xfc: {  	s20 =	sadd.s32 s5, s19;
	[sflag:s10] =	ssyncadd.s32 $0xFFFFD800  }
0xfd: {  	[tilespmem:s4], [sflag:$0x3] =	stream.linear.gather [hbm4b:s20+s4], $0x50, $0x38;
	[tilespmem:$0x18A80] =	vst v63  }
0xfe: {  	_ =	swait.ge [sflag:s10], $0x50  }
0xff: {  	[sflag:s10] =	ssyncset.done $0x0  }
0x100: {  	s19 =	sadd.s32 s6, s19;
	[sflag:s10] =	ssyncadd.s32 $0xFFFFFFB0  }
0x101: {  	[tilespmem:s11], [sflag:$0x3] =	stream.linear.gather [hbm4b:s19+s4], $0x50, $0x38;
	[tilespmem:$0x18A80] =	vst v63  }
0x102: {  	_ =	swait.ge [sflag:s10], $0x50  }
0x103: {  	[sflag:s10] =	ssyncset.done $0x0  }
0x104: {  	[sflag:s10] =	ssyncadd.s32 $0xFFFFFFB0  }
0x105: {  	[tilespmem:s9], [sflag:$0x1] =	stream.indirect.gather [hbm4b:s1+s12], $0x80, s4, s12, $0xb8;
	[tilespmem:$0x18A80] =	vst v63  }
0x106: {  	s19 =	sadd.s32 s18, s26  }
0x107: {  	[tilespmem:s14], [sflag:$0x3] =	stream.linear.gather [hbm4b:s19+s4], $0x50, $0x38;
	[tilespmem:$0x18A80] =	vst v63  }
0x108: {  	_ =	swait.ge [sflag:s10], $0x50  }
0x109: {  	[sflag:s10] =	ssyncset.done $0x0  }
.Ltmp2:
0x10a: {  	s18 =	sadd.s32 s18, s25;
	[sflag:s10] =	ssyncadd.s32 $0xFFFFFFB0;
	(pc) =	sbr.rel @p1 .LBB2_2-.Ltmp2, $4  }
0x10b: {  	[tilespmem:s15], [sflag:$0x3] =	stream.linear.gather [hbm4b:s18+s4], $0x50, $0x38;
	[tilespmem:$0x18A80] =	vst v63  }
0x10c: {  	_ =	swait.ge [sflag:s10], $0x50  }
0x10d: {  	[sflag:s10] =	ssyncset.done $0x0  }
0x10e: {  	s17 =	sadd.s32 $0xA0, s17;
	[sflag:s10] =	ssyncadd.s32 $0xFFFFFFB0  }
0x10f: {  	[tilespmem:s16], [sflag:$0x2] =	stream.indirect.gather [hbm4b:s1+s12], $0x80, s14, s12, $0xb8;
	[tilespmem:$0x18A80] =	vst v63  }
0x110: {  	_ =	swait.ge [sflag:s29], $0x2800  }
0x111: {  	[sflag:s29] =	ssyncset.done $0x0  }
0x112: {  	[sflag:s29] =	ssyncadd.s32 $0xFFFFD800  }
0x113: {  	[spmem:s2] =	stream.indirect.scatter.add.f32 [tilespmem:s9], [sflag:$0x3], $0x80, s11, s12, $0xb8;
	[tilespmem:$0x18A80] =	vst v63  }
0x114: {  	_ =	swait.ge [sflag:s10], $0x2800  }
0x115: {  	[sflag:s10] =	ssyncset.done $0x0  }
0x116: {  	[sflag:s10] =	ssyncadd.s32 $0xFFFFD800  }
0x117: {  	_ =	swait.ge [sflag:s31], $0x2800  }
0x118: {  	[sflag:s31] =	ssyncset.done $0x0  }
0x119: {  	[sflag:s31] =	ssyncadd.s32 $0xFFFFD800  }
0x11a: {  	[spmem:s2] =	stream.indirect.scatter.add.f32 [tilespmem:s16], [sflag:$0x3], $0x80, s15, s12, $0xb8;
	[tilespmem:$0x18A80] =	vst v63  }
0x11b: {  	_ =	swait.ge [sflag:s10], $0x2800  }
0x11c: {  	[sflag:s10] =	ssyncset.done $0x0  }
0x11d: {  	s3 =	rddreg [dreg:$0xb];
	[sflag:s10] =	ssyncadd.s32 $0xFFFFD800  }
0x11e: {  	[tilespmem:s4], [sflag:$0x3] =	stream.linear.gather [hbm4b:s3+s4], $0x50, $0x38;
	[tilespmem:$0x18A80] =	vst v63  }
0x11f: {  	_ =	swait.ge [sflag:s10], $0x50  }
0x120: {  	[sflag:s10] =	ssyncset.done $0x0  }
0x121: {  	s20 =	rddreg [dreg:$0xc];
	[sflag:s10] =	ssyncadd.s32 $0xFFFFFFB0  }
0x122: {  	[tilespmem:s11], [sflag:$0x3] =	stream.linear.gather [hbm4b:s20+s4], $0x50, $0x38;
	[tilespmem:$0x18A80] =	vst v63  }
0x123: {  	_ =	swait.ge [sflag:s10], $0x50  }
0x124: {  	[sflag:s10] =	ssyncset.done $0x0  }
0x125: {  	[sflag:s10] =	ssyncadd.s32 $0xFFFFFFB0  }
0x126: {  	[tilespmem:s9], [sflag:$0x1] =	stream.indirect.gather [hbm4b:s1+s12], $0x80, s4, s12, $0xb8;
	[tilespmem:$0x18A80] =	vst v63  }
0x127: {  	_ =	swait.ge [sflag:s29], $0x2800  }
0x128: {  	[sflag:s29] =	ssyncset.done $0x0  }
0x129: {  	[sflag:s29] =	ssyncadd.s32 $0xFFFFD800  }
0x12a: {  	[spmem:s2] =	stream.indirect.scatter.add.f32 [tilespmem:s9], [sflag:$0x3], $0x80, s11, s12, $0xb8;
	[tilespmem:$0x18A80] =	vst v63  }
.Ltmp3:
0x12b: {  	_ =	swait.ge [sflag:s10], $0x2800;
	(pc) =	sbr.rel @p0 .LBB2_5-.Ltmp3, $3  }
0x12c: {  	[sflag:s10] =	ssyncset.done $0x0  }
0x12d: {  	[sflag:s10] =	ssyncadd.s32 $0xFFFFD800  }
0x12e: {  	[bflag:$0x0] =	sbarrier.arrive $0xFFFF;
	_ =	sdelay $0x1  }
0x12f: {  	[tilespmem:s9], [sflag:$0x3] =	stream.linear.gather [spmem:s8], $0x2800, $0x38;
	[tilespmem:$0x18A80] =	vst v63  }
0x130: {  	_ =	swait.ge [sflag:s10], $0x2800  }
0x131: {  	[sflag:s10] =	ssyncset.done $0x0  }
0x132: {  	s3 =	rddreg [dreg:$0x9];
	[sflag:s10] =	ssyncadd.s32 $0xFFFFD800  }
0x133: {  	[hbm4b:s3+s4] =	stream.linear.scatter [tilespmem:s9], [sflag:$0x3], $0x2800, $0x38;
	[tilespmem:$0x18A80] =	vst v63  }
0x134: {  	_ =	swait.ge [sflag:s10], $0x2800  }
0x135: {  	[sflag:s10] =	ssyncset.done $0x0  }
0x136: {  	s19 =	rddreg [dreg:$0x17];
	[sflag:s10] =	ssyncadd.s32 $0xFFFFD800  }
0x137: {  	[tilespmem:s9], [sflag:$0x3] =	stream.linear.gather [spmem:s19], $0x2800, $0x38;
	[tilespmem:$0x18A80] =	vst v63  }
0x138: {  	_ =	swait.ge [sflag:s10], $0x2800  }
0x139: {  	[sflag:s10] =	ssyncset.done $0x0  }
0x13a: {  	s20 =	rddreg [dreg:$0x1e];
	[sflag:s10] =	ssyncadd.s32 $0xFFFFD800  }
0x13b: {  	[hbm4b:s20+s4] =	stream.linear.scatter [tilespmem:s9], [sflag:$0x3], $0x2800, $0x38;
	[tilespmem:$0x18A80] =	vst v63  }
0x13c: {  	_ =	swait.ge [sflag:s10], $0x2800  }
0x13d: {  	[sflag:s10] =	ssyncset.done $0x0  }
0x13e: {  	s17 =	rddreg [dreg:$0x18];
	[sflag:s10] =	ssyncadd.s32 $0xFFFFD800  }
0x13f: {  	[tilespmem:s9], [sflag:$0x3] =	stream.linear.gather [spmem:s17], $0x2800, $0x38;
	[tilespmem:$0x18A80] =	vst v63  }
0x140: {  	_ =	swait.ge [sflag:s10], $0x2800  }
0x141: {  	[sflag:s10] =	ssyncset.done $0x0  }
0x142: {  	s18 =	rddreg [dreg:$0x1f];
	[sflag:s10] =	ssyncadd.s32 $0xFFFFD800  }
0x143: {  	[hbm4b:s18+s4] =	stream.linear.scatter [tilespmem:s9], [sflag:$0x3], $0x2800, $0x38;
	[tilespmem:$0x18A80] =	vst v63  }
0x144: {  	_ =	swait.ge [sflag:s10], $0x2800  }
0x145: {  	[sflag:s10] =	ssyncset.done $0x0  }
0x146: {  	s19 =	rddreg [dreg:$0x19];
	[sflag:s10] =	ssyncadd.s32 $0xFFFFD800  }
0x147: {  	[tilespmem:s9], [sflag:$0x3] =	stream.linear.gather [spmem:s19], $0x2800, $0x38;
	[tilespmem:$0x18A80] =	vst v63  }
0x148: {  	_ =	swait.ge [sflag:s10], $0x2800  }
0x149: {  	s20 =	sld [smem:$0x7FA]  }
0x14a: {  	[sflag:s10] =	ssyncset.done $0x0  }
0x14b: {  	[sflag:s10] =	ssyncadd.s32 $0xFFFFD800  }
0x14c: {  	[hbm4b:s20+s4] =	stream.linear.scatter [tilespmem:s9], [sflag:$0x3], $0x2800, $0x38;
	[tilespmem:$0x18A80] =	vst v63  }
0x14d: {  	_ =	swait.ge [sflag:s10], $0x2800  }
0x14e: {  	[sflag:s10] =	ssyncset.done $0x0  }
0x14f: {  	s17 =	rddreg [dreg:$0x1a];
	[sflag:s10] =	ssyncadd.s32 $0xFFFFD800  }
0x150: {  	[tilespmem:s9], [sflag:$0x3] =	stream.linear.gather [spmem:s17], $0x2800, $0x38;
	[tilespmem:$0x18A80] =	vst v63  }
0x151: {  	_ =	swait.ge [sflag:s10], $0x2800  }
0x152: {  	s18 =	sld [smem:$0x7FB]  }
0x153: {  	[sflag:s10] =	ssyncset.done $0x0  }
0x154: {  	[sflag:s10] =	ssyncadd.s32 $0xFFFFD800  }
0x155: {  	[hbm4b:s18+s4] =	stream.linear.scatter [tilespmem:s9], [sflag:$0x3], $0x2800, $0x38;
	[tilespmem:$0x18A80] =	vst v63  }
0x156: {  	_ =	swait.ge [sflag:s10], $0x2800  }
0x157: {  	[sflag:s10] =	ssyncset.done $0x0  }
0x158: {  	s19 =	rddreg [dreg:$0x1b];
	[sflag:s10] =	ssyncadd.s32 $0xFFFFD800  }
0x159: {  	[tilespmem:s9], [sflag:$0x3] =	stream.linear.gather [spmem:s19], $0x2800, $0x38;
	[tilespmem:$0x18A80] =	vst v63  }
0x15a: {  	_ =	swait.ge [sflag:s10], $0x2800  }
0x15b: {  	s20 =	sld [smem:$0x7FC]  }
0x15c: {  	[sflag:s10] =	ssyncset.done $0x0  }
0x15d: {  	[sflag:s10] =	ssyncadd.s32 $0xFFFFD800  }
0x15e: {  	[hbm4b:s20+s4] =	stream.linear.scatter [tilespmem:s9], [sflag:$0x3], $0x2800, $0x38;
	[tilespmem:$0x18A80] =	vst v63  }
0x15f: {  	_ =	swait.ge [sflag:s10], $0x2800  }
0x160: {  	[sflag:s10] =	ssyncset.done $0x0  }
0x161: {  	s17 =	rddreg [dreg:$0x1d];
	[sflag:s10] =	ssyncadd.s32 $0xFFFFD800  }
0x162: {  	[tilespmem:s9], [sflag:$0x3] =	stream.linear.gather [spmem:s17], $0x2800, $0x38;
	[tilespmem:$0x18A80] =	vst v63  }
0x163: {  	_ =	swait.ge [sflag:s10], $0x2800  }
0x164: {  	s18 =	sld [smem:$0x7FD]  }
0x165: {  	[sflag:s10] =	ssyncset.done $0x0  }
0x166: {  	[sflag:s10] =	ssyncadd.s32 $0xFFFFD800  }
0x167: {  	[hbm4b:s18+s4] =	stream.linear.scatter [tilespmem:s9], [sflag:$0x3], $0x2800, $0x38;
	[tilespmem:$0x18A80] =	vst v63  }
0x168: {  	_ =	swait.ge [sflag:s10], $0x2800  }
0x169: {  	[sflag:s10] =	ssyncset.done $0x0  }
0x16a: {  	s19 =	rddreg [dreg:$0x15];
	[sflag:s10] =	ssyncadd.s32 $0xFFFFD800  }
0x16b: {  	[tilespmem:s9], [sflag:$0x3] =	stream.linear.gather [spmem:s19], $0x2000, $0x38;
	[tilespmem:$0x18A80] =	vst v63  }
0x16c: {  	_ =	swait.ge [sflag:s10], $0x2000  }
0x16d: {  	[sflag:s10] =	ssyncset.done $0x0  }
.Ltmp4:
0x16e: {  	s20 =	rddreg [dreg:$0x16];
	[sflag:s10] =	ssyncadd.s32 $0xFFFFE000;
	(pc) =	sbr.rel .LBB2_6-.Ltmp4, $4  }
0x16f: {  	[hbm4b:s20+s4] =	stream.linear.scatter [tilespmem:s9], [sflag:$0x3], $0x2000, $0x38;
	[tilespmem:$0x18A80] =	vst v63  }
0x170: {  	_ =	swait.ge [sflag:s10], $0x2000  }
0x171: {  	[sflag:s10] =	ssyncset.done $0x0  }
0x172: {  	[sflag:s10] =	ssyncadd.s32 $0xFFFFE000  }
.LBB2_7:
0x173: {  	_ =	sfence.sel $0x180000  }
0x174: {  	[bflag:$0x0] =	sbarrier.arrive $0xFFFF  }
0x175: {  	_ =	strace $0x90000047  }
0x176: {  	s0 =	stileid.u32;
	[bflag:$0x2] =	sbarrier.arrive $0xFFFF  }
0x177: {  	p0 =	sne.s32 s0, $0x0;
	s0 =	rddreg [dreg:$0x3]  }
0x178: {  	s0 =	sadd.s32 @!p0 $0x100000, s0  }
0x179: {  	[sflag:s0] =	ssyncadd.tile.s32 @!p0 $0x1;
	_ =	shalt  }
.Lfunc_end2:
_tile_overlayer_lowered:
.L_overlay_start_2:
0x17a: {  	(tag) =	ssettag $0x2  }
0x17b: {  	s0 =	rddreg [dreg:$0x0];
	s2 =	stileid.u32  }
0x17c: {  	s1 =	rddreg [dreg:$0x1];
	p0 =	sne.s32 s2, $0x0  }
0x17d: {  	s3 =	rddreg [dreg:$0x2];
	[bflag:$0x3] =	sbarrier.arrive $0xFFFF;
	s2 =	simm.s32 @!p0 $0x1C03  }
0x17e: {  	[timem:s3], [sflag:s2] =	dma.local @!p0 [hbm:s0], s1  }
0x17f: {  	s0 =	simm.s32 @!p0 $0x3  }
0x180: {  	_ =	swait.ge @!p0 [sflag:s0], s1  }
0x181: {  	s1 =	ssub.s32 @!p0 $0x0, s1;
	[sflag:s0] =	ssyncset.done @!p0 $0x0  }
0x182: {  	[sflag:s0] =	ssyncadd.s32 @!p0 s1  }
0x183: {  	[bflag:$0x3] =	sbarrier.arrive $0xFFFF  }
0x184: {  	_ =	shalt  }

</sc_bundles>
